<compile_context>
chip_gen: v7x
topology: tpu7x:2x2x1
jax: 0.10.2.dev20260603
libtpu: 0.0.44.dev20260713+nightly
codegen_flags: <defaults>
</compile_context>

<pallas_src>
import jax
import jax.numpy as jnp
from jax import lax
from jax.experimental import pallas as pl
from jax.experimental.pallas import tpu as pltpu
from jax.experimental.pallas import tpu_sc as plsc

N_POINTS = 819200
N_GRID = 2048
N_BASIS = 64
LANES = 16
CHUNK = 320

NUM_CORES = 2
NUM_SUBCORES = 16


def _prep_body(i_ref, td_ref):
    g = i_ref[...]
    g_next = jnp.concatenate([g[1:, :], g[N_GRID - 1:, :]], axis=0)
    td_ref[...] = jnp.concatenate([g, g_next - g], axis=1)


def _prep_table(I_grid):
    return pl.pallas_call(
        _prep_body,
        out_shape=jax.ShapeDtypeStruct((N_GRID, 2 * N_BASIS), jnp.float32),
    )(I_grid)


def _make_sc_interp(n_points, n_grid, n_basis, chunk):
    nw = NUM_CORES * NUM_SUBCORES
    pts_per_w = n_points // nw
    n_iters = pts_per_w // chunk
    assert n_iters % 2 == 0
    ns = NUM_SUBCORES

    def body(t_hbm, td_hbm, out_hbm,
             t_v0, t_v1, idx_v0, idx_v1, w_v0, w_v1, g_v0, g_v1,
             tsem0, tsem1, gsem0, gsem1, osem0, osem1):
        t_vs = [t_v0, t_v1]
        idx_vs = [idx_v0, idx_v1]
        w_vs = [w_v0, w_v1]
        g_vs = [g_v0, g_v1]
        tsem = [tsem0, tsem1]
        gsem = [gsem0, gsem1]
        osem = [osem0, osem1]

        wid = lax.axis_index("c") * ns + lax.axis_index("s")
        base_w = wid * pts_per_w

        def t_slice(it):
            return t_hbm.at[pl.ds(base_w + it * chunk, chunk)]

        def out_slice(it):
            return out_hbm.at[pl.ds(base_w + it * chunk, chunk),
                              pl.ds(0, n_basis)]

        def o_src(s):
            return g_vs[s].at[:, pl.ds(0, n_basis)]

        def idx_compute(s):
            t_v, idx_v, w_v = t_vs[s], idx_vs[s], w_vs[s]

            def idx_body(j, c):
                sl = pl.ds(j * LANES, LANES)
                tt = t_v[sl]
                u = jnp.clip(tt * float(n_grid - 1), 0.0, float(n_grid - 1))
                i0 = u.astype(jnp.int32)
                idx_v[sl] = i0
                w_v[sl] = u - i0.astype(jnp.float32)
                return c

            lax.fori_loop(0, chunk // LANES, idx_body, 0, unroll=4)

        def interp(s):
            w_v, g_v = w_vs[s], g_vs[s]

            def pt_body(p, c):
                w = w_v[pl.ds(p, LANES)][0]
                for f in range(n_basis // LANES):
                    a = g_v[p, pl.ds(f * LANES, LANES)]
                    d = g_v[p, pl.ds(n_basis + f * LANES, LANES)]
                    g_v[p, pl.ds(f * LANES, LANES)] = a + w * d
                return c

            lax.fori_loop(0, chunk, pt_body, 0, unroll=8)

        pltpu.async_copy(t_slice(0), t_vs[0], tsem[0])
        pltpu.async_copy(t_slice(1), t_vs[1], tsem[1])
        pltpu.make_async_copy(t_slice(0), t_vs[0], tsem[0]).wait()
        idx_compute(0)
        pltpu.async_copy(td_hbm.at[idx_vs[0]], g_vs[0], gsem[0])

        def pair_body(q, carry):
            for b in (0, 1):
                it = 2 * q + b
                s, nxt = b, 1 - b

                @pl.when(it + 1 < n_iters)
                def _():
                    pltpu.make_async_copy(
                        t_slice(it + 1), t_vs[nxt], tsem[nxt]).wait()
                    idx_compute(nxt)

                    @pl.when(it >= 1)
                    def _():
                        pltpu.make_async_copy(
                            o_src(nxt), out_slice(it - 1), osem[nxt]).wait()

                    pltpu.async_copy(
                        td_hbm.at[idx_vs[nxt]], g_vs[nxt], gsem[nxt])

                @pl.when(it + 2 < n_iters)
                def _():
                    pltpu.async_copy(t_slice(it + 2), t_vs[s], tsem[s])

                pltpu.make_async_copy(
                    td_hbm.at[idx_vs[s]], g_vs[s], gsem[s]).wait()

                interp(s)
                pltpu.async_copy(o_src(s), out_slice(it), osem[s])
            return carry

        lax.fori_loop(0, n_iters // 2, pair_body, 0)

        pltpu.make_async_copy(o_src(0), out_slice(n_iters - 2), osem[0]).wait()
        pltpu.make_async_copy(o_src(1), out_slice(n_iters - 1), osem[1]).wait()

    return pl.kernel(
        body,
        out_type=jax.ShapeDtypeStruct((n_points, 2 * n_basis), jnp.float32),
        mesh=plsc.VectorSubcoreMesh(core_axis_name="c", subcore_axis_name="s",
                                    num_cores=NUM_CORES,
                                    num_subcores=NUM_SUBCORES),
        scratch_types=[
            pltpu.VMEM((chunk,), jnp.float32),
            pltpu.VMEM((chunk,), jnp.float32),
            pltpu.VMEM((chunk,), jnp.int32),
            pltpu.VMEM((chunk,), jnp.int32),
            pltpu.VMEM((chunk + LANES,), jnp.float32),
            pltpu.VMEM((chunk + LANES,), jnp.float32),
            pltpu.VMEM((chunk, 2 * n_basis), jnp.float32),
            pltpu.VMEM((chunk, 2 * n_basis), jnp.float32),
            pltpu.SemaphoreType.DMA,
            pltpu.SemaphoreType.DMA,
            pltpu.SemaphoreType.DMA,
            pltpu.SemaphoreType.DMA,
            pltpu.SemaphoreType.DMA,
            pltpu.SemaphoreType.DMA,
        ],
        compiler_params=pltpu.CompilerParams(use_tc_tiling_on_sc=False),
    )


@jax.jit
def kernel(t, I_grid):
    td = _prep_table(I_grid)
    run = _make_sc_interp(N_POINTS, N_GRID, N_BASIS, CHUNK)
    out128 = run(t.reshape(-1), td)
    return out128[:, :N_BASIS]

# --- scband reference (transcript-rebuilt; emitter-appended) ---
"""Pipeline reference for scband-ispline-basis-25649544692080 (READ-ONLY COPY).

The authoritative reference and input builder live on the scoring server;
editing this copy changes nothing except your own understanding.
"""

import jax, jax.numpy as jnp
import numpy as np

N_BASIS = 64
DEGREE = 3
N_GRID = 2048


def _bspline_basis_grid(knots, degree, grid):
    G = grid.shape[0]
    M = knots.shape[0] - degree - 1
    Bk = np.zeros((G, M), dtype=np.float64)
    for i in range(M):
        left, right = knots[i], knots[i + 1]
        cond = (grid >= left) & (grid < right)
        if i == M - 1:
            cond = cond | (grid == right)
        Bk[:, i] = cond.astype(np.float64)
    for k in range(1, degree + 1):
        Bk_next = np.zeros_like(Bk)
        for i in range(M):
            term1 = np.zeros(G, dtype=np.float64)
            denom1 = knots[i + k] - knots[i]
            if denom1 > 0:
                term1 = (grid - knots[i]) / denom1 * Bk[:, i]
            term2 = np.zeros(G, dtype=np.float64)
            if i + 1 < M:
                denom2 = knots[i + k + 1] - knots[i + 1]
                if denom2 > 0:
                    term2 = (knots[i + k + 1] - grid) / denom2 * Bk[:, i + 1]
            Bk_next[:, i] = term1 + term2
        Bk = Bk_next
    return Bk


def _build_I_grid():
    n_knots = N_BASIS + DEGREE + 1
    interior = max(0, n_knots - 2 * (DEGREE + 1))
    if interior > 0:
        interior_knots = np.linspace(0.0, 1.0, interior + 2, dtype=np.float64)[1:-1]
    else:
        interior_knots = np.empty(0, dtype=np.float64)
    knots = np.concatenate([
        np.zeros(DEGREE + 1, dtype=np.float64),
        interior_knots,
        np.ones(DEGREE + 1, dtype=np.float64),
    ])
    grid = np.linspace(0.0, 1.0, N_GRID, dtype=np.float64)
    B_grid = _bspline_basis_grid(knots, DEGREE, grid)
    denom = np.clip(knots[DEGREE + 1:DEGREE + 1 + N_BASIS] - knots[:N_BASIS], 1e-8, None)
    M_grid = (DEGREE + 1) * B_grid / denom
    dx = 1.0 / (N_GRID - 1)
    I_grid = np.zeros_like(M_grid)
    I_grid[1:, :] = np.cumsum(0.5 * (M_grid[1:, :] + M_grid[:-1, :]) * dx, axis=0)
    I_grid = I_grid / np.clip(I_grid[-1, :], 1e-8, None)
    return I_grid.astype(np.float32)


def setup_inputs(seed: int = 0) -> dict:
    key = jax.random.key(seed)
    t = jax.random.uniform(key, (819200,), dtype=jnp.float32)
    I_grid = jnp.asarray(_build_I_grid())
    return {"t": t, "I_grid": I_grid}


def reference(t, I_grid):
    n_grid = I_grid.shape[0]
    tt = t.reshape(-1)
    u = jnp.clip(tt * (n_grid - 1), 0.0, float(n_grid - 1))
    i0 = jnp.floor(u).astype(jnp.int32)
    i1 = jnp.minimum(i0 + 1, n_grid - 1)
    w = (u - i0.astype(jnp.float32))[:, None]
    g0 = jnp.take(I_grid, i0, axis=0)
    g1 = jnp.take(I_grid, i1, axis=0)
    return (1.0 - w) * g0 + w * g1

if __name__ == "__main__":
    import jax
    _d = setup_inputs()
    print(jax.jit(kernel)(*tuple(_d.values())))

</pallas_src>

<mosaic_0001>
#map = affine_map<(d0, d1) -> (0)>
#map1 = affine_map<(d0, d1) -> (0, 0)>
module attributes {stable_mosaic.version = 14 : i64} {
  func.func @body(%arg0: i32, %arg1: i32, %arg2: memref<819200xf32, #tpu.memory_space<hbm>>, %arg3: memref<2048x128xf32, #tpu.memory_space<hbm>>, %arg4: memref<819200x128xf32, #tpu.memory_space<hbm>>, %arg5: memref<320xf32, #tpu.memory_space<vmem>>, %arg6: memref<320xf32, #tpu.memory_space<vmem>>, %arg7: memref<320xi32, #tpu.memory_space<vmem>>, %arg8: memref<320xi32, #tpu.memory_space<vmem>>, %arg9: memref<336xf32, #tpu.memory_space<vmem>>, %arg10: memref<336xf32, #tpu.memory_space<vmem>>, %arg11: memref<320x128xf32, #tpu.memory_space<vmem>>, %arg12: memref<320x128xf32, #tpu.memory_space<vmem>>, %arg13: memref<!tpu.dma_semaphore, #tpu.memory_space<semaphore_mem>>, %arg14: memref<!tpu.dma_semaphore, #tpu.memory_space<semaphore_mem>>, %arg15: memref<!tpu.dma_semaphore, #tpu.memory_space<semaphore_mem>>, %arg16: memref<!tpu.dma_semaphore, #tpu.memory_space<semaphore_mem>>, %arg17: memref<!tpu.dma_semaphore, #tpu.memory_space<semaphore_mem>>, %arg18: memref<!tpu.dma_semaphore, #tpu.memory_space<semaphore_mem>>) attributes {dimension_semantics = [#tpu.dimension_semantics<core_parallel>, #tpu.dimension_semantics<subcore_parallel>], iteration_bounds = array<i64: 2, 16>, scalar_prefetch = 0 : i64, scratch_operands = 14 : i64, tpu.core_type = #tpu.core_type<sc_vector_subcore>, window_params = [{transform_indices = #map}, {transform_indices = #map1}, {transform_indices = #map1}]} {
    %mul3A = arith.constant 16 : i32
    %mul3A_0 = arith.muli %arg0, %mul3A : i32
    %add3A = arith.addi %mul3A_0, %arg1 : i32
    %mul3A_1 = arith.constant 25600 : i32
    %mul3A_2 = arith.muli %add3A, %mul3A_1 : i32
    %add3A_3 = arith.constant 0 : i32
    %add3A_4 = arith.addi %mul3A_2, %add3A_3 : i32
    %dma_start3A = tpu.memref_slice %arg2[%add3A_4] : memref<819200xf32, #tpu.memory_space<hbm>> -> memref<320xf32, #tpu.memory_space<hbm>>
    %dma_start3A_5 = tpu.memref_slice %arg2[%add3A_4] : memref<819200xf32, #tpu.memory_space<hbm>> -> memref<320xf32, #tpu.memory_space<hbm>>
    tpu.enqueue_dma source(%dma_start3A_5 : memref<320xf32, #tpu.memory_space<hbm>>) target(%arg5 : memref<320xf32, #tpu.memory_space<vmem>>) target_semaphore(%arg13 : memref<!tpu.dma_semaphore, #tpu.memory_space<semaphore_mem>>)
    %add3A_6 = arith.constant 320 : i32
    %add3A_7 = arith.addi %mul3A_2, %add3A_6 : i32
    %dma_start3A_8 = tpu.memref_slice %arg2[%add3A_7] : memref<819200xf32, #tpu.memory_space<hbm>> -> memref<320xf32, #tpu.memory_space<hbm>>
    %dma_start3A_9 = tpu.memref_slice %arg2[%add3A_7] : memref<819200xf32, #tpu.memory_space<hbm>> -> memref<320xf32, #tpu.memory_space<hbm>>
    tpu.enqueue_dma source(%dma_start3A_9 : memref<320xf32, #tpu.memory_space<hbm>>) target(%arg6 : memref<320xf32, #tpu.memory_space<vmem>>) target_semaphore(%arg14 : memref<!tpu.dma_semaphore, #tpu.memory_space<semaphore_mem>>)
    %add3A_10 = arith.constant 0 : i32
    %add3A_11 = arith.addi %mul3A_2, %add3A_10 : i32
    %dma_wait3A = tpu.memref_slice %arg2[%add3A_11] : memref<819200xf32, #tpu.memory_space<hbm>> -> memref<320xf32, #tpu.memory_space<hbm>>
    %dma_wait3A_12 = tpu.memref_slice %arg2[%add3A_11] : memref<819200xf32, #tpu.memory_space<hbm>> -> memref<320xf32, #tpu.memory_space<hbm>>
    tpu.wait_dma2 semaphore(%arg13 : memref<!tpu.dma_semaphore, #tpu.memory_space<semaphore_mem>>) src(%dma_wait3A_12 : memref<320xf32, #tpu.memory_space<hbm>>) dst(%arg5 : memref<320xf32, #tpu.memory_space<vmem>>)
    %scan3A = arith.constant 0 : i32
    %scan3A_13 = arith.constant 0 : i32
    %scan3A_14 = arith.constant 20 : i32
    %scan3A_15 = arith.addi %scan3A_13, %scan3A_14 : i32
    %scan3A_16 = arith.constant 4 : i32
    scf.for %scan3A_51 = %scan3A_13 to %scan3A_15 step %scan3A_16  : i32 {
      %mul3A_52 = arith.constant 16 : i32
      %mul3A_53 = arith.muli %scan3A_51, %mul3A_52 : i32
      %get3A = arith.index_cast %mul3A_53 : i32 to index
      %get3A_54 = tpu.vector_load %arg5[%get3A] {strides = array<i32>} : memref<320xf32, #tpu.memory_space<vmem>>, vector<16xf32>,
      %get3A_55 = vector.shape_cast %get3A_54 : vector<16xf32> to vector<16xf32>
      %mul3A_56 = arith.constant 2.047000e+03 : f32
      %mul3A_57 = vector.broadcast %mul3A_56 : f32 to vector<16xf32>
      %mul3A_58 = arith.mulf %get3A_55, %mul3A_57 : vector<16xf32>
      %jit3A = arith.constant 0.000000e+00 : f32
      %jit3A_59 = arith.constant 2.047000e+03 : f32
      %max3A = vector.broadcast %jit3A : f32 to vector<16xf32>
      %max3A_60 = arith.maximumf %max3A, %mul3A_58 : vector<16xf32>
      %min3A = vector.broadcast %jit3A_59 : f32 to vector<16xf32>
      %min3A_61 = arith.minimumf %min3A, %max3A_60 : vector<16xf32>
      %convert_element_type3A = arith.fptosi %min3A_61 : vector<16xf32> to vector<16xi32>
      %swap3A = arith.index_cast %mul3A_53 : i32 to index
      %swap3A_62 = tpu.vector_load %arg7[%swap3A] {strides = array<i32>} : memref<320xi32, #tpu.memory_space<vmem>>, vector<16xi32>,
      %swap3A_63 = vector.shape_cast %swap3A_62 : vector<16xi32> to vector<16xi32>
      %swap3A_64 = vector.shape_cast %convert_element_type3A : vector<16xi32> to vector<16xi32>
      tpu.vector_store %arg7[%swap3A], %swap3A_64 {strides = array<i32>} : memref<320xi32, #tpu.memory_space<vmem>>, vector<16xi32>,
      %convert_element_type3A_65 = arith.sitofp %convert_element_type3A : vector<16xi32> to vector<16xf32>
      %sub3A = arith.subf %min3A_61, %convert_element_type3A_65 : vector<16xf32>
      %swap3A_66 = arith.index_cast %mul3A_53 : i32 to index
      %swap3A_67 = tpu.vector_load %arg9[%swap3A_66] {strides = array<i32>} : memref<336xf32, #tpu.memory_space<vmem>>, vector<16xf32>,
      %swap3A_68 = vector.shape_cast %swap3A_67 : vector<16xf32> to vector<16xf32>
      %swap3A_69 = vector.shape_cast %sub3A : vector<16xf32> to vector<16xf32>
      tpu.vector_store %arg9[%swap3A_66], %swap3A_69 {strides = array<i32>} : memref<336xf32, #tpu.memory_space<vmem>>, vector<16xf32>,
      %scan3A_70 = arith.constant 1 : i32
      %scan3A_71 = arith.addi %scan3A_51, %scan3A_70 : i32
      %mul3A_72 = arith.constant 16 : i32
      %mul3A_73 = arith.muli %scan3A_71, %mul3A_72 : i32
      %get3A_74 = arith.index_cast %mul3A_73 : i32 to index
      %get3A_75 = tpu.vector_load %arg5[%get3A_74] {strides = array<i32>} : memref<320xf32, #tpu.memory_space<vmem>>, vector<16xf32>,
      %get3A_76 = vector.shape_cast %get3A_75 : vector<16xf32> to vector<16xf32>
      %mul3A_77 = arith.constant 2.047000e+03 : f32
      %mul3A_78 = vector.broadcast %mul3A_77 : f32 to vector<16xf32>
      %mul3A_79 = arith.mulf %get3A_76, %mul3A_78 : vector<16xf32>
      %jit3A_80 = arith.constant 0.000000e+00 : f32
      %jit3A_81 = arith.constant 2.047000e+03 : f32
      %max3A_82 = vector.broadcast %jit3A_80 : f32 to vector<16xf32>
      %max3A_83 = arith.maximumf %max3A_82, %mul3A_79 : vector<16xf32>
      %min3A_84 = vector.broadcast %jit3A_81 : f32 to vector<16xf32>
      %min3A_85 = arith.minimumf %min3A_84, %max3A_83 : vector<16xf32>
      %convert_element_type3A_86 = arith.fptosi %min3A_85 : vector<16xf32> to vector<16xi32>
      %swap3A_87 = arith.index_cast %mul3A_73 : i32 to index
      %swap3A_88 = tpu.vector_load %arg7[%swap3A_87] {strides = array<i32>} : memref<320xi32, #tpu.memory_space<vmem>>, vector<16xi32>,
      %swap3A_89 = vector.shape_cast %swap3A_88 : vector<16xi32> to vector<16xi32>
      %swap3A_90 = vector.shape_cast %convert_element_type3A_86 : vector<16xi32> to vector<16xi32>
      tpu.vector_store %arg7[%swap3A_87], %swap3A_90 {strides = array<i32>} : memref<320xi32, #tpu.memory_space<vmem>>, vector<16xi32>,
      %convert_element_type3A_91 = arith.sitofp %convert_element_type3A_86 : vector<16xi32> to vector<16xf32>
      %sub3A_92 = arith.subf %min3A_85, %convert_element_type3A_91 : vector<16xf32>
      %swap3A_93 = arith.index_cast %mul3A_73 : i32 to index
      %swap3A_94 = tpu.vector_load %arg9[%swap3A_93] {strides = array<i32>} : memref<336xf32, #tpu.memory_space<vmem>>, vector<16xf32>,
      %swap3A_95 = vector.shape_cast %swap3A_94 : vector<16xf32> to vector<16xf32>
      %swap3A_96 = vector.shape_cast %sub3A_92 : vector<16xf32> to vector<16xf32>
      tpu.vector_store %arg9[%swap3A_93], %swap3A_96 {strides = array<i32>} : memref<336xf32, #tpu.memory_space<vmem>>, vector<16xf32>,
      %scan3A_97 = arith.constant 2 : i32
      %scan3A_98 = arith.addi %scan3A_51, %scan3A_97 : i32
      %mul3A_99 = arith.constant 16 : i32
      %mul3A_100 = arith.muli %scan3A_98, %mul3A_99 : i32
      %get3A_101 = arith.index_cast %mul3A_100 : i32 to index
      %get3A_102 = tpu.vector_load %arg5[%get3A_101] {strides = array<i32>} : memref<320xf32, #tpu.memory_space<vmem>>, vector<16xf32>,
      %get3A_103 = vector.shape_cast %get3A_102 : vector<16xf32> to vector<16xf32>
      %mul3A_104 = arith.constant 2.047000e+03 : f32
      %mul3A_105 = vector.broadcast %mul3A_104 : f32 to vector<16xf32>
      %mul3A_106 = arith.mulf %get3A_103, %mul3A_105 : vector<16xf32>
      %jit3A_107 = arith.constant 0.000000e+00 : f32
      %jit3A_108 = arith.constant 2.047000e+03 : f32
      %max3A_109 = vector.broadcast %jit3A_107 : f32 to vector<16xf32>
      %max3A_110 = arith.maximumf %max3A_109, %mul3A_106 : vector<16xf32>
      %min3A_111 = vector.broadcast %jit3A_108 : f32 to vector<16xf32>
      %min3A_112 = arith.minimumf %min3A_111, %max3A_110 : vector<16xf32>
      %convert_element_type3A_113 = arith.fptosi %min3A_112 : vector<16xf32> to vector<16xi32>
      %swap3A_114 = arith.index_cast %mul3A_100 : i32 to index
      %swap3A_115 = tpu.vector_load %arg7[%swap3A_114] {strides = array<i32>} : memref<320xi32, #tpu.memory_space<vmem>>, vector<16xi32>,
      %swap3A_116 = vector.shape_cast %swap3A_115 : vector<16xi32> to vector<16xi32>
      %swap3A_117 = vector.shape_cast %convert_element_type3A_113 : vector<16xi32> to vector<16xi32>
      tpu.vector_store %arg7[%swap3A_114], %swap3A_117 {strides = array<i32>} : memref<320xi32, #tpu.memory_space<vmem>>, vector<16xi32>,
      %convert_element_type3A_118 = arith.sitofp %convert_element_type3A_113 : vector<16xi32> to vector<16xf32>
      %sub3A_119 = arith.subf %min3A_112, %convert_element_type3A_118 : vector<16xf32>
      %swap3A_120 = arith.index_cast %mul3A_100 : i32 to index
      %swap3A_121 = tpu.vector_load %arg9[%swap3A_120] {strides = array<i32>} : memref<336xf32, #tpu.memory_space<vmem>>, vector<16xf32>,
      %swap3A_122 = vector.shape_cast %swap3A_121 : vector<16xf32> to vector<16xf32>
      %swap3A_123 = vector.shape_cast %sub3A_119 : vector<16xf32> to vector<16xf32>
      tpu.vector_store %arg9[%swap3A_120], %swap3A_123 {strides = array<i32>} : memref<336xf32, #tpu.memory_space<vmem>>, vector<16xf32>,
      %scan3A_124 = arith.constant 3 : i32
      %scan3A_125 = arith.addi %scan3A_51, %scan3A_124 : i32
      %mul3A_126 = arith.constant 16 : i32
      %mul3A_127 = arith.muli %scan3A_125, %mul3A_126 : i32
      %get3A_128 = arith.index_cast %mul3A_127 : i32 to index
      %get3A_129 = tpu.vector_load %arg5[%get3A_128] {strides = array<i32>} : memref<320xf32, #tpu.memory_space<vmem>>, vector<16xf32>,
      %get3A_130 = vector.shape_cast %get3A_129 : vector<16xf32> to vector<16xf32>
      %mul3A_131 = arith.constant 2.047000e+03 : f32
      %mul3A_132 = vector.broadcast %mul3A_131 : f32 to vector<16xf32>
      %mul3A_133 = arith.mulf %get3A_130, %mul3A_132 : vector<16xf32>
      %jit3A_134 = arith.constant 0.000000e+00 : f32
      %jit3A_135 = arith.constant 2.047000e+03 : f32
      %max3A_136 = vector.broadcast %jit3A_134 : f32 to vector<16xf32>
      %max3A_137 = arith.maximumf %max3A_136, %mul3A_133 : vector<16xf32>
      %min3A_138 = vector.broadcast %jit3A_135 : f32 to vector<16xf32>
      %min3A_139 = arith.minimumf %min3A_138, %max3A_137 : vector<16xf32>
      %convert_element_type3A_140 = arith.fptosi %min3A_139 : vector<16xf32> to vector<16xi32>
      %swap3A_141 = arith.index_cast %mul3A_127 : i32 to index
      %swap3A_142 = tpu.vector_load %arg7[%swap3A_141] {strides = array<i32>} : memref<320xi32, #tpu.memory_space<vmem>>, vector<16xi32>,
      %swap3A_143 = vector.shape_cast %swap3A_142 : vector<16xi32> to vector<16xi32>
      %swap3A_144 = vector.shape_cast %convert_element_type3A_140 : vector<16xi32> to vector<16xi32>
      tpu.vector_store %arg7[%swap3A_141], %swap3A_144 {strides = array<i32>} : memref<320xi32, #tpu.memory_space<vmem>>, vector<16xi32>,
      %convert_element_type3A_145 = arith.sitofp %convert_element_type3A_140 : vector<16xi32> to vector<16xf32>
      %sub3A_146 = arith.subf %min3A_139, %convert_element_type3A_145 : vector<16xf32>
      %swap3A_147 = arith.index_cast %mul3A_127 : i32 to index
      %swap3A_148 = tpu.vector_load %arg9[%swap3A_147] {strides = array<i32>} : memref<336xf32, #tpu.memory_space<vmem>>, vector<16xf32>,
      %swap3A_149 = vector.shape_cast %swap3A_148 : vector<16xf32> to vector<16xf32>
      %swap3A_150 = vector.shape_cast %sub3A_146 : vector<16xf32> to vector<16xf32>
      tpu.vector_store %arg9[%swap3A_147], %swap3A_150 {strides = array<i32>} : memref<336xf32, #tpu.memory_space<vmem>>, vector<16xf32>,
    }
    %scan3A_17 = arith.constant 20 : i32
    %dma_start3A_18 = arith.constant 0 : i32
    %dma_start3A_19 = arith.constant 0 : i32
    %dma_start3A_20 = tpu.memref_slice %arg3[%dma_start3A_18, %dma_start3A_19] : memref<2048x128xf32, #tpu.memory_space<hbm>> -> memref<2048x128xf32, #tpu.memory_space<hbm>>
    tpu.enqueue_indirect_dma source(%dma_start3A_20 : memref<2048x128xf32, #tpu.memory_space<hbm>>) target(%arg11 : memref<320x128xf32, #tpu.memory_space<vmem>>) offsets(%arg7 : memref<320xi32, #tpu.memory_space<vmem>>) semaphore(%arg15 : memref<!tpu.dma_semaphore, #tpu.memory_space<semaphore_mem>>)
    %scan3A_21 = arith.constant 0 : i32
    %scan3A_22 = arith.constant 0 : i32
    %scan3A_23 = arith.constant 40 : i32
    %scan3A_24 = arith.addi %scan3A_22, %scan3A_23 : i32
    %scan3A_25 = arith.constant 1 : i32
    scf.for %scan3A_51 = %scan3A_22 to %scan3A_24 step %scan3A_25  : i32 {
      %mul3A_52 = arith.constant 2 : i32
      %mul3A_53 = arith.muli %mul3A_52, %scan3A_51 : i32
      %add3A_54 = arith.constant 0 : i32
      %add3A_55 = arith.addi %mul3A_53, %add3A_54 : i32
      %add3A_56 = arith.constant 1 : i32
      %add3A_57 = arith.addi %add3A_55, %add3A_56 : i32
      %lt3A = arith.constant 80 : i32
      %lt3A_58 = arith.cmpi slt, %add3A_57, %lt3A : i32
      %convert_element_type3A = arith.extui %lt3A_58 : i1 to i32
      %cond3A = arith.constant 0 : i32
      %cond3A_59 = arith.cmpi ne, %convert_element_type3A, %cond3A : i32
      scf.if %cond3A_59 {
        %add3A_129 = arith.constant 1 : i32
        %add3A_130 = arith.addi %add3A_55, %add3A_129 : i32
        %mul3A_131 = arith.constant 320 : i32
        %mul3A_132 = arith.muli %add3A_130, %mul3A_131 : i32
        %add3A_133 = arith.addi %mul3A_2, %mul3A_132 : i32
        %dma_wait3A_134 = tpu.memref_slice %arg2[%add3A_133] : memref<819200xf32, #tpu.memory_space<hbm>> -> memref<320xf32, #tpu.memory_space<hbm>>
        %dma_wait3A_135 = tpu.memref_slice %arg2[%add3A_133] : memref<819200xf32, #tpu.memory_space<hbm>> -> memref<320xf32, #tpu.memory_space<hbm>>
        tpu.wait_dma2 semaphore(%arg14 : memref<!tpu.dma_semaphore, #tpu.memory_space<semaphore_mem>>) src(%dma_wait3A_135 : memref<320xf32, #tpu.memory_space<hbm>>) dst(%arg6 : memref<320xf32, #tpu.memory_space<vmem>>)
        %scan3A_136 = arith.constant 0 : i32
        %scan3A_137 = arith.constant 0 : i32
        %scan3A_138 = arith.constant 20 : i32
        %scan3A_139 = arith.addi %scan3A_137, %scan3A_138 : i32
        %scan3A_140 = arith.constant 4 : i32
        scf.for %scan3A_149 = %scan3A_137 to %scan3A_139 step %scan3A_140  : i32 {
          %mul3A_150 = arith.constant 16 : i32
          %mul3A_151 = arith.muli %scan3A_149, %mul3A_150 : i32
          %get3A = arith.index_cast %mul3A_151 : i32 to index
          %get3A_152 = tpu.vector_load %arg6[%get3A] {strides = array<i32>} : memref<320xf32, #tpu.memory_space<vmem>>, vector<16xf32>,
          %get3A_153 = vector.shape_cast %get3A_152 : vector<16xf32> to vector<16xf32>
          %mul3A_154 = arith.constant 2.047000e+03 : f32
          %mul3A_155 = vector.broadcast %mul3A_154 : f32 to vector<16xf32>
          %mul3A_156 = arith.mulf %get3A_153, %mul3A_155 : vector<16xf32>
          %jit3A = arith.constant 0.000000e+00 : f32
          %jit3A_157 = arith.constant 2.047000e+03 : f32
          %max3A = vector.broadcast %jit3A : f32 to vector<16xf32>
          %max3A_158 = arith.maximumf %max3A, %mul3A_156 : vector<16xf32>
          %min3A = vector.broadcast %jit3A_157 : f32 to vector<16xf32>
          %min3A_159 = arith.minimumf %min3A, %max3A_158 : vector<16xf32>
          %convert_element_type3A_160 = arith.fptosi %min3A_159 : vector<16xf32> to vector<16xi32>
          %swap3A = arith.index_cast %mul3A_151 : i32 to index
          %swap3A_161 = tpu.vector_load %arg8[%swap3A] {strides = array<i32>} : memref<320xi32, #tpu.memory_space<vmem>>, vector<16xi32>,
          %swap3A_162 = vector.shape_cast %swap3A_161 : vector<16xi32> to vector<16xi32>
          %swap3A_163 = vector.shape_cast %convert_element_type3A_160 : vector<16xi32> to vector<16xi32>
          tpu.vector_store %arg8[%swap3A], %swap3A_163 {strides = array<i32>} : memref<320xi32, #tpu.memory_space<vmem>>, vector<16xi32>,
          %convert_element_type3A_164 = arith.sitofp %convert_element_type3A_160 : vector<16xi32> to vector<16xf32>
          %sub3A = arith.subf %min3A_159, %convert_element_type3A_164 : vector<16xf32>
          %swap3A_165 = arith.index_cast %mul3A_151 : i32 to index
          %swap3A_166 = tpu.vector_load %arg10[%swap3A_165] {strides = array<i32>} : memref<336xf32, #tpu.memory_space<vmem>>, vector<16xf32>,
          %swap3A_167 = vector.shape_cast %swap3A_166 : vector<16xf32> to vector<16xf32>
          %swap3A_168 = vector.shape_cast %sub3A : vector<16xf32> to vector<16xf32>
          tpu.vector_store %arg10[%swap3A_165], %swap3A_168 {strides = array<i32>} : memref<336xf32, #tpu.memory_space<vmem>>, vector<16xf32>,
          %scan3A_169 = arith.constant 1 : i32
          %scan3A_170 = arith.addi %scan3A_149, %scan3A_169 : i32
          %mul3A_171 = arith.constant 16 : i32
          %mul3A_172 = arith.muli %scan3A_170, %mul3A_171 : i32
          %get3A_173 = arith.index_cast %mul3A_172 : i32 to index
          %get3A_174 = tpu.vector_load %arg6[%get3A_173] {strides = array<i32>} : memref<320xf32, #tpu.memory_space<vmem>>, vector<16xf32>,
          %get3A_175 = vector.shape_cast %get3A_174 : vector<16xf32> to vector<16xf32>
          %mul3A_176 = arith.constant 2.047000e+03 : f32
          %mul3A_177 = vector.broadcast %mul3A_176 : f32 to vector<16xf32>
          %mul3A_178 = arith.mulf %get3A_175, %mul3A_177 : vector<16xf32>
          %jit3A_179 = arith.constant 0.000000e+00 : f32
          %jit3A_180 = arith.constant 2.047000e+03 : f32
          %max3A_181 = vector.broadcast %jit3A_179 : f32 to vector<16xf32>
          %max3A_182 = arith.maximumf %max3A_181, %mul3A_178 : vector<16xf32>
          %min3A_183 = vector.broadcast %jit3A_180 : f32 to vector<16xf32>
          %min3A_184 = arith.minimumf %min3A_183, %max3A_182 : vector<16xf32>
          %convert_element_type3A_185 = arith.fptosi %min3A_184 : vector<16xf32> to vector<16xi32>
          %swap3A_186 = arith.index_cast %mul3A_172 : i32 to index
          %swap3A_187 = tpu.vector_load %arg8[%swap3A_186] {strides = array<i32>} : memref<320xi32, #tpu.memory_space<vmem>>, vector<16xi32>,
          %swap3A_188 = vector.shape_cast %swap3A_187 : vector<16xi32> to vector<16xi32>
          %swap3A_189 = vector.shape_cast %convert_element_type3A_185 : vector<16xi32> to vector<16xi32>
          tpu.vector_store %arg8[%swap3A_186], %swap3A_189 {strides = array<i32>} : memref<320xi32, #tpu.memory_space<vmem>>, vector<16xi32>,
          %convert_element_type3A_190 = arith.sitofp %convert_element_type3A_185 : vector<16xi32> to vector<16xf32>
          %sub3A_191 = arith.subf %min3A_184, %convert_element_type3A_190 : vector<16xf32>
          %swap3A_192 = arith.index_cast %mul3A_172 : i32 to index
          %swap3A_193 = tpu.vector_load %arg10[%swap3A_192] {strides = array<i32>} : memref<336xf32, #tpu.memory_space<vmem>>, vector<16xf32>,
          %swap3A_194 = vector.shape_cast %swap3A_193 : vector<16xf32> to vector<16xf32>
          %swap3A_195 = vector.shape_cast %sub3A_191 : vector<16xf32> to vector<16xf32>
          tpu.vector_store %arg10[%swap3A_192], %swap3A_195 {strides = array<i32>} : memref<336xf32, #tpu.memory_space<vmem>>, vector<16xf32>,
          %scan3A_196 = arith.constant 2 : i32
          %scan3A_197 = arith.addi %scan3A_149, %scan3A_196 : i32
          %mul3A_198 = arith.constant 16 : i32
          %mul3A_199 = arith.muli %scan3A_197, %mul3A_198 : i32
          %get3A_200 = arith.index_cast %mul3A_199 : i32 to index
          %get3A_201 = tpu.vector_load %arg6[%get3A_200] {strides = array<i32>} : memref<320xf32, #tpu.memory_space<vmem>>, vector<16xf32>,
          %get3A_202 = vector.shape_cast %get3A_201 : vector<16xf32> to vector<16xf32>
          %mul3A_203 = arith.constant 2.047000e+03 : f32
          %mul3A_204 = vector.broadcast %mul3A_203 : f32 to vector<16xf32>
          %mul3A_205 = arith.mulf %get3A_202, %mul3A_204 : vector<16xf32>
          %jit3A_206 = arith.constant 0.000000e+00 : f32
          %jit3A_207 = arith.constant 2.047000e+03 : f32
          %max3A_208 = vector.broadcast %jit3A_206 : f32 to vector<16xf32>
          %max3A_209 = arith.maximumf %max3A_208, %mul3A_205 : vector<16xf32>
          %min3A_210 = vector.broadcast %jit3A_207 : f32 to vector<16xf32>
          %min3A_211 = arith.minimumf %min3A_210, %max3A_209 : vector<16xf32>
          %convert_element_type3A_212 = arith.fptosi %min3A_211 : vector<16xf32> to vector<16xi32>
          %swap3A_213 = arith.index_cast %mul3A_199 : i32 to index
          %swap3A_214 = tpu.vector_load %arg8[%swap3A_213] {strides = array<i32>} : memref<320xi32, #tpu.memory_space<vmem>>, vector<16xi32>,
          %swap3A_215 = vector.shape_cast %swap3A_214 : vector<16xi32> to vector<16xi32>
          %swap3A_216 = vector.shape_cast %convert_element_type3A_212 : vector<16xi32> to vector<16xi32>
          tpu.vector_store %arg8[%swap3A_213], %swap3A_216 {strides = array<i32>} : memref<320xi32, #tpu.memory_space<vmem>>, vector<16xi32>,
          %convert_element_type3A_217 = arith.sitofp %convert_element_type3A_212 : vector<16xi32> to vector<16xf32>
          %sub3A_218 = arith.subf %min3A_211, %convert_element_type3A_217 : vector<16xf32>
          %swap3A_219 = arith.index_cast %mul3A_199 : i32 to index
          %swap3A_220 = tpu.vector_load %arg10[%swap3A_219] {strides = array<i32>} : memref<336xf32, #tpu.memory_space<vmem>>, vector<16xf32>,
          %swap3A_221 = vector.shape_cast %swap3A_220 : vector<16xf32> to vector<16xf32>
          %swap3A_222 = vector.shape_cast %sub3A_218 : vector<16xf32> to vector<16xf32>
          tpu.vector_store %arg10[%swap3A_219], %swap3A_222 {strides = array<i32>} : memref<336xf32, #tpu.memory_space<vmem>>, vector<16xf32>,
          %scan3A_223 = arith.constant 3 : i32
          %scan3A_224 = arith.addi %scan3A_149, %scan3A_223 : i32
          %mul3A_225 = arith.constant 16 : i32
          %mul3A_226 = arith.muli %scan3A_224, %mul3A_225 : i32
          %get3A_227 = arith.index_cast %mul3A_226 : i32 to index
          %get3A_228 = tpu.vector_load %arg6[%get3A_227] {strides = array<i32>} : memref<320xf32, #tpu.memory_space<vmem>>, vector<16xf32>,
          %get3A_229 = vector.shape_cast %get3A_228 : vector<16xf32> to vector<16xf32>
          %mul3A_230 = arith.constant 2.047000e+03 : f32
          %mul3A_231 = vector.broadcast %mul3A_230 : f32 to vector<16xf32>
          %mul3A_232 = arith.mulf %get3A_229, %mul3A_231 : vector<16xf32>
          %jit3A_233 = arith.constant 0.000000e+00 : f32
          %jit3A_234 = arith.constant 2.047000e+03 : f32
          %max3A_235 = vector.broadcast %jit3A_233 : f32 to vector<16xf32>
          %max3A_236 = arith.maximumf %max3A_235, %mul3A_232 : vector<16xf32>
          %min3A_237 = vector.broadcast %jit3A_234 : f32 to vector<16xf32>
          %min3A_238 = arith.minimumf %min3A_237, %max3A_236 : vector<16xf32>
          %convert_element_type3A_239 = arith.fptosi %min3A_238 : vector<16xf32> to vector<16xi32>
          %swap3A_240 = arith.index_cast %mul3A_226 : i32 to index
          %swap3A_241 = tpu.vector_load %arg8[%swap3A_240] {strides = array<i32>} : memref<320xi32, #tpu.memory_space<vmem>>, vector<16xi32>,
          %swap3A_242 = vector.shape_cast %swap3A_241 : vector<16xi32> to vector<16xi32>
          %swap3A_243 = vector.shape_cast %convert_element_type3A_239 : vector<16xi32> to vector<16xi32>
          tpu.vector_store %arg8[%swap3A_240], %swap3A_243 {strides = array<i32>} : memref<320xi32, #tpu.memory_space<vmem>>, vector<16xi32>,
          %convert_element_type3A_244 = arith.sitofp %convert_element_type3A_239 : vector<16xi32> to vector<16xf32>
          %sub3A_245 = arith.subf %min3A_238, %convert_element_type3A_244 : vector<16xf32>
          %swap3A_246 = arith.index_cast %mul3A_226 : i32 to index
          %swap3A_247 = tpu.vector_load %arg10[%swap3A_246] {strides = array<i32>} : memref<336xf32, #tpu.memory_space<vmem>>, vector<16xf32>,
          %swap3A_248 = vector.shape_cast %swap3A_247 : vector<16xf32> to vector<16xf32>
          %swap3A_249 = vector.shape_cast %sub3A_245 : vector<16xf32> to vector<16xf32>
          tpu.vector_store %arg10[%swap3A_246], %swap3A_249 {strides = array<i32>} : memref<336xf32, #tpu.memory_space<vmem>>, vector<16xf32>,
        }
        %scan3A_141 = arith.constant 20 : i32
        %ge3A = arith.constant 1 : i32
        %ge3A_142 = arith.cmpi sge, %add3A_55, %ge3A : i32
        %convert_element_type3A_143 = arith.extui %ge3A_142 : i1 to i32
        %cond3A_144 = arith.constant 0 : i32
        %cond3A_145 = arith.cmpi ne, %convert_element_type3A_143, %cond3A_144 : i32
        scf.if %cond3A_145 {
          %sub3A = arith.constant 1 : i32
          %sub3A_149 = arith.subi %add3A_55, %sub3A : i32
          %mul3A_150 = arith.constant 320 : i32
          %mul3A_151 = arith.muli %sub3A_149, %mul3A_150 : i32
          %add3A_152 = arith.addi %mul3A_2, %mul3A_151 : i32
          %dma_wait3A_153 = arith.constant 0 : i32
          %dma_wait3A_154 = arith.constant 0 : i32
          %dma_wait3A_155 = tpu.memref_slice %arg12[%dma_wait3A_153, %dma_wait3A_154] : memref<320x128xf32, #tpu.memory_space<vmem>> -> memref<320x64xf32, #tpu.memory_space<vmem>>
          %dma_wait3A_156 = arith.constant 0 : i32
          %dma_wait3A_157 = tpu.memref_slice %arg4[%add3A_152, %dma_wait3A_156] : memref<819200x128xf32, #tpu.memory_space<hbm>> -> memref<320x64xf32, #tpu.memory_space<hbm>>
          %dma_wait3A_158 = arith.constant 0 : i32
          %dma_wait3A_159 = tpu.memref_slice %arg4[%add3A_152, %dma_wait3A_158] : memref<819200x128xf32, #tpu.memory_space<hbm>> -> memref<320x64xf32, #tpu.memory_space<hbm>>
          %dma_wait3A_160 = arith.constant 0 : i32
          %dma_wait3A_161 = arith.constant 0 : i32
          %dma_wait3A_162 = tpu.memref_slice %arg12[%dma_wait3A_160, %dma_wait3A_161] : memref<320x128xf32, #tpu.memory_space<vmem>> -> memref<320x64xf32, #tpu.memory_space<vmem>>
          tpu.wait_dma2 semaphore(%arg18 : memref<!tpu.dma_semaphore, #tpu.memory_space<semaphore_mem>>) src(%dma_wait3A_162 : memref<320x64xf32, #tpu.memory_space<vmem>>) dst(%dma_wait3A_159 : memref<320x64xf32, #tpu.memory_space<hbm>>)
        } else {
        }
        %dma_start3A_146 = arith.constant 0 : i32
        %dma_start3A_147 = arith.constant 0 : i32
        %dma_start3A_148 = tpu.memref_slice %arg3[%dma_start3A_146, %dma_start3A_147] : memref<2048x128xf32, #tpu.memory_space<hbm>> -> memref<2048x128xf32, #tpu.memory_space<hbm>>
        tpu.enqueue_indirect_dma source(%dma_start3A_148 : memref<2048x128xf32, #tpu.memory_space<hbm>>) target(%arg12 : memref<320x128xf32, #tpu.memory_space<vmem>>) offsets(%arg8 : memref<320xi32, #tpu.memory_space<vmem>>) semaphore(%arg16 : memref<!tpu.dma_semaphore, #tpu.memory_space<semaphore_mem>>)
      } else {
      }
      %add3A_60 = arith.constant 2 : i32
      %add3A_61 = arith.addi %add3A_55, %add3A_60 : i32
      %lt3A_62 = arith.constant 80 : i32
      %lt3A_63 = arith.cmpi slt, %add3A_61, %lt3A_62 : i32
      %convert_element_type3A_64 = arith.extui %lt3A_63 : i1 to i32
      %cond3A_65 = arith.constant 0 : i32
      %cond3A_66 = arith.cmpi ne, %convert_element_type3A_64, %cond3A_65 : i32
      scf.if %cond3A_66 {
        %add3A_129 = arith.constant 2 : i32
        %add3A_130 = arith.addi %add3A_55, %add3A_129 : i32
        %mul3A_131 = arith.constant 320 : i32
        %mul3A_132 = arith.muli %add3A_130, %mul3A_131 : i32
        %add3A_133 = arith.addi %mul3A_2, %mul3A_132 : i32
        %dma_start3A_134 = tpu.memref_slice %arg2[%add3A_133] : memref<819200xf32, #tpu.memory_space<hbm>> -> memref<320xf32, #tpu.memory_space<hbm>>
        %dma_start3A_135 = tpu.memref_slice %arg2[%add3A_133] : memref<819200xf32, #tpu.memory_space<hbm>> -> memref<320xf32, #tpu.memory_space<hbm>>
        tpu.enqueue_dma source(%dma_start3A_135 : memref<320xf32, #tpu.memory_space<hbm>>) target(%arg5 : memref<320xf32, #tpu.memory_space<vmem>>) target_semaphore(%arg13 : memref<!tpu.dma_semaphore, #tpu.memory_space<semaphore_mem>>)
      } else {
      }
      %dma_wait3A_67 = arith.constant 0 : i32
      %dma_wait3A_68 = arith.constant 0 : i32
      %dma_wait3A_69 = tpu.memref_slice %arg3[%dma_wait3A_67, %dma_wait3A_68] : memref<2048x128xf32, #tpu.memory_space<hbm>> -> memref<2048x128xf32, #tpu.memory_space<hbm>>
      tpu.wait_indirect_dma semaphore(%arg15 : memref<!tpu.dma_semaphore, #tpu.memory_space<semaphore_mem>>) src(%dma_wait3A_69 : memref<2048x128xf32, #tpu.memory_space<hbm>>) dst(%arg11 : memref<320x128xf32, #tpu.memory_space<vmem>>)
      %scan3A_70 = arith.constant 0 : i32
      %scan3A_71 = arith.constant 0 : i32
      %scan3A_72 = arith.constant 320 : i32
      %scan3A_73 = arith.addi %scan3A_71, %scan3A_72 : i32
      %scan3A_74 = arith.constant 8 : i32
      scf.for %scan3A_129 = %scan3A_71 to %scan3A_73 step %scan3A_74  : i32 {
        %get3A = arith.index_cast %scan3A_129 : i32 to index
        %get3A_130 = tpu.vector_load %arg9[%get3A] {strides = array<i32>} : memref<336xf32, #tpu.memory_space<vmem>>, vector<16xf32>,
        %get3A_131 = vector.shape_cast %get3A_130 : vector<16xf32> to vector<16xf32>
        %slice3A = vector.extract_strided_slice %get3A_131 {offsets = [0], sizes = [1], strides = [1]} : vector<16xf32> to vector<1xf32>
        %squeeze3A = vector.extract %slice3A[0] : f32 from vector<1xf32>
        %get3A_132 = arith.index_cast %scan3A_129 : i32 to index
        %get3A_133 = arith.constant 0 : index
        %get3A_134 = tpu.vector_load %arg11[%get3A_132, %get3A_133] {strides = array<i32>} : memref<320x128xf32, #tpu.memory_space<vmem>>, vector<1x16xf32>,
        %get3A_135 = vector.shape_cast %get3A_134 : vector<1x16xf32> to vector<16xf32>
        %get3A_136 = arith.index_cast %scan3A_129 : i32 to index
        %get3A_137 = arith.constant 64 : index
        %get3A_138 = tpu.vector_load %arg11[%get3A_136, %get3A_137] {strides = array<i32>} : memref<320x128xf32, #tpu.memory_space<vmem>>, vector<1x16xf32>,
        %get3A_139 = vector.shape_cast %get3A_138 : vector<1x16xf32> to vector<16xf32>
        %mul3A_140 = vector.broadcast %squeeze3A : f32 to vector<16xf32>
        %mul3A_141 = arith.mulf %mul3A_140, %get3A_139 : vector<16xf32>
        %add3A_142 = arith.addf %get3A_135, %mul3A_141 : vector<16xf32>
        %swap3A = arith.index_cast %scan3A_129 : i32 to index
        %swap3A_143 = arith.constant 0 : index
        %swap3A_144 = tpu.vector_load %arg11[%swap3A, %swap3A_143] {strides = array<i32>} : memref<320x128xf32, #tpu.memory_space<vmem>>, vector<1x16xf32>,
        %swap3A_145 = vector.shape_cast %swap3A_144 : vector<1x16xf32> to vector<16xf32>
        %swap3A_146 = vector.shape_cast %add3A_142 : vector<16xf32> to vector<1x16xf32>
        tpu.vector_store %arg11[%swap3A, %swap3A_143], %swap3A_146 {strides = array<i32>} : memref<320x128xf32, #tpu.memory_space<vmem>>, vector<1x16xf32>,
        %get3A_147 = arith.index_cast %scan3A_129 : i32 to index
        %get3A_148 = arith.constant 16 : index
        %get3A_149 = tpu.vector_load %arg11[%get3A_147, %get3A_148] {strides = array<i32>} : memref<320x128xf32, #tpu.memory_space<vmem>>, vector<1x16xf32>,
        %get3A_150 = vector.shape_cast %get3A_149 : vector<1x16xf32> to vector<16xf32>
        %get3A_151 = arith.index_cast %scan3A_129 : i32 to index
        %get3A_152 = arith.constant 80 : index
        %get3A_153 = tpu.vector_load %arg11[%get3A_151, %get3A_152] {strides = array<i32>} : memref<320x128xf32, #tpu.memory_space<vmem>>, vector<1x16xf32>,
        %get3A_154 = vector.shape_cast %get3A_153 : vector<1x16xf32> to vector<16xf32>
        %mul3A_155 = vector.broadcast %squeeze3A : f32 to vector<16xf32>
        %mul3A_156 = arith.mulf %mul3A_155, %get3A_154 : vector<16xf32>
        %add3A_157 = arith.addf %get3A_150, %mul3A_156 : vector<16xf32>
        %swap3A_158 = arith.index_cast %scan3A_129 : i32 to index
        %swap3A_159 = arith.constant 16 : index
        %swap3A_160 = tpu.vector_load %arg11[%swap3A_158, %swap3A_159] {strides = array<i32>} : memref<320x128xf32, #tpu.memory_space<vmem>>, vector<1x16xf32>,
        %swap3A_161 = vector.shape_cast %swap3A_160 : vector<1x16xf32> to vector<16xf32>
        %swap3A_162 = vector.shape_cast %add3A_157 : vector<16xf32> to vector<1x16xf32>
        tpu.vector_store %arg11[%swap3A_158, %swap3A_159], %swap3A_162 {strides = array<i32>} : memref<320x128xf32, #tpu.memory_space<vmem>>, vector<1x16xf32>,
        %get3A_163 = arith.index_cast %scan3A_129 : i32 to index
        %get3A_164 = arith.constant 32 : index
        %get3A_165 = tpu.vector_load %arg11[%get3A_163, %get3A_164] {strides = array<i32>} : memref<320x128xf32, #tpu.memory_space<vmem>>, vector<1x16xf32>,
        %get3A_166 = vector.shape_cast %get3A_165 : vector<1x16xf32> to vector<16xf32>
        %get3A_167 = arith.index_cast %scan3A_129 : i32 to index
        %get3A_168 = arith.constant 96 : index
        %get3A_169 = tpu.vector_load %arg11[%get3A_167, %get3A_168] {strides = array<i32>} : memref<320x128xf32, #tpu.memory_space<vmem>>, vector<1x16xf32>,
        %get3A_170 = vector.shape_cast %get3A_169 : vector<1x16xf32> to vector<16xf32>
        %mul3A_171 = vector.broadcast %squeeze3A : f32 to vector<16xf32>
        %mul3A_172 = arith.mulf %mul3A_171, %get3A_170 : vector<16xf32>
        %add3A_173 = arith.addf %get3A_166, %mul3A_172 : vector<16xf32>
        %swap3A_174 = arith.index_cast %scan3A_129 : i32 to index
        %swap3A_175 = arith.constant 32 : index
        %swap3A_176 = tpu.vector_load %arg11[%swap3A_174, %swap3A_175] {strides = array<i32>} : memref<320x128xf32, #tpu.memory_space<vmem>>, vector<1x16xf32>,
        %swap3A_177 = vector.shape_cast %swap3A_176 : vector<1x16xf32> to vector<16xf32>
        %swap3A_178 = vector.shape_cast %add3A_173 : vector<16xf32> to vector<1x16xf32>
        tpu.vector_store %arg11[%swap3A_174, %swap3A_175], %swap3A_178 {strides = array<i32>} : memref<320x128xf32, #tpu.memory_space<vmem>>, vector<1x16xf32>,
        %get3A_179 = arith.index_cast %scan3A_129 : i32 to index
        %get3A_180 = arith.constant 48 : index
        %get3A_181 = tpu.vector_load %arg11[%get3A_179, %get3A_180] {strides = array<i32>} : memref<320x128xf32, #tpu.memory_space<vmem>>, vector<1x16xf32>,
        %get3A_182 = vector.shape_cast %get3A_181 : vector<1x16xf32> to vector<16xf32>
        %get3A_183 = arith.index_cast %scan3A_129 : i32 to index
        %get3A_184 = arith.constant 112 : index
        %get3A_185 = tpu.vector_load %arg11[%get3A_183, %get3A_184] {strides = array<i32>} : memref<320x128xf32, #tpu.memory_space<vmem>>, vector<1x16xf32>,
        %get3A_186 = vector.shape_cast %get3A_185 : vector<1x16xf32> to vector<16xf32>
        %mul3A_187 = vector.broadcast %squeeze3A : f32 to vector<16xf32>
        %mul3A_188 = arith.mulf %mul3A_187, %get3A_186 : vector<16xf32>
        %add3A_189 = arith.addf %get3A_182, %mul3A_188 : vector<16xf32>
        %swap3A_190 = arith.index_cast %scan3A_129 : i32 to index
        %swap3A_191 = arith.constant 48 : index
        %swap3A_192 = tpu.vector_load %arg11[%swap3A_190, %swap3A_191] {strides = array<i32>} : memref<320x128xf32, #tpu.memory_space<vmem>>, vector<1x16xf32>,
        %swap3A_193 = vector.shape_cast %swap3A_192 : vector<1x16xf32> to vector<16xf32>
        %swap3A_194 = vector.shape_cast %add3A_189 : vector<16xf32> to vector<1x16xf32>
        tpu.vector_store %arg11[%swap3A_190, %swap3A_191], %swap3A_194 {strides = array<i32>} : memref<320x128xf32, #tpu.memory_space<vmem>>, vector<1x16xf32>,
        %scan3A_195 = arith.constant 1 : i32
        %scan3A_196 = arith.addi %scan3A_129, %scan3A_195 : i32
        %get3A_197 = arith.index_cast %scan3A_196 : i32 to index
        %get3A_198 = tpu.vector_load %arg9[%get3A_197] {strides = array<i32>} : memref<336xf32, #tpu.memory_space<vmem>>, vector<16xf32>,
        %get3A_199 = vector.shape_cast %get3A_198 : vector<16xf32> to vector<16xf32>
        %slice3A_200 = vector.extract_strided_slice %get3A_199 {offsets = [0], sizes = [1], strides = [1]} : vector<16xf32> to vector<1xf32>
        %squeeze3A_201 = vector.extract %slice3A_200[0] : f32 from vector<1xf32>
        %get3A_202 = arith.index_cast %scan3A_196 : i32 to index
        %get3A_203 = arith.constant 0 : index
        %get3A_204 = tpu.vector_load %arg11[%get3A_202, %get3A_203] {strides = array<i32>} : memref<320x128xf32, #tpu.memory_space<vmem>>, vector<1x16xf32>,
        %get3A_205 = vector.shape_cast %get3A_204 : vector<1x16xf32> to vector<16xf32>
        %get3A_206 = arith.index_cast %scan3A_196 : i32 to index
        %get3A_207 = arith.constant 64 : index
        %get3A_208 = tpu.vector_load %arg11[%get3A_206, %get3A_207] {strides = array<i32>} : memref<320x128xf32, #tpu.memory_space<vmem>>, vector<1x16xf32>,
        %get3A_209 = vector.shape_cast %get3A_208 : vector<1x16xf32> to vector<16xf32>
        %mul3A_210 = vector.broadcast %squeeze3A_201 : f32 to vector<16xf32>
        %mul3A_211 = arith.mulf %mul3A_210, %get3A_209 : vector<16xf32>
        %add3A_212 = arith.addf %get3A_205, %mul3A_211 : vector<16xf32>
        %swap3A_213 = arith.index_cast %scan3A_196 : i32 to index
        %swap3A_214 = arith.constant 0 : index
        %swap3A_215 = tpu.vector_load %arg11[%swap3A_213, %swap3A_214] {strides = array<i32>} : memref<320x128xf32, #tpu.memory_space<vmem>>, vector<1x16xf32>,
        %swap3A_216 = vector.shape_cast %swap3A_215 : vector<1x16xf32> to vector<16xf32>
        %swap3A_217 = vector.shape_cast %add3A_212 : vector<16xf32> to vector<1x16xf32>
        tpu.vector_store %arg11[%swap3A_213, %swap3A_214], %swap3A_217 {strides = array<i32>} : memref<320x128xf32, #tpu.memory_space<vmem>>, vector<1x16xf32>,
        %get3A_218 = arith.index_cast %scan3A_196 : i32 to index
        %get3A_219 = arith.constant 16 : index
        %get3A_220 = tpu.vector_load %arg11[%get3A_218, %get3A_219] {strides = array<i32>} : memref<320x128xf32, #tpu.memory_space<vmem>>, vector<1x16xf32>,
        %get3A_221 = vector.shape_cast %get3A_220 : vector<1x16xf32> to vector<16xf32>
        %get3A_222 = arith.index_cast %scan3A_196 : i32 to index
        %get3A_223 = arith.constant 80 : index
        %get3A_224 = tpu.vector_load %arg11[%get3A_222, %get3A_223] {strides = array<i32>} : memref<320x128xf32, #tpu.memory_space<vmem>>, vector<1x16xf32>,
        %get3A_225 = vector.shape_cast %get3A_224 : vector<1x16xf32> to vector<16xf32>
        %mul3A_226 = vector.broadcast %squeeze3A_201 : f32 to vector<16xf32>
        %mul3A_227 = arith.mulf %mul3A_226, %get3A_225 : vector<16xf32>
        %add3A_228 = arith.addf %get3A_221, %mul3A_227 : vector<16xf32>
        %swap3A_229 = arith.index_cast %scan3A_196 : i32 to index
        %swap3A_230 = arith.constant 16 : index
        %swap3A_231 = tpu.vector_load %arg11[%swap3A_229, %swap3A_230] {strides = array<i32>} : memref<320x128xf32, #tpu.memory_space<vmem>>, vector<1x16xf32>,
        %swap3A_232 = vector.shape_cast %swap3A_231 : vector<1x16xf32> to vector<16xf32>
        %swap3A_233 = vector.shape_cast %add3A_228 : vector<16xf32> to vector<1x16xf32>
        tpu.vector_store %arg11[%swap3A_229, %swap3A_230], %swap3A_233 {strides = array<i32>} : memref<320x128xf32, #tpu.memory_space<vmem>>, vector<1x16xf32>,
        %get3A_234 = arith.index_cast %scan3A_196 : i32 to index
        %get3A_235 = arith.constant 32 : index
        %get3A_236 = tpu.vector_load %arg11[%get3A_234, %get3A_235] {strides = array<i32>} : memref<320x128xf32, #tpu.memory_space<vmem>>, vector<1x16xf32>,
        %get3A_237 = vector.shape_cast %get3A_236 : vector<1x16xf32> to vector<16xf32>
        %get3A_238 = arith.index_cast %scan3A_196 : i32 to index
        %get3A_239 = arith.constant 96 : index
        %get3A_240 = tpu.vector_load %arg11[%get3A_238, %get3A_239] {strides = array<i32>} : memref<320x128xf32, #tpu.memory_space<vmem>>, vector<1x16xf32>,
        %get3A_241 = vector.shape_cast %get3A_240 : vector<1x16xf32> to vector<16xf32>
        %mul3A_242 = vector.broadcast %squeeze3A_201 : f32 to vector<16xf32>
        %mul3A_243 = arith.mulf %mul3A_242, %get3A_241 : vector<16xf32>
        %add3A_244 = arith.addf %get3A_237, %mul3A_243 : vector<16xf32>
        %swap3A_245 = arith.index_cast %scan3A_196 : i32 to index
        %swap3A_246 = arith.constant 32 : index
        %swap3A_247 = tpu.vector_load %arg11[%swap3A_245, %swap3A_246] {strides = array<i32>} : memref<320x128xf32, #tpu.memory_space<vmem>>, vector<1x16xf32>,
        %swap3A_248 = vector.shape_cast %swap3A_247 : vector<1x16xf32> to vector<16xf32>
        %swap3A_249 = vector.shape_cast %add3A_244 : vector<16xf32> to vector<1x16xf32>
        tpu.vector_store %arg11[%swap3A_245, %swap3A_246], %swap3A_249 {strides = array<i32>} : memref<320x128xf32, #tpu.memory_space<vmem>>, vector<1x16xf32>,
        %get3A_250 = arith.index_cast %scan3A_196 : i32 to index
        %get3A_251 = arith.constant 48 : index
        %get3A_252 = tpu.vector_load %arg11[%get3A_250, %get3A_251] {strides = array<i32>} : memref<320x128xf32, #tpu.memory_space<vmem>>, vector<1x16xf32>,
        %get3A_253 = vector.shape_cast %get3A_252 : vector<1x16xf32> to vector<16xf32>
        %get3A_254 = arith.index_cast %scan3A_196 : i32 to index
        %get3A_255 = arith.constant 112 : index
        %get3A_256 = tpu.vector_load %arg11[%get3A_254, %get3A_255] {strides = array<i32>} : memref<320x128xf32, #tpu.memory_space<vmem>>, vector<1x16xf32>,
        %get3A_257 = vector.shape_cast %get3A_256 : vector<1x16xf32> to vector<16xf32>
        %mul3A_258 = vector.broadcast %squeeze3A_201 : f32 to vector<16xf32>
        %mul3A_259 = arith.mulf %mul3A_258, %get3A_257 : vector<16xf32>
        %add3A_260 = arith.addf %get3A_253, %mul3A_259 : vector<16xf32>
        %swap3A_261 = arith.index_cast %scan3A_196 : i32 to index
        %swap3A_262 = arith.constant 48 : index
        %swap3A_263 = tpu.vector_load %arg11[%swap3A_261, %swap3A_262] {strides = array<i32>} : memref<320x128xf32, #tpu.memory_space<vmem>>, vector<1x16xf32>,
        %swap3A_264 = vector.shape_cast %swap3A_263 : vector<1x16xf32> to vector<16xf32>
        %swap3A_265 = vector.shape_cast %add3A_260 : vector<16xf32> to vector<1x16xf32>
        tpu.vector_store %arg11[%swap3A_261, %swap3A_262], %swap3A_265 {strides = array<i32>} : memref<320x128xf32, #tpu.memory_space<vmem>>, vector<1x16xf32>,
        %scan3A_266 = arith.constant 2 : i32
        %scan3A_267 = arith.addi %scan3A_129, %scan3A_266 : i32
        %get3A_268 = arith.index_cast %scan3A_267 : i32 to index
        %get3A_269 = tpu.vector_load %arg9[%get3A_268] {strides = array<i32>} : memref<336xf32, #tpu.memory_space<vmem>>, vector<16xf32>,
        %get3A_270 = vector.shape_cast %get3A_269 : vector<16xf32> to vector<16xf32>
        %slice3A_271 = vector.extract_strided_slice %get3A_270 {offsets = [0], sizes = [1], strides = [1]} : vector<16xf32> to vector<1xf32>
        %squeeze3A_272 = vector.extract %slice3A_271[0] : f32 from vector<1xf32>
        %get3A_273 = arith.index_cast %scan3A_267 : i32 to index
        %get3A_274 = arith.constant 0 : index
        %get3A_275 = tpu.vector_load %arg11[%get3A_273, %get3A_274] {strides = array<i32>} : memref<320x128xf32, #tpu.memory_space<vmem>>, vector<1x16xf32>,
        %get3A_276 = vector.shape_cast %get3A_275 : vector<1x16xf32> to vector<16xf32>
        %get3A_277 = arith.index_cast %scan3A_267 : i32 to index
        %get3A_278 = arith.constant 64 : index
        %get3A_279 = tpu.vector_load %arg11[%get3A_277, %get3A_278] {strides = array<i32>} : memref<320x128xf32, #tpu.memory_space<vmem>>, vector<1x16xf32>,
        %get3A_280 = vector.shape_cast %get3A_279 : vector<1x16xf32> to vector<16xf32>
        %mul3A_281 = vector.broadcast %squeeze3A_272 : f32 to vector<16xf32>
        %mul3A_282 = arith.mulf %mul3A_281, %get3A_280 : vector<16xf32>
        %add3A_283 = arith.addf %get3A_276, %mul3A_282 : vector<16xf32>
        %swap3A_284 = arith.index_cast %scan3A_267 : i32 to index
        %swap3A_285 = arith.constant 0 : index
        %swap3A_286 = tpu.vector_load %arg11[%swap3A_284, %swap3A_285] {strides = array<i32>} : memref<320x128xf32, #tpu.memory_space<vmem>>, vector<1x16xf32>,
        %swap3A_287 = vector.shape_cast %swap3A_286 : vector<1x16xf32> to vector<16xf32>
        %swap3A_288 = vector.shape_cast %add3A_283 : vector<16xf32> to vector<1x16xf32>
        tpu.vector_store %arg11[%swap3A_284, %swap3A_285], %swap3A_288 {strides = array<i32>} : memref<320x128xf32, #tpu.memory_space<vmem>>, vector<1x16xf32>,
        %get3A_289 = arith.index_cast %scan3A_267 : i32 to index
        %get3A_290 = arith.constant 16 : index
        %get3A_291 = tpu.vector_load %arg11[%get3A_289, %get3A_290] {strides = array<i32>} : memref<320x128xf32, #tpu.memory_space<vmem>>, vector<1x16xf32>,
        %get3A_292 = vector.shape_cast %get3A_291 : vector<1x16xf32> to vector<16xf32>
        %get3A_293 = arith.index_cast %scan3A_267 : i32 to index
        %get3A_294 = arith.constant 80 : index
        %get3A_295 = tpu.vector_load %arg11[%get3A_293, %get3A_294] {strides = array<i32>} : memref<320x128xf32, #tpu.memory_space<vmem>>, vector<1x16xf32>,
        %get3A_296 = vector.shape_cast %get3A_295 : vector<1x16xf32> to vector<16xf32>
        %mul3A_297 = vector.broadcast %squeeze3A_272 : f32 to vector<16xf32>
        %mul3A_298 = arith.mulf %mul3A_297, %get3A_296 : vector<16xf32>
        %add3A_299 = arith.addf %get3A_292, %mul3A_298 : vector<16xf32>
        %swap3A_300 = arith.index_cast %scan3A_267 : i32 to index
        %swap3A_301 = arith.constant 16 : index
        %swap3A_302 = tpu.vector_load %arg11[%swap3A_300, %swap3A_301] {strides = array<i32>} : memref<320x128xf32, #tpu.memory_space<vmem>>, vector<1x16xf32>,
        %swap3A_303 = vector.shape_cast %swap3A_302 : vector<1x16xf32> to vector<16xf32>
        %swap3A_304 = vector.shape_cast %add3A_299 : vector<16xf32> to vector<1x16xf32>
        tpu.vector_store %arg11[%swap3A_300, %swap3A_301], %swap3A_304 {strides = array<i32>} : memref<320x128xf32, #tpu.memory_space<vmem>>, vector<1x16xf32>,
        %get3A_305 = arith.index_cast %scan3A_267 : i32 to index
        %get3A_306 = arith.constant 32 : index
        %get3A_307 = tpu.vector_load %arg11[%get3A_305, %get3A_306] {strides = array<i32>} : memref<320x128xf32, #tpu.memory_space<vmem>>, vector<1x16xf32>,
        %get3A_308 = vector.shape_cast %get3A_307 : vector<1x16xf32> to vector<16xf32>
        %get3A_309 = arith.index_cast %scan3A_267 : i32 to index
        %get3A_310 = arith.constant 96 : index
        %get3A_311 = tpu.vector_load %arg11[%get3A_309, %get3A_310] {strides = array<i32>} : memref<320x128xf32, #tpu.memory_space<vmem>>, vector<1x16xf32>,
        %get3A_312 = vector.shape_cast %get3A_311 : vector<1x16xf32> to vector<16xf32>
        %mul3A_313 = vector.broadcast %squeeze3A_272 : f32 to vector<16xf32>
        %mul3A_314 = arith.mulf %mul3A_313, %get3A_312 : vector<16xf32>
        %add3A_315 = arith.addf %get3A_308, %mul3A_314 : vector<16xf32>
        %swap3A_316 = arith.index_cast %scan3A_267 : i32 to index
        %swap3A_317 = arith.constant 32 : index
        %swap3A_318 = tpu.vector_load %arg11[%swap3A_316, %swap3A_317] {strides = array<i32>} : memref<320x128xf32, #tpu.memory_space<vmem>>, vector<1x16xf32>,
        %swap3A_319 = vector.shape_cast %swap3A_318 : vector<1x16xf32> to vector<16xf32>
        %swap3A_320 = vector.shape_cast %add3A_315 : vector<16xf32> to vector<1x16xf32>
        tpu.vector_store %arg11[%swap3A_316, %swap3A_317], %swap3A_320 {strides = array<i32>} : memref<320x128xf32, #tpu.memory_space<vmem>>, vector<1x16xf32>,
        %get3A_321 = arith.index_cast %scan3A_267 : i32 to index
        %get3A_322 = arith.constant 48 : index
        %get3A_323 = tpu.vector_load %arg11[%get3A_321, %get3A_322] {strides = array<i32>} : memref<320x128xf32, #tpu.memory_space<vmem>>, vector<1x16xf32>,
        %get3A_324 = vector.shape_cast %get3A_323 : vector<1x16xf32> to vector<16xf32>
        %get3A_325 = arith.index_cast %scan3A_267 : i32 to index
        %get3A_326 = arith.constant 112 : index
        %get3A_327 = tpu.vector_load %arg11[%get3A_325, %get3A_326] {strides = array<i32>} : memref<320x128xf32, #tpu.memory_space<vmem>>, vector<1x16xf32>,
        %get3A_328 = vector.shape_cast %get3A_327 : vector<1x16xf32> to vector<16xf32>
        %mul3A_329 = vector.broadcast %squeeze3A_272 : f32 to vector<16xf32>
        %mul3A_330 = arith.mulf %mul3A_329, %get3A_328 : vector<16xf32>
        %add3A_331 = arith.addf %get3A_324, %mul3A_330 : vector<16xf32>
        %swap3A_332 = arith.index_cast %scan3A_267 : i32 to index
        %swap3A_333 = arith.constant 48 : index
        %swap3A_334 = tpu.vector_load %arg11[%swap3A_332, %swap3A_333] {strides = array<i32>} : memref<320x128xf32, #tpu.memory_space<vmem>>, vector<1x16xf32>,
        %swap3A_335 = vector.shape_cast %swap3A_334 : vector<1x16xf32> to vector<16xf32>
        %swap3A_336 = vector.shape_cast %add3A_331 : vector<16xf32> to vector<1x16xf32>
        tpu.vector_store %arg11[%swap3A_332, %swap3A_333], %swap3A_336 {strides = array<i32>} : memref<320x128xf32, #tpu.memory_space<vmem>>, vector<1x16xf32>,
        %scan3A_337 = arith.constant 3 : i32
        %scan3A_338 = arith.addi %scan3A_129, %scan3A_337 : i32
        %get3A_339 = arith.index_cast %scan3A_338 : i32 to index
        %get3A_340 = tpu.vector_load %arg9[%get3A_339] {strides = array<i32>} : memref<336xf32, #tpu.memory_space<vmem>>, vector<16xf32>,
        %get3A_341 = vector.shape_cast %get3A_340 : vector<16xf32> to vector<16xf32>
        %slice3A_342 = vector.extract_strided_slice %get3A_341 {offsets = [0], sizes = [1], strides = [1]} : vector<16xf32> to vector<1xf32>
        %squeeze3A_343 = vector.extract %slice3A_342[0] : f32 from vector<1xf32>
        %get3A_344 = arith.index_cast %scan3A_338 : i32 to index
        %get3A_345 = arith.constant 0 : index
        %get3A_346 = tpu.vector_load %arg11[%get3A_344, %get3A_345] {strides = array<i32>} : memref<320x128xf32, #tpu.memory_space<vmem>>, vector<1x16xf32>,
        %get3A_347 = vector.shape_cast %get3A_346 : vector<1x16xf32> to vector<16xf32>
        %get3A_348 = arith.index_cast %scan3A_338 : i32 to index
        %get3A_349 = arith.constant 64 : index
        %get3A_350 = tpu.vector_load %arg11[%get3A_348, %get3A_349] {strides = array<i32>} : memref<320x128xf32, #tpu.memory_space<vmem>>, vector<1x16xf32>,
        %get3A_351 = vector.shape_cast %get3A_350 : vector<1x16xf32> to vector<16xf32>
        %mul3A_352 = vector.broadcast %squeeze3A_343 : f32 to vector<16xf32>
        %mul3A_353 = arith.mulf %mul3A_352, %get3A_351 : vector<16xf32>
        %add3A_354 = arith.addf %get3A_347, %mul3A_353 : vector<16xf32>
        %swap3A_355 = arith.index_cast %scan3A_338 : i32 to index
        %swap3A_356 = arith.constant 0 : index
        %swap3A_357 = tpu.vector_load %arg11[%swap3A_355, %swap3A_356] {strides = array<i32>} : memref<320x128xf32, #tpu.memory_space<vmem>>, vector<1x16xf32>,
        %swap3A_358 = vector.shape_cast %swap3A_357 : vector<1x16xf32> to vector<16xf32>
        %swap3A_359 = vector.shape_cast %add3A_354 : vector<16xf32> to vector<1x16xf32>
        tpu.vector_store %arg11[%swap3A_355, %swap3A_356], %swap3A_359 {strides = array<i32>} : memref<320x128xf32, #tpu.memory_space<vmem>>, vector<1x16xf32>,
        %get3A_360 = arith.index_cast %scan3A_338 : i32 to index
        %get3A_361 = arith.constant 16 : index
        %get3A_362 = tpu.vector_load %arg11[%get3A_360, %get3A_361] {strides = array<i32>} : memref<320x128xf32, #tpu.memory_space<vmem>>, vector<1x16xf32>,
        %get3A_363 = vector.shape_cast %get3A_362 : vector<1x16xf32> to vector<16xf32>
        %get3A_364 = arith.index_cast %scan3A_338 : i32 to index
        %get3A_365 = arith.constant 80 : index
        %get3A_366 = tpu.vector_load %arg11[%get3A_364, %get3A_365] {strides = array<i32>} : memref<320x128xf32, #tpu.memory_space<vmem>>, vector<1x16xf32>,
        %get3A_367 = vector.shape_cast %get3A_366 : vector<1x16xf32> to vector<16xf32>
        %mul3A_368 = vector.broadcast %squeeze3A_343 : f32 to vector<16xf32>
        %mul3A_369 = arith.mulf %mul3A_368, %get3A_367 : vector<16xf32>
        %add3A_370 = arith.addf %get3A_363, %mul3A_369 : vector<16xf32>
        %swap3A_371 = arith.index_cast %scan3A_338 : i32 to index
        %swap3A_372 = arith.constant 16 : index
        %swap3A_373 = tpu.vector_load %arg11[%swap3A_371, %swap3A_372] {strides = array<i32>} : memref<320x128xf32, #tpu.memory_space<vmem>>, vector<1x16xf32>,
        %swap3A_374 = vector.shape_cast %swap3A_373 : vector<1x16xf32> to vector<16xf32>
        %swap3A_375 = vector.shape_cast %add3A_370 : vector<16xf32> to vector<1x16xf32>
        tpu.vector_store %arg11[%swap3A_371, %swap3A_372], %swap3A_375 {strides = array<i32>} : memref<320x128xf32, #tpu.memory_space<vmem>>, vector<1x16xf32>,
        %get3A_376 = arith.index_cast %scan3A_338 : i32 to index
        %get3A_377 = arith.constant 32 : index
        %get3A_378 = tpu.vector_load %arg11[%get3A_376, %get3A_377] {strides = array<i32>} : memref<320x128xf32, #tpu.memory_space<vmem>>, vector<1x16xf32>,
        %get3A_379 = vector.shape_cast %get3A_378 : vector<1x16xf32> to vector<16xf32>
        %get3A_380 = arith.index_cast %scan3A_338 : i32 to index
        %get3A_381 = arith.constant 96 : index
        %get3A_382 = tpu.vector_load %arg11[%get3A_380, %get3A_381] {strides = array<i32>} : memref<320x128xf32, #tpu.memory_space<vmem>>, vector<1x16xf32>,
        %get3A_383 = vector.shape_cast %get3A_382 : vector<1x16xf32> to vector<16xf32>
        %mul3A_384 = vector.broadcast %squeeze3A_343 : f32 to vector<16xf32>
        %mul3A_385 = arith.mulf %mul3A_384, %get3A_383 : vector<16xf32>
        %add3A_386 = arith.addf %get3A_379, %mul3A_385 : vector<16xf32>
        %swap3A_387 = arith.index_cast %scan3A_338 : i32 to index
        %swap3A_388 = arith.constant 32 : index
        %swap3A_389 = tpu.vector_load %arg11[%swap3A_387, %swap3A_388] {strides = array<i32>} : memref<320x128xf32, #tpu.memory_space<vmem>>, vector<1x16xf32>,
        %swap3A_390 = vector.shape_cast %swap3A_389 : vector<1x16xf32> to vector<16xf32>
        %swap3A_391 = vector.shape_cast %add3A_386 : vector<16xf32> to vector<1x16xf32>
        tpu.vector_store %arg11[%swap3A_387, %swap3A_388], %swap3A_391 {strides = array<i32>} : memref<320x128xf32, #tpu.memory_space<vmem>>, vector<1x16xf32>,
        %get3A_392 = arith.index_cast %scan3A_338 : i32 to index
        %get3A_393 = arith.constant 48 : index
        %get3A_394 = tpu.vector_load %arg11[%get3A_392, %get3A_393] {strides = array<i32>} : memref<320x128xf32, #tpu.memory_space<vmem>>, vector<1x16xf32>,
        %get3A_395 = vector.shape_cast %get3A_394 : vector<1x16xf32> to vector<16xf32>
        %get3A_396 = arith.index_cast %scan3A_338 : i32 to index
        %get3A_397 = arith.constant 112 : index
        %get3A_398 = tpu.vector_load %arg11[%get3A_396, %get3A_397] {strides = array<i32>} : memref<320x128xf32, #tpu.memory_space<vmem>>, vector<1x16xf32>,
        %get3A_399 = vector.shape_cast %get3A_398 : vector<1x16xf32> to vector<16xf32>
        %mul3A_400 = vector.broadcast %squeeze3A_343 : f32 to vector<16xf32>
        %mul3A_401 = arith.mulf %mul3A_400, %get3A_399 : vector<16xf32>
        %add3A_402 = arith.addf %get3A_395, %mul3A_401 : vector<16xf32>
        %swap3A_403 = arith.index_cast %scan3A_338 : i32 to index
        %swap3A_404 = arith.constant 48 : index
        %swap3A_405 = tpu.vector_load %arg11[%swap3A_403, %swap3A_404] {strides = array<i32>} : memref<320x128xf32, #tpu.memory_space<vmem>>, vector<1x16xf32>,
        %swap3A_406 = vector.shape_cast %swap3A_405 : vector<1x16xf32> to vector<16xf32>
        %swap3A_407 = vector.shape_cast %add3A_402 : vector<16xf32> to vector<1x16xf32>
        tpu.vector_store %arg11[%swap3A_403, %swap3A_404], %swap3A_407 {strides = array<i32>} : memref<320x128xf32, #tpu.memory_space<vmem>>, vector<1x16xf32>,
        %scan3A_408 = arith.constant 4 : i32
        %scan3A_409 = arith.addi %scan3A_129, %scan3A_408 : i32
        %get3A_410 = arith.index_cast %scan3A_409 : i32 to index
        %get3A_411 = tpu.vector_load %arg9[%get3A_410] {strides = array<i32>} : memref<336xf32, #tpu.memory_space<vmem>>, vector<16xf32>,
        %get3A_412 = vector.shape_cast %get3A_411 : vector<16xf32> to vector<16xf32>
        %slice3A_413 = vector.extract_strided_slice %get3A_412 {offsets = [0], sizes = [1], strides = [1]} : vector<16xf32> to vector<1xf32>
        %squeeze3A_414 = vector.extract %slice3A_413[0] : f32 from vector<1xf32>
        %get3A_415 = arith.index_cast %scan3A_409 : i32 to index
        %get3A_416 = arith.constant 0 : index
        %get3A_417 = tpu.vector_load %arg11[%get3A_415, %get3A_416] {strides = array<i32>} : memref<320x128xf32, #tpu.memory_space<vmem>>, vector<1x16xf32>,
        %get3A_418 = vector.shape_cast %get3A_417 : vector<1x16xf32> to vector<16xf32>
        %get3A_419 = arith.index_cast %scan3A_409 : i32 to index
        %get3A_420 = arith.constant 64 : index
        %get3A_421 = tpu.vector_load %arg11[%get3A_419, %get3A_420] {strides = array<i32>} : memref<320x128xf32, #tpu.memory_space<vmem>>, vector<1x16xf32>,
        %get3A_422 = vector.shape_cast %get3A_421 : vector<1x16xf32> to vector<16xf32>
        %mul3A_423 = vector.broadcast %squeeze3A_414 : f32 to vector<16xf32>
        %mul3A_424 = arith.mulf %mul3A_423, %get3A_422 : vector<16xf32>
        %add3A_425 = arith.addf %get3A_418, %mul3A_424 : vector<16xf32>
        %swap3A_426 = arith.index_cast %scan3A_409 : i32 to index
        %swap3A_427 = arith.constant 0 : index
        %swap3A_428 = tpu.vector_load %arg11[%swap3A_426, %swap3A_427] {strides = array<i32>} : memref<320x128xf32, #tpu.memory_space<vmem>>, vector<1x16xf32>,
        %swap3A_429 = vector.shape_cast %swap3A_428 : vector<1x16xf32> to vector<16xf32>
        %swap3A_430 = vector.shape_cast %add3A_425 : vector<16xf32> to vector<1x16xf32>
        tpu.vector_store %arg11[%swap3A_426, %swap3A_427], %swap3A_430 {strides = array<i32>} : memref<320x128xf32, #tpu.memory_space<vmem>>, vector<1x16xf32>,
        %get3A_431 = arith.index_cast %scan3A_409 : i32 to index
        %get3A_432 = arith.constant 16 : index
        %get3A_433 = tpu.vector_load %arg11[%get3A_431, %get3A_432] {strides = array<i32>} : memref<320x128xf32, #tpu.memory_space<vmem>>, vector<1x16xf32>,
        %get3A_434 = vector.shape_cast %get3A_433 : vector<1x16xf32> to vector<16xf32>
        %get3A_435 = arith.index_cast %scan3A_409 : i32 to index
        %get3A_436 = arith.constant 80 : index
        %get3A_437 = tpu.vector_load %arg11[%get3A_435, %get3A_436] {strides = array<i32>} : memref<320x128xf32, #tpu.memory_space<vmem>>, vector<1x16xf32>,
        %get3A_438 = vector.shape_cast %get3A_437 : vector<1x16xf32> to vector<16xf32>
        %mul3A_439 = vector.broadcast %squeeze3A_414 : f32 to vector<16xf32>
        %mul3A_440 = arith.mulf %mul3A_439, %get3A_438 : vector<16xf32>
        %add3A_441 = arith.addf %get3A_434, %mul3A_440 : vector<16xf32>
        %swap3A_442 = arith.index_cast %scan3A_409 : i32 to index
        %swap3A_443 = arith.constant 16 : index
        %swap3A_444 = tpu.vector_load %arg11[%swap3A_442, %swap3A_443] {strides = array<i32>} : memref<320x128xf32, #tpu.memory_space<vmem>>, vector<1x16xf32>,
        %swap3A_445 = vector.shape_cast %swap3A_444 : vector<1x16xf32> to vector<16xf32>
        %swap3A_446 = vector.shape_cast %add3A_441 : vector<16xf32> to vector<1x16xf32>
        tpu.vector_store %arg11[%swap3A_442, %swap3A_443], %swap3A_446 {strides = array<i32>} : memref<320x128xf32, #tpu.memory_space<vmem>>, vector<1x16xf32>,
        %get3A_447 = arith.index_cast %scan3A_409 : i32 to index
        %get3A_448 = arith.constant 32 : index
        %get3A_449 = tpu.vector_load %arg11[%get3A_447, %get3A_448] {strides = array<i32>} : memref<320x128xf32, #tpu.memory_space<vmem>>, vector<1x16xf32>,
        %get3A_450 = vector.shape_cast %get3A_449 : vector<1x16xf32> to vector<16xf32>
        %get3A_451 = arith.index_cast %scan3A_409 : i32 to index
        %get3A_452 = arith.constant 96 : index
        %get3A_453 = tpu.vector_load %arg11[%get3A_451, %get3A_452] {strides = array<i32>} : memref<320x128xf32, #tpu.memory_space<vmem>>, vector<1x16xf32>,
        %get3A_454 = vector.shape_cast %get3A_453 : vector<1x16xf32> to vector<16xf32>
        %mul3A_455 = vector.broadcast %squeeze3A_414 : f32 to vector<16xf32>
        %mul3A_456 = arith.mulf %mul3A_455, %get3A_454 : vector<16xf32>
        %add3A_457 = arith.addf %get3A_450, %mul3A_456 : vector<16xf32>
        %swap3A_458 = arith.index_cast %scan3A_409 : i32 to index
        %swap3A_459 = arith.constant 32 : index
        %swap3A_460 = tpu.vector_load %arg11[%swap3A_458, %swap3A_459] {strides = array<i32>} : memref<320x128xf32, #tpu.memory_space<vmem>>, vector<1x16xf32>,
        %swap3A_461 = vector.shape_cast %swap3A_460 : vector<1x16xf32> to vector<16xf32>
        %swap3A_462 = vector.shape_cast %add3A_457 : vector<16xf32> to vector<1x16xf32>
        tpu.vector_store %arg11[%swap3A_458, %swap3A_459], %swap3A_462 {strides = array<i32>} : memref<320x128xf32, #tpu.memory_space<vmem>>, vector<1x16xf32>,
        %get3A_463 = arith.index_cast %scan3A_409 : i32 to index
        %get3A_464 = arith.constant 48 : index
        %get3A_465 = tpu.vector_load %arg11[%get3A_463, %get3A_464] {strides = array<i32>} : memref<320x128xf32, #tpu.memory_space<vmem>>, vector<1x16xf32>,
        %get3A_466 = vector.shape_cast %get3A_465 : vector<1x16xf32> to vector<16xf32>
        %get3A_467 = arith.index_cast %scan3A_409 : i32 to index
        %get3A_468 = arith.constant 112 : index
        %get3A_469 = tpu.vector_load %arg11[%get3A_467, %get3A_468] {strides = array<i32>} : memref<320x128xf32, #tpu.memory_space<vmem>>, vector<1x16xf32>,
        %get3A_470 = vector.shape_cast %get3A_469 : vector<1x16xf32> to vector<16xf32>
        %mul3A_471 = vector.broadcast %squeeze3A_414 : f32 to vector<16xf32>
        %mul3A_472 = arith.mulf %mul3A_471, %get3A_470 : vector<16xf32>
        %add3A_473 = arith.addf %get3A_466, %mul3A_472 : vector<16xf32>
        %swap3A_474 = arith.index_cast %scan3A_409 : i32 to index
        %swap3A_475 = arith.constant 48 : index
        %swap3A_476 = tpu.vector_load %arg11[%swap3A_474, %swap3A_475] {strides = array<i32>} : memref<320x128xf32, #tpu.memory_space<vmem>>, vector<1x16xf32>,
        %swap3A_477 = vector.shape_cast %swap3A_476 : vector<1x16xf32> to vector<16xf32>
        %swap3A_478 = vector.shape_cast %add3A_473 : vector<16xf32> to vector<1x16xf32>
        tpu.vector_store %arg11[%swap3A_474, %swap3A_475], %swap3A_478 {strides = array<i32>} : memref<320x128xf32, #tpu.memory_space<vmem>>, vector<1x16xf32>,
        %scan3A_479 = arith.constant 5 : i32
        %scan3A_480 = arith.addi %scan3A_129, %scan3A_479 : i32
        %get3A_481 = arith.index_cast %scan3A_480 : i32 to index
        %get3A_482 = tpu.vector_load %arg9[%get3A_481] {strides = array<i32>} : memref<336xf32, #tpu.memory_space<vmem>>, vector<16xf32>,
        %get3A_483 = vector.shape_cast %get3A_482 : vector<16xf32> to vector<16xf32>
        %slice3A_484 = vector.extract_strided_slice %get3A_483 {offsets = [0], sizes = [1], strides = [1]} : vector<16xf32> to vector<1xf32>
        %squeeze3A_485 = vector.extract %slice3A_484[0] : f32 from vector<1xf32>
        %get3A_486 = arith.index_cast %scan3A_480 : i32 to index
        %get3A_487 = arith.constant 0 : index
        %get3A_488 = tpu.vector_load %arg11[%get3A_486, %get3A_487] {strides = array<i32>} : memref<320x128xf32, #tpu.memory_space<vmem>>, vector<1x16xf32>,
        %get3A_489 = vector.shape_cast %get3A_488 : vector<1x16xf32> to vector<16xf32>
        %get3A_490 = arith.index_cast %scan3A_480 : i32 to index
        %get3A_491 = arith.constant 64 : index
        %get3A_492 = tpu.vector_load %arg11[%get3A_490, %get3A_491] {strides = array<i32>} : memref<320x128xf32, #tpu.memory_space<vmem>>, vector<1x16xf32>,
        %get3A_493 = vector.shape_cast %get3A_492 : vector<1x16xf32> to vector<16xf32>
        %mul3A_494 = vector.broadcast %squeeze3A_485 : f32 to vector<16xf32>
        %mul3A_495 = arith.mulf %mul3A_494, %get3A_493 : vector<16xf32>
        %add3A_496 = arith.addf %get3A_489, %mul3A_495 : vector<16xf32>
        %swap3A_497 = arith.index_cast %scan3A_480 : i32 to index
        %swap3A_498 = arith.constant 0 : index
        %swap3A_499 = tpu.vector_load %arg11[%swap3A_497, %swap3A_498] {strides = array<i32>} : memref<320x128xf32, #tpu.memory_space<vmem>>, vector<1x16xf32>,
        %swap3A_500 = vector.shape_cast %swap3A_499 : vector<1x16xf32> to vector<16xf32>
        %swap3A_501 = vector.shape_cast %add3A_496 : vector<16xf32> to vector<1x16xf32>
        tpu.vector_store %arg11[%swap3A_497, %swap3A_498], %swap3A_501 {strides = array<i32>} : memref<320x128xf32, #tpu.memory_space<vmem>>, vector<1x16xf32>,
        %get3A_502 = arith.index_cast %scan3A_480 : i32 to index
        %get3A_503 = arith.constant 16 : index
        %get3A_504 = tpu.vector_load %arg11[%get3A_502, %get3A_503] {strides = array<i32>} : memref<320x128xf32, #tpu.memory_space<vmem>>, vector<1x16xf32>,
        %get3A_505 = vector.shape_cast %get3A_504 : vector<1x16xf32> to vector<16xf32>
        %get3A_506 = arith.index_cast %scan3A_480 : i32 to index
        %get3A_507 = arith.constant 80 : index
        %get3A_508 = tpu.vector_load %arg11[%get3A_506, %get3A_507] {strides = array<i32>} : memref<320x128xf32, #tpu.memory_space<vmem>>, vector<1x16xf32>,
        %get3A_509 = vector.shape_cast %get3A_508 : vector<1x16xf32> to vector<16xf32>
        %mul3A_510 = vector.broadcast %squeeze3A_485 : f32 to vector<16xf32>
        %mul3A_511 = arith.mulf %mul3A_510, %get3A_509 : vector<16xf32>
        %add3A_512 = arith.addf %get3A_505, %mul3A_511 : vector<16xf32>
        %swap3A_513 = arith.index_cast %scan3A_480 : i32 to index
        %swap3A_514 = arith.constant 16 : index
        %swap3A_515 = tpu.vector_load %arg11[%swap3A_513, %swap3A_514] {strides = array<i32>} : memref<320x128xf32, #tpu.memory_space<vmem>>, vector<1x16xf32>,
        %swap3A_516 = vector.shape_cast %swap3A_515 : vector<1x16xf32> to vector<16xf32>
        %swap3A_517 = vector.shape_cast %add3A_512 : vector<16xf32> to vector<1x16xf32>
        tpu.vector_store %arg11[%swap3A_513, %swap3A_514], %swap3A_517 {strides = array<i32>} : memref<320x128xf32, #tpu.memory_space<vmem>>, vector<1x16xf32>,
        %get3A_518 = arith.index_cast %scan3A_480 : i32 to index
        %get3A_519 = arith.constant 32 : index
        %get3A_520 = tpu.vector_load %arg11[%get3A_518, %get3A_519] {strides = array<i32>} : memref<320x128xf32, #tpu.memory_space<vmem>>, vector<1x16xf32>,
        %get3A_521 = vector.shape_cast %get3A_520 : vector<1x16xf32> to vector<16xf32>
        %get3A_522 = arith.index_cast %scan3A_480 : i32 to index
        %get3A_523 = arith.constant 96 : index
        %get3A_524 = tpu.vector_load %arg11[%get3A_522, %get3A_523] {strides = array<i32>} : memref<320x128xf32, #tpu.memory_space<vmem>>, vector<1x16xf32>,
        %get3A_525 = vector.shape_cast %get3A_524 : vector<1x16xf32> to vector<16xf32>
        %mul3A_526 = vector.broadcast %squeeze3A_485 : f32 to vector<16xf32>
        %mul3A_527 = arith.mulf %mul3A_526, %get3A_525 : vector<16xf32>
        %add3A_528 = arith.addf %get3A_521, %mul3A_527 : vector<16xf32>
        %swap3A_529 = arith.index_cast %scan3A_480 : i32 to index
        %swap3A_530 = arith.constant 32 : index
        %swap3A_531 = tpu.vector_load %arg11[%swap3A_529, %swap3A_530] {strides = array<i32>} : memref<320x128xf32, #tpu.memory_space<vmem>>, vector<1x16xf32>,
        %swap3A_532 = vector.shape_cast %swap3A_531 : vector<1x16xf32> to vector<16xf32>
        %swap3A_533 = vector.shape_cast %add3A_528 : vector<16xf32> to vector<1x16xf32>
        tpu.vector_store %arg11[%swap3A_529, %swap3A_530], %swap3A_533 {strides = array<i32>} : memref<320x128xf32, #tpu.memory_space<vmem>>, vector<1x16xf32>,
        %get3A_534 = arith.index_cast %scan3A_480 : i32 to index
        %get3A_535 = arith.constant 48 : index
        %get3A_536 = tpu.vector_load %arg11[%get3A_534, %get3A_535] {strides = array<i32>} : memref<320x128xf32, #tpu.memory_space<vmem>>, vector<1x16xf32>,
        %get3A_537 = vector.shape_cast %get3A_536 : vector<1x16xf32> to vector<16xf32>
        %get3A_538 = arith.index_cast %scan3A_480 : i32 to index
        %get3A_539 = arith.constant 112 : index
        %get3A_540 = tpu.vector_load %arg11[%get3A_538, %get3A_539] {strides = array<i32>} : memref<320x128xf32, #tpu.memory_space<vmem>>, vector<1x16xf32>,
        %get3A_541 = vector.shape_cast %get3A_540 : vector<1x16xf32> to vector<16xf32>
        %mul3A_542 = vector.broadcast %squeeze3A_485 : f32 to vector<16xf32>
        %mul3A_543 = arith.mulf %mul3A_542, %get3A_541 : vector<16xf32>
        %add3A_544 = arith.addf %get3A_537, %mul3A_543 : vector<16xf32>
        %swap3A_545 = arith.index_cast %scan3A_480 : i32 to index
        %swap3A_546 = arith.constant 48 : index
        %swap3A_547 = tpu.vector_load %arg11[%swap3A_545, %swap3A_546] {strides = array<i32>} : memref<320x128xf32, #tpu.memory_space<vmem>>, vector<1x16xf32>,
        %swap3A_548 = vector.shape_cast %swap3A_547 : vector<1x16xf32> to vector<16xf32>
        %swap3A_549 = vector.shape_cast %add3A_544 : vector<16xf32> to vector<1x16xf32>
        tpu.vector_store %arg11[%swap3A_545, %swap3A_546], %swap3A_549 {strides = array<i32>} : memref<320x128xf32, #tpu.memory_space<vmem>>, vector<1x16xf32>,
        %scan3A_550 = arith.constant 6 : i32
        %scan3A_551 = arith.addi %scan3A_129, %scan3A_550 : i32
        %get3A_552 = arith.index_cast %scan3A_551 : i32 to index
        %get3A_553 = tpu.vector_load %arg9[%get3A_552] {strides = array<i32>} : memref<336xf32, #tpu.memory_space<vmem>>, vector<16xf32>,
        %get3A_554 = vector.shape_cast %get3A_553 : vector<16xf32> to vector<16xf32>
        %slice3A_555 = vector.extract_strided_slice %get3A_554 {offsets = [0], sizes = [1], strides = [1]} : vector<16xf32> to vector<1xf32>
        %squeeze3A_556 = vector.extract %slice3A_555[0] : f32 from vector<1xf32>
        %get3A_557 = arith.index_cast %scan3A_551 : i32 to index
        %get3A_558 = arith.constant 0 : index
        %get3A_559 = tpu.vector_load %arg11[%get3A_557, %get3A_558] {strides = array<i32>} : memref<320x128xf32, #tpu.memory_space<vmem>>, vector<1x16xf32>,
        %get3A_560 = vector.shape_cast %get3A_559 : vector<1x16xf32> to vector<16xf32>
        %get3A_561 = arith.index_cast %scan3A_551 : i32 to index
        %get3A_562 = arith.constant 64 : index
        %get3A_563 = tpu.vector_load %arg11[%get3A_561, %get3A_562] {strides = array<i32>} : memref<320x128xf32, #tpu.memory_space<vmem>>, vector<1x16xf32>,
        %get3A_564 = vector.shape_cast %get3A_563 : vector<1x16xf32> to vector<16xf32>
        %mul3A_565 = vector.broadcast %squeeze3A_556 : f32 to vector<16xf32>
        %mul3A_566 = arith.mulf %mul3A_565, %get3A_564 : vector<16xf32>
        %add3A_567 = arith.addf %get3A_560, %mul3A_566 : vector<16xf32>
        %swap3A_568 = arith.index_cast %scan3A_551 : i32 to index
        %swap3A_569 = arith.constant 0 : index
        %swap3A_570 = tpu.vector_load %arg11[%swap3A_568, %swap3A_569] {strides = array<i32>} : memref<320x128xf32, #tpu.memory_space<vmem>>, vector<1x16xf32>,
        %swap3A_571 = vector.shape_cast %swap3A_570 : vector<1x16xf32> to vector<16xf32>
        %swap3A_572 = vector.shape_cast %add3A_567 : vector<16xf32> to vector<1x16xf32>
        tpu.vector_store %arg11[%swap3A_568, %swap3A_569], %swap3A_572 {strides = array<i32>} : memref<320x128xf32, #tpu.memory_space<vmem>>, vector<1x16xf32>,
        %get3A_573 = arith.index_cast %scan3A_551 : i32 to index
        %get3A_574 = arith.constant 16 : index
        %get3A_575 = tpu.vector_load %arg11[%get3A_573, %get3A_574] {strides = array<i32>} : memref<320x128xf32, #tpu.memory_space<vmem>>, vector<1x16xf32>,
        %get3A_576 = vector.shape_cast %get3A_575 : vector<1x16xf32> to vector<16xf32>
        %get3A_577 = arith.index_cast %scan3A_551 : i32 to index
        %get3A_578 = arith.constant 80 : index
        %get3A_579 = tpu.vector_load %arg11[%get3A_577, %get3A_578] {strides = array<i32>} : memref<320x128xf32, #tpu.memory_space<vmem>>, vector<1x16xf32>,
        %get3A_580 = vector.shape_cast %get3A_579 : vector<1x16xf32> to vector<16xf32>
        %mul3A_581 = vector.broadcast %squeeze3A_556 : f32 to vector<16xf32>
        %mul3A_582 = arith.mulf %mul3A_581, %get3A_580 : vector<16xf32>
        %add3A_583 = arith.addf %get3A_576, %mul3A_582 : vector<16xf32>
        %swap3A_584 = arith.index_cast %scan3A_551 : i32 to index
        %swap3A_585 = arith.constant 16 : index
        %swap3A_586 = tpu.vector_load %arg11[%swap3A_584, %swap3A_585] {strides = array<i32>} : memref<320x128xf32, #tpu.memory_space<vmem>>, vector<1x16xf32>,
        %swap3A_587 = vector.shape_cast %swap3A_586 : vector<1x16xf32> to vector<16xf32>
        %swap3A_588 = vector.shape_cast %add3A_583 : vector<16xf32> to vector<1x16xf32>
        tpu.vector_store %arg11[%swap3A_584, %swap3A_585], %swap3A_588 {strides = array<i32>} : memref<320x128xf32, #tpu.memory_space<vmem>>, vector<1x16xf32>,
        %get3A_589 = arith.index_cast %scan3A_551 : i32 to index
        %get3A_590 = arith.constant 32 : index
        %get3A_591 = tpu.vector_load %arg11[%get3A_589, %get3A_590] {strides = array<i32>} : memref<320x128xf32, #tpu.memory_space<vmem>>, vector<1x16xf32>,
        %get3A_592 = vector.shape_cast %get3A_591 : vector<1x16xf32> to vector<16xf32>
        %get3A_593 = arith.index_cast %scan3A_551 : i32 to index
        %get3A_594 = arith.constant 96 : index
        %get3A_595 = tpu.vector_load %arg11[%get3A_593, %get3A_594] {strides = array<i32>} : memref<320x128xf32, #tpu.memory_space<vmem>>, vector<1x16xf32>,
        %get3A_596 = vector.shape_cast %get3A_595 : vector<1x16xf32> to vector<16xf32>
        %mul3A_597 = vector.broadcast %squeeze3A_556 : f32 to vector<16xf32>
        %mul3A_598 = arith.mulf %mul3A_597, %get3A_596 : vector<16xf32>
        %add3A_599 = arith.addf %get3A_592, %mul3A_598 : vector<16xf32>
        %swap3A_600 = arith.index_cast %scan3A_551 : i32 to index
        %swap3A_601 = arith.constant 32 : index
        %swap3A_602 = tpu.vector_load %arg11[%swap3A_600, %swap3A_601] {strides = array<i32>} : memref<320x128xf32, #tpu.memory_space<vmem>>, vector<1x16xf32>,
        %swap3A_603 = vector.shape_cast %swap3A_602 : vector<1x16xf32> to vector<16xf32>
        %swap3A_604 = vector.shape_cast %add3A_599 : vector<16xf32> to vector<1x16xf32>
        tpu.vector_store %arg11[%swap3A_600, %swap3A_601], %swap3A_604 {strides = array<i32>} : memref<320x128xf32, #tpu.memory_space<vmem>>, vector<1x16xf32>,
        %get3A_605 = arith.index_cast %scan3A_551 : i32 to index
        %get3A_606 = arith.constant 48 : index
        %get3A_607 = tpu.vector_load %arg11[%get3A_605, %get3A_606] {strides = array<i32>} : memref<320x128xf32, #tpu.memory_space<vmem>>, vector<1x16xf32>,
        %get3A_608 = vector.shape_cast %get3A_607 : vector<1x16xf32> to vector<16xf32>
        %get3A_609 = arith.index_cast %scan3A_551 : i32 to index
        %get3A_610 = arith.constant 112 : index
        %get3A_611 = tpu.vector_load %arg11[%get3A_609, %get3A_610] {strides = array<i32>} : memref<320x128xf32, #tpu.memory_space<vmem>>, vector<1x16xf32>,
        %get3A_612 = vector.shape_cast %get3A_611 : vector<1x16xf32> to vector<16xf32>
        %mul3A_613 = vector.broadcast %squeeze3A_556 : f32 to vector<16xf32>
        %mul3A_614 = arith.mulf %mul3A_613, %get3A_612 : vector<16xf32>
        %add3A_615 = arith.addf %get3A_608, %mul3A_614 : vector<16xf32>
        %swap3A_616 = arith.index_cast %scan3A_551 : i32 to index
        %swap3A_617 = arith.constant 48 : index
        %swap3A_618 = tpu.vector_load %arg11[%swap3A_616, %swap3A_617] {strides = array<i32>} : memref<320x128xf32, #tpu.memory_space<vmem>>, vector<1x16xf32>,
        %swap3A_619 = vector.shape_cast %swap3A_618 : vector<1x16xf32> to vector<16xf32>
        %swap3A_620 = vector.shape_cast %add3A_615 : vector<16xf32> to vector<1x16xf32>
        tpu.vector_store %arg11[%swap3A_616, %swap3A_617], %swap3A_620 {strides = array<i32>} : memref<320x128xf32, #tpu.memory_space<vmem>>, vector<1x16xf32>,
        %scan3A_621 = arith.constant 7 : i32
        %scan3A_622 = arith.addi %scan3A_129, %scan3A_621 : i32
        %get3A_623 = arith.index_cast %scan3A_622 : i32 to index
        %get3A_624 = tpu.vector_load %arg9[%get3A_623] {strides = array<i32>} : memref<336xf32, #tpu.memory_space<vmem>>, vector<16xf32>,
        %get3A_625 = vector.shape_cast %get3A_624 : vector<16xf32> to vector<16xf32>
        %slice3A_626 = vector.extract_strided_slice %get3A_625 {offsets = [0], sizes = [1], strides = [1]} : vector<16xf32> to vector<1xf32>
        %squeeze3A_627 = vector.extract %slice3A_626[0] : f32 from vector<1xf32>
        %get3A_628 = arith.index_cast %scan3A_622 : i32 to index
        %get3A_629 = arith.constant 0 : index
        %get3A_630 = tpu.vector_load %arg11[%get3A_628, %get3A_629] {strides = array<i32>} : memref<320x128xf32, #tpu.memory_space<vmem>>, vector<1x16xf32>,
        %get3A_631 = vector.shape_cast %get3A_630 : vector<1x16xf32> to vector<16xf32>
        %get3A_632 = arith.index_cast %scan3A_622 : i32 to index
        %get3A_633 = arith.constant 64 : index
        %get3A_634 = tpu.vector_load %arg11[%get3A_632, %get3A_633] {strides = array<i32>} : memref<320x128xf32, #tpu.memory_space<vmem>>, vector<1x16xf32>,
        %get3A_635 = vector.shape_cast %get3A_634 : vector<1x16xf32> to vector<16xf32>
        %mul3A_636 = vector.broadcast %squeeze3A_627 : f32 to vector<16xf32>
        %mul3A_637 = arith.mulf %mul3A_636, %get3A_635 : vector<16xf32>
        %add3A_638 = arith.addf %get3A_631, %mul3A_637 : vector<16xf32>
        %swap3A_639 = arith.index_cast %scan3A_622 : i32 to index
        %swap3A_640 = arith.constant 0 : index
        %swap3A_641 = tpu.vector_load %arg11[%swap3A_639, %swap3A_640] {strides = array<i32>} : memref<320x128xf32, #tpu.memory_space<vmem>>, vector<1x16xf32>,
        %swap3A_642 = vector.shape_cast %swap3A_641 : vector<1x16xf32> to vector<16xf32>
        %swap3A_643 = vector.shape_cast %add3A_638 : vector<16xf32> to vector<1x16xf32>
        tpu.vector_store %arg11[%swap3A_639, %swap3A_640], %swap3A_643 {strides = array<i32>} : memref<320x128xf32, #tpu.memory_space<vmem>>, vector<1x16xf32>,
        %get3A_644 = arith.index_cast %scan3A_622 : i32 to index
        %get3A_645 = arith.constant 16 : index
        %get3A_646 = tpu.vector_load %arg11[%get3A_644, %get3A_645] {strides = array<i32>} : memref<320x128xf32, #tpu.memory_space<vmem>>, vector<1x16xf32>,
        %get3A_647 = vector.shape_cast %get3A_646 : vector<1x16xf32> to vector<16xf32>
        %get3A_648 = arith.index_cast %scan3A_622 : i32 to index
        %get3A_649 = arith.constant 80 : index
        %get3A_650 = tpu.vector_load %arg11[%get3A_648, %get3A_649] {strides = array<i32>} : memref<320x128xf32, #tpu.memory_space<vmem>>, vector<1x16xf32>,
        %get3A_651 = vector.shape_cast %get3A_650 : vector<1x16xf32> to vector<16xf32>
        %mul3A_652 = vector.broadcast %squeeze3A_627 : f32 to vector<16xf32>
        %mul3A_653 = arith.mulf %mul3A_652, %get3A_651 : vector<16xf32>
        %add3A_654 = arith.addf %get3A_647, %mul3A_653 : vector<16xf32>
        %swap3A_655 = arith.index_cast %scan3A_622 : i32 to index
        %swap3A_656 = arith.constant 16 : index
        %swap3A_657 = tpu.vector_load %arg11[%swap3A_655, %swap3A_656] {strides = array<i32>} : memref<320x128xf32, #tpu.memory_space<vmem>>, vector<1x16xf32>,
        %swap3A_658 = vector.shape_cast %swap3A_657 : vector<1x16xf32> to vector<16xf32>
        %swap3A_659 = vector.shape_cast %add3A_654 : vector<16xf32> to vector<1x16xf32>
        tpu.vector_store %arg11[%swap3A_655, %swap3A_656], %swap3A_659 {strides = array<i32>} : memref<320x128xf32, #tpu.memory_space<vmem>>, vector<1x16xf32>,
        %get3A_660 = arith.index_cast %scan3A_622 : i32 to index
        %get3A_661 = arith.constant 32 : index
        %get3A_662 = tpu.vector_load %arg11[%get3A_660, %get3A_661] {strides = array<i32>} : memref<320x128xf32, #tpu.memory_space<vmem>>, vector<1x16xf32>,
        %get3A_663 = vector.shape_cast %get3A_662 : vector<1x16xf32> to vector<16xf32>
        %get3A_664 = arith.index_cast %scan3A_622 : i32 to index
        %get3A_665 = arith.constant 96 : index
        %get3A_666 = tpu.vector_load %arg11[%get3A_664, %get3A_665] {strides = array<i32>} : memref<320x128xf32, #tpu.memory_space<vmem>>, vector<1x16xf32>,
        %get3A_667 = vector.shape_cast %get3A_666 : vector<1x16xf32> to vector<16xf32>
        %mul3A_668 = vector.broadcast %squeeze3A_627 : f32 to vector<16xf32>
        %mul3A_669 = arith.mulf %mul3A_668, %get3A_667 : vector<16xf32>
        %add3A_670 = arith.addf %get3A_663, %mul3A_669 : vector<16xf32>
        %swap3A_671 = arith.index_cast %scan3A_622 : i32 to index
        %swap3A_672 = arith.constant 32 : index
        %swap3A_673 = tpu.vector_load %arg11[%swap3A_671, %swap3A_672] {strides = array<i32>} : memref<320x128xf32, #tpu.memory_space<vmem>>, vector<1x16xf32>,
        %swap3A_674 = vector.shape_cast %swap3A_673 : vector<1x16xf32> to vector<16xf32>
        %swap3A_675 = vector.shape_cast %add3A_670 : vector<16xf32> to vector<1x16xf32>
        tpu.vector_store %arg11[%swap3A_671, %swap3A_672], %swap3A_675 {strides = array<i32>} : memref<320x128xf32, #tpu.memory_space<vmem>>, vector<1x16xf32>,
        %get3A_676 = arith.index_cast %scan3A_622 : i32 to index
        %get3A_677 = arith.constant 48 : index
        %get3A_678 = tpu.vector_load %arg11[%get3A_676, %get3A_677] {strides = array<i32>} : memref<320x128xf32, #tpu.memory_space<vmem>>, vector<1x16xf32>,
        %get3A_679 = vector.shape_cast %get3A_678 : vector<1x16xf32> to vector<16xf32>
        %get3A_680 = arith.index_cast %scan3A_622 : i32 to index
        %get3A_681 = arith.constant 112 : index
        %get3A_682 = tpu.vector_load %arg11[%get3A_680, %get3A_681] {strides = array<i32>} : memref<320x128xf32, #tpu.memory_space<vmem>>, vector<1x16xf32>,
        %get3A_683 = vector.shape_cast %get3A_682 : vector<1x16xf32> to vector<16xf32>
        %mul3A_684 = vector.broadcast %squeeze3A_627 : f32 to vector<16xf32>
        %mul3A_685 = arith.mulf %mul3A_684, %get3A_683 : vector<16xf32>
        %add3A_686 = arith.addf %get3A_679, %mul3A_685 : vector<16xf32>
        %swap3A_687 = arith.index_cast %scan3A_622 : i32 to index
        %swap3A_688 = arith.constant 48 : index
        %swap3A_689 = tpu.vector_load %arg11[%swap3A_687, %swap3A_688] {strides = array<i32>} : memref<320x128xf32, #tpu.memory_space<vmem>>, vector<1x16xf32>,
        %swap3A_690 = vector.shape_cast %swap3A_689 : vector<1x16xf32> to vector<16xf32>
        %swap3A_691 = vector.shape_cast %add3A_686 : vector<16xf32> to vector<1x16xf32>
        tpu.vector_store %arg11[%swap3A_687, %swap3A_688], %swap3A_691 {strides = array<i32>} : memref<320x128xf32, #tpu.memory_space<vmem>>, vector<1x16xf32>,
      }
      %scan3A_75 = arith.constant 320 : i32
      %mul3A_76 = arith.constant 320 : i32
      %mul3A_77 = arith.muli %add3A_55, %mul3A_76 : i32
      %add3A_78 = arith.addi %mul3A_2, %mul3A_77 : i32
      %dma_start3A_79 = arith.constant 0 : i32
      %dma_start3A_80 = arith.constant 0 : i32
      %dma_start3A_81 = tpu.memref_slice %arg11[%dma_start3A_79, %dma_start3A_80] : memref<320x128xf32, #tpu.memory_space<vmem>> -> memref<320x64xf32, #tpu.memory_space<vmem>>
      %dma_start3A_82 = arith.constant 0 : i32
      %dma_start3A_83 = tpu.memref_slice %arg4[%add3A_78, %dma_start3A_82] : memref<819200x128xf32, #tpu.memory_space<hbm>> -> memref<320x64xf32, #tpu.memory_space<hbm>>
      %dma_start3A_84 = arith.constant 0 : i32
      %dma_start3A_85 = tpu.memref_slice %arg4[%add3A_78, %dma_start3A_84] : memref<819200x128xf32, #tpu.memory_space<hbm>> -> memref<320x64xf32, #tpu.memory_space<hbm>>
      %dma_start3A_86 = arith.constant 0 : i32
      %dma_start3A_87 = arith.constant 0 : i32
      %dma_start3A_88 = tpu.memref_slice %arg11[%dma_start3A_86, %dma_start3A_87] : memref<320x128xf32, #tpu.memory_space<vmem>> -> memref<320x64xf32, #tpu.memory_space<vmem>>
      tpu.enqueue_dma source(%dma_start3A_88 : memref<320x64xf32, #tpu.memory_space<vmem>>) target(%dma_start3A_85 : memref<320x64xf32, #tpu.memory_space<hbm>>) target_semaphore(%arg17 : memref<!tpu.dma_semaphore, #tpu.memory_space<semaphore_mem>>)
      %mul3A_89 = arith.constant 2 : i32
      %mul3A_90 = arith.muli %mul3A_89, %scan3A_51 : i32
      %add3A_91 = arith.constant 1 : i32
      %add3A_92 = arith.addi %mul3A_90, %add3A_91 : i32
      %add3A_93 = arith.constant 1 : i32
      %add3A_94 = arith.addi %add3A_92, %add3A_93 : i32
      %lt3A_95 = arith.constant 80 : i32
      %lt3A_96 = arith.cmpi slt, %add3A_94, %lt3A_95 : i32
      %convert_element_type3A_97 = arith.extui %lt3A_96 : i1 to i32
      %cond3A_98 = arith.constant 0 : i32
      %cond3A_99 = arith.cmpi ne, %convert_element_type3A_97, %cond3A_98 : i32
      scf.if %cond3A_99 {
        %add3A_129 = arith.constant 1 : i32
        %add3A_130 = arith.addi %add3A_92, %add3A_129 : i32
        %mul3A_131 = arith.constant 320 : i32
        %mul3A_132 = arith.muli %add3A_130, %mul3A_131 : i32
        %add3A_133 = arith.addi %mul3A_2, %mul3A_132 : i32
        %dma_wait3A_134 = tpu.memref_slice %arg2[%add3A_133] : memref<819200xf32, #tpu.memory_space<hbm>> -> memref<320xf32, #tpu.memory_space<hbm>>
        %dma_wait3A_135 = tpu.memref_slice %arg2[%add3A_133] : memref<819200xf32, #tpu.memory_space<hbm>> -> memref<320xf32, #tpu.memory_space<hbm>>
        tpu.wait_dma2 semaphore(%arg13 : memref<!tpu.dma_semaphore, #tpu.memory_space<semaphore_mem>>) src(%dma_wait3A_135 : memref<320xf32, #tpu.memory_space<hbm>>) dst(%arg5 : memref<320xf32, #tpu.memory_space<vmem>>)
        %scan3A_136 = arith.constant 0 : i32
        %scan3A_137 = arith.constant 0 : i32
        %scan3A_138 = arith.constant 20 : i32
        %scan3A_139 = arith.addi %scan3A_137, %scan3A_138 : i32
        %scan3A_140 = arith.constant 4 : i32
        scf.for %scan3A_149 = %scan3A_137 to %scan3A_139 step %scan3A_140  : i32 {
          %mul3A_150 = arith.constant 16 : i32
          %mul3A_151 = arith.muli %scan3A_149, %mul3A_150 : i32
          %get3A = arith.index_cast %mul3A_151 : i32 to index
          %get3A_152 = tpu.vector_load %arg5[%get3A] {strides = array<i32>} : memref<320xf32, #tpu.memory_space<vmem>>, vector<16xf32>,
          %get3A_153 = vector.shape_cast %get3A_152 : vector<16xf32> to vector<16xf32>
          %mul3A_154 = arith.constant 2.047000e+03 : f32
          %mul3A_155 = vector.broadcast %mul3A_154 : f32 to vector<16xf32>
          %mul3A_156 = arith.mulf %get3A_153, %mul3A_155 : vector<16xf32>
          %jit3A = arith.constant 0.000000e+00 : f32
          %jit3A_157 = arith.constant 2.047000e+03 : f32
          %max3A = vector.broadcast %jit3A : f32 to vector<16xf32>
          %max3A_158 = arith.maximumf %max3A, %mul3A_156 : vector<16xf32>
          %min3A = vector.broadcast %jit3A_157 : f32 to vector<16xf32>
          %min3A_159 = arith.minimumf %min3A, %max3A_158 : vector<16xf32>
          %convert_element_type3A_160 = arith.fptosi %min3A_159 : vector<16xf32> to vector<16xi32>
          %swap3A = arith.index_cast %mul3A_151 : i32 to index
          %swap3A_161 = tpu.vector_load %arg7[%swap3A] {strides = array<i32>} : memref<320xi32, #tpu.memory_space<vmem>>, vector<16xi32>,
          %swap3A_162 = vector.shape_cast %swap3A_161 : vector<16xi32> to vector<16xi32>
          %swap3A_163 = vector.shape_cast %convert_element_type3A_160 : vector<16xi32> to vector<16xi32>
          tpu.vector_store %arg7[%swap3A], %swap3A_163 {strides = array<i32>} : memref<320xi32, #tpu.memory_space<vmem>>, vector<16xi32>,
          %convert_element_type3A_164 = arith.sitofp %convert_element_type3A_160 : vector<16xi32> to vector<16xf32>
          %sub3A = arith.subf %min3A_159, %convert_element_type3A_164 : vector<16xf32>
          %swap3A_165 = arith.index_cast %mul3A_151 : i32 to index
          %swap3A_166 = tpu.vector_load %arg9[%swap3A_165] {strides = array<i32>} : memref<336xf32, #tpu.memory_space<vmem>>, vector<16xf32>,
          %swap3A_167 = vector.shape_cast %swap3A_166 : vector<16xf32> to vector<16xf32>
          %swap3A_168 = vector.shape_cast %sub3A : vector<16xf32> to vector<16xf32>
          tpu.vector_store %arg9[%swap3A_165], %swap3A_168 {strides = array<i32>} : memref<336xf32, #tpu.memory_space<vmem>>, vector<16xf32>,
          %scan3A_169 = arith.constant 1 : i32
          %scan3A_170 = arith.addi %scan3A_149, %scan3A_169 : i32
          %mul3A_171 = arith.constant 16 : i32
          %mul3A_172 = arith.muli %scan3A_170, %mul3A_171 : i32
          %get3A_173 = arith.index_cast %mul3A_172 : i32 to index
          %get3A_174 = tpu.vector_load %arg5[%get3A_173] {strides = array<i32>} : memref<320xf32, #tpu.memory_space<vmem>>, vector<16xf32>,
          %get3A_175 = vector.shape_cast %get3A_174 : vector<16xf32> to vector<16xf32>
          %mul3A_176 = arith.constant 2.047000e+03 : f32
          %mul3A_177 = vector.broadcast %mul3A_176 : f32 to vector<16xf32>
          %mul3A_178 = arith.mulf %get3A_175, %mul3A_177 : vector<16xf32>
          %jit3A_179 = arith.constant 0.000000e+00 : f32
          %jit3A_180 = arith.constant 2.047000e+03 : f32
          %max3A_181 = vector.broadcast %jit3A_179 : f32 to vector<16xf32>
          %max3A_182 = arith.maximumf %max3A_181, %mul3A_178 : vector<16xf32>
          %min3A_183 = vector.broadcast %jit3A_180 : f32 to vector<16xf32>
          %min3A_184 = arith.minimumf %min3A_183, %max3A_182 : vector<16xf32>
          %convert_element_type3A_185 = arith.fptosi %min3A_184 : vector<16xf32> to vector<16xi32>
          %swap3A_186 = arith.index_cast %mul3A_172 : i32 to index
          %swap3A_187 = tpu.vector_load %arg7[%swap3A_186] {strides = array<i32>} : memref<320xi32, #tpu.memory_space<vmem>>, vector<16xi32>,
          %swap3A_188 = vector.shape_cast %swap3A_187 : vector<16xi32> to vector<16xi32>
          %swap3A_189 = vector.shape_cast %convert_element_type3A_185 : vector<16xi32> to vector<16xi32>
          tpu.vector_store %arg7[%swap3A_186], %swap3A_189 {strides = array<i32>} : memref<320xi32, #tpu.memory_space<vmem>>, vector<16xi32>,
          %convert_element_type3A_190 = arith.sitofp %convert_element_type3A_185 : vector<16xi32> to vector<16xf32>
          %sub3A_191 = arith.subf %min3A_184, %convert_element_type3A_190 : vector<16xf32>
          %swap3A_192 = arith.index_cast %mul3A_172 : i32 to index
          %swap3A_193 = tpu.vector_load %arg9[%swap3A_192] {strides = array<i32>} : memref<336xf32, #tpu.memory_space<vmem>>, vector<16xf32>,
          %swap3A_194 = vector.shape_cast %swap3A_193 : vector<16xf32> to vector<16xf32>
          %swap3A_195 = vector.shape_cast %sub3A_191 : vector<16xf32> to vector<16xf32>
          tpu.vector_store %arg9[%swap3A_192], %swap3A_195 {strides = array<i32>} : memref<336xf32, #tpu.memory_space<vmem>>, vector<16xf32>,
          %scan3A_196 = arith.constant 2 : i32
          %scan3A_197 = arith.addi %scan3A_149, %scan3A_196 : i32
          %mul3A_198 = arith.constant 16 : i32
          %mul3A_199 = arith.muli %scan3A_197, %mul3A_198 : i32
          %get3A_200 = arith.index_cast %mul3A_199 : i32 to index
          %get3A_201 = tpu.vector_load %arg5[%get3A_200] {strides = array<i32>} : memref<320xf32, #tpu.memory_space<vmem>>, vector<16xf32>,
          %get3A_202 = vector.shape_cast %get3A_201 : vector<16xf32> to vector<16xf32>
          %mul3A_203 = arith.constant 2.047000e+03 : f32
          %mul3A_204 = vector.broadcast %mul3A_203 : f32 to vector<16xf32>
          %mul3A_205 = arith.mulf %get3A_202, %mul3A_204 : vector<16xf32>
          %jit3A_206 = arith.constant 0.000000e+00 : f32
          %jit3A_207 = arith.constant 2.047000e+03 : f32
          %max3A_208 = vector.broadcast %jit3A_206 : f32 to vector<16xf32>
          %max3A_209 = arith.maximumf %max3A_208, %mul3A_205 : vector<16xf32>
          %min3A_210 = vector.broadcast %jit3A_207 : f32 to vector<16xf32>
          %min3A_211 = arith.minimumf %min3A_210, %max3A_209 : vector<16xf32>
          %convert_element_type3A_212 = arith.fptosi %min3A_211 : vector<16xf32> to vector<16xi32>
          %swap3A_213 = arith.index_cast %mul3A_199 : i32 to index
          %swap3A_214 = tpu.vector_load %arg7[%swap3A_213] {strides = array<i32>} : memref<320xi32, #tpu.memory_space<vmem>>, vector<16xi32>,
          %swap3A_215 = vector.shape_cast %swap3A_214 : vector<16xi32> to vector<16xi32>
          %swap3A_216 = vector.shape_cast %convert_element_type3A_212 : vector<16xi32> to vector<16xi32>
          tpu.vector_store %arg7[%swap3A_213], %swap3A_216 {strides = array<i32>} : memref<320xi32, #tpu.memory_space<vmem>>, vector<16xi32>,
          %convert_element_type3A_217 = arith.sitofp %convert_element_type3A_212 : vector<16xi32> to vector<16xf32>
          %sub3A_218 = arith.subf %min3A_211, %convert_element_type3A_217 : vector<16xf32>
          %swap3A_219 = arith.index_cast %mul3A_199 : i32 to index
          %swap3A_220 = tpu.vector_load %arg9[%swap3A_219] {strides = array<i32>} : memref<336xf32, #tpu.memory_space<vmem>>, vector<16xf32>,
          %swap3A_221 = vector.shape_cast %swap3A_220 : vector<16xf32> to vector<16xf32>
          %swap3A_222 = vector.shape_cast %sub3A_218 : vector<16xf32> to vector<16xf32>
          tpu.vector_store %arg9[%swap3A_219], %swap3A_222 {strides = array<i32>} : memref<336xf32, #tpu.memory_space<vmem>>, vector<16xf32>,
          %scan3A_223 = arith.constant 3 : i32
          %scan3A_224 = arith.addi %scan3A_149, %scan3A_223 : i32
          %mul3A_225 = arith.constant 16 : i32
          %mul3A_226 = arith.muli %scan3A_224, %mul3A_225 : i32
          %get3A_227 = arith.index_cast %mul3A_226 : i32 to index
          %get3A_228 = tpu.vector_load %arg5[%get3A_227] {strides = array<i32>} : memref<320xf32, #tpu.memory_space<vmem>>, vector<16xf32>,
          %get3A_229 = vector.shape_cast %get3A_228 : vector<16xf32> to vector<16xf32>
          %mul3A_230 = arith.constant 2.047000e+03 : f32
          %mul3A_231 = vector.broadcast %mul3A_230 : f32 to vector<16xf32>
          %mul3A_232 = arith.mulf %get3A_229, %mul3A_231 : vector<16xf32>
          %jit3A_233 = arith.constant 0.000000e+00 : f32
          %jit3A_234 = arith.constant 2.047000e+03 : f32
          %max3A_235 = vector.broadcast %jit3A_233 : f32 to vector<16xf32>
          %max3A_236 = arith.maximumf %max3A_235, %mul3A_232 : vector<16xf32>
          %min3A_237 = vector.broadcast %jit3A_234 : f32 to vector<16xf32>
          %min3A_238 = arith.minimumf %min3A_237, %max3A_236 : vector<16xf32>
          %convert_element_type3A_239 = arith.fptosi %min3A_238 : vector<16xf32> to vector<16xi32>
          %swap3A_240 = arith.index_cast %mul3A_226 : i32 to index
          %swap3A_241 = tpu.vector_load %arg7[%swap3A_240] {strides = array<i32>} : memref<320xi32, #tpu.memory_space<vmem>>, vector<16xi32>,
          %swap3A_242 = vector.shape_cast %swap3A_241 : vector<16xi32> to vector<16xi32>
          %swap3A_243 = vector.shape_cast %convert_element_type3A_239 : vector<16xi32> to vector<16xi32>
          tpu.vector_store %arg7[%swap3A_240], %swap3A_243 {strides = array<i32>} : memref<320xi32, #tpu.memory_space<vmem>>, vector<16xi32>,
          %convert_element_type3A_244 = arith.sitofp %convert_element_type3A_239 : vector<16xi32> to vector<16xf32>
          %sub3A_245 = arith.subf %min3A_238, %convert_element_type3A_244 : vector<16xf32>
          %swap3A_246 = arith.index_cast %mul3A_226 : i32 to index
          %swap3A_247 = tpu.vector_load %arg9[%swap3A_246] {strides = array<i32>} : memref<336xf32, #tpu.memory_space<vmem>>, vector<16xf32>,
          %swap3A_248 = vector.shape_cast %swap3A_247 : vector<16xf32> to vector<16xf32>
          %swap3A_249 = vector.shape_cast %sub3A_245 : vector<16xf32> to vector<16xf32>
          tpu.vector_store %arg9[%swap3A_246], %swap3A_249 {strides = array<i32>} : memref<336xf32, #tpu.memory_space<vmem>>, vector<16xf32>,
        }
        %scan3A_141 = arith.constant 20 : i32
        %ge3A = arith.constant 1 : i32
        %ge3A_142 = arith.cmpi sge, %add3A_92, %ge3A : i32
        %convert_element_type3A_143 = arith.extui %ge3A_142 : i1 to i32
        %cond3A_144 = arith.constant 0 : i32
        %cond3A_145 = arith.cmpi ne, %convert_element_type3A_143, %cond3A_144 : i32
        scf.if %cond3A_145 {
          %sub3A = arith.constant 1 : i32
          %sub3A_149 = arith.subi %add3A_92, %sub3A : i32
          %mul3A_150 = arith.constant 320 : i32
          %mul3A_151 = arith.muli %sub3A_149, %mul3A_150 : i32
          %add3A_152 = arith.addi %mul3A_2, %mul3A_151 : i32
          %dma_wait3A_153 = arith.constant 0 : i32
          %dma_wait3A_154 = arith.constant 0 : i32
          %dma_wait3A_155 = tpu.memref_slice %arg11[%dma_wait3A_153, %dma_wait3A_154] : memref<320x128xf32, #tpu.memory_space<vmem>> -> memref<320x64xf32, #tpu.memory_space<vmem>>
          %dma_wait3A_156 = arith.constant 0 : i32
          %dma_wait3A_157 = tpu.memref_slice %arg4[%add3A_152, %dma_wait3A_156] : memref<819200x128xf32, #tpu.memory_space<hbm>> -> memref<320x64xf32, #tpu.memory_space<hbm>>
          %dma_wait3A_158 = arith.constant 0 : i32
          %dma_wait3A_159 = tpu.memref_slice %arg4[%add3A_152, %dma_wait3A_158] : memref<819200x128xf32, #tpu.memory_space<hbm>> -> memref<320x64xf32, #tpu.memory_space<hbm>>
          %dma_wait3A_160 = arith.constant 0 : i32
          %dma_wait3A_161 = arith.constant 0 : i32
          %dma_wait3A_162 = tpu.memref_slice %arg11[%dma_wait3A_160, %dma_wait3A_161] : memref<320x128xf32, #tpu.memory_space<vmem>> -> memref<320x64xf32, #tpu.memory_space<vmem>>
          tpu.wait_dma2 semaphore(%arg17 : memref<!tpu.dma_semaphore, #tpu.memory_space<semaphore_mem>>) src(%dma_wait3A_162 : memref<320x64xf32, #tpu.memory_space<vmem>>) dst(%dma_wait3A_159 : memref<320x64xf32, #tpu.memory_space<hbm>>)
        } else {
        }
        %dma_start3A_146 = arith.constant 0 : i32
        %dma_start3A_147 = arith.constant 0 : i32
        %dma_start3A_148 = tpu.memref_slice %arg3[%dma_start3A_146, %dma_start3A_147] : memref<2048x128xf32, #tpu.memory_space<hbm>> -> memref<2048x128xf32, #tpu.memory_space<hbm>>
        tpu.enqueue_indirect_dma source(%dma_start3A_148 : memref<2048x128xf32, #tpu.memory_space<hbm>>) target(%arg11 : memref<320x128xf32, #tpu.memory_space<vmem>>) offsets(%arg7 : memref<320xi32, #tpu.memory_space<vmem>>) semaphore(%arg15 : memref<!tpu.dma_semaphore, #tpu.memory_space<semaphore_mem>>)
      } else {
      }
      %add3A_100 = arith.constant 2 : i32
      %add3A_101 = arith.addi %add3A_92, %add3A_100 : i32
      %lt3A_102 = arith.constant 80 : i32
      %lt3A_103 = arith.cmpi slt, %add3A_101, %lt3A_102 : i32
      %convert_element_type3A_104 = arith.extui %lt3A_103 : i1 to i32
      %cond3A_105 = arith.constant 0 : i32
      %cond3A_106 = arith.cmpi ne, %convert_element_type3A_104, %cond3A_105 : i32
      scf.if %cond3A_106 {
        %add3A_129 = arith.constant 2 : i32
        %add3A_130 = arith.addi %add3A_92, %add3A_129 : i32
        %mul3A_131 = arith.constant 320 : i32
        %mul3A_132 = arith.muli %add3A_130, %mul3A_131 : i32
        %add3A_133 = arith.addi %mul3A_2, %mul3A_132 : i32
        %dma_start3A_134 = tpu.memref_slice %arg2[%add3A_133] : memref<819200xf32, #tpu.memory_space<hbm>> -> memref<320xf32, #tpu.memory_space<hbm>>
        %dma_start3A_135 = tpu.memref_slice %arg2[%add3A_133] : memref<819200xf32, #tpu.memory_space<hbm>> -> memref<320xf32, #tpu.memory_space<hbm>>
        tpu.enqueue_dma source(%dma_start3A_135 : memref<320xf32, #tpu.memory_space<hbm>>) target(%arg6 : memref<320xf32, #tpu.memory_space<vmem>>) target_semaphore(%arg14 : memref<!tpu.dma_semaphore, #tpu.memory_space<semaphore_mem>>)
      } else {
      }
      %dma_wait3A_107 = arith.constant 0 : i32
      %dma_wait3A_108 = arith.constant 0 : i32
      %dma_wait3A_109 = tpu.memref_slice %arg3[%dma_wait3A_107, %dma_wait3A_108] : memref<2048x128xf32, #tpu.memory_space<hbm>> -> memref<2048x128xf32, #tpu.memory_space<hbm>>
      tpu.wait_indirect_dma semaphore(%arg16 : memref<!tpu.dma_semaphore, #tpu.memory_space<semaphore_mem>>) src(%dma_wait3A_109 : memref<2048x128xf32, #tpu.memory_space<hbm>>) dst(%arg12 : memref<320x128xf32, #tpu.memory_space<vmem>>)
      %scan3A_110 = arith.constant 0 : i32
      %scan3A_111 = arith.constant 0 : i32
      %scan3A_112 = arith.constant 320 : i32
      %scan3A_113 = arith.addi %scan3A_111, %scan3A_112 : i32
      %scan3A_114 = arith.constant 8 : i32
      scf.for %scan3A_129 = %scan3A_111 to %scan3A_113 step %scan3A_114  : i32 {
        %get3A = arith.index_cast %scan3A_129 : i32 to index
        %get3A_130 = tpu.vector_load %arg10[%get3A] {strides = array<i32>} : memref<336xf32, #tpu.memory_space<vmem>>, vector<16xf32>,
        %get3A_131 = vector.shape_cast %get3A_130 : vector<16xf32> to vector<16xf32>
        %slice3A = vector.extract_strided_slice %get3A_131 {offsets = [0], sizes = [1], strides = [1]} : vector<16xf32> to vector<1xf32>
        %squeeze3A = vector.extract %slice3A[0] : f32 from vector<1xf32>
        %get3A_132 = arith.index_cast %scan3A_129 : i32 to index
        %get3A_133 = arith.constant 0 : index
        %get3A_134 = tpu.vector_load %arg12[%get3A_132, %get3A_133] {strides = array<i32>} : memref<320x128xf32, #tpu.memory_space<vmem>>, vector<1x16xf32>,
        %get3A_135 = vector.shape_cast %get3A_134 : vector<1x16xf32> to vector<16xf32>
        %get3A_136 = arith.index_cast %scan3A_129 : i32 to index
        %get3A_137 = arith.constant 64 : index
        %get3A_138 = tpu.vector_load %arg12[%get3A_136, %get3A_137] {strides = array<i32>} : memref<320x128xf32, #tpu.memory_space<vmem>>, vector<1x16xf32>,
        %get3A_139 = vector.shape_cast %get3A_138 : vector<1x16xf32> to vector<16xf32>
        %mul3A_140 = vector.broadcast %squeeze3A : f32 to vector<16xf32>
        %mul3A_141 = arith.mulf %mul3A_140, %get3A_139 : vector<16xf32>
        %add3A_142 = arith.addf %get3A_135, %mul3A_141 : vector<16xf32>
        %swap3A = arith.index_cast %scan3A_129 : i32 to index
        %swap3A_143 = arith.constant 0 : index
        %swap3A_144 = tpu.vector_load %arg12[%swap3A, %swap3A_143] {strides = array<i32>} : memref<320x128xf32, #tpu.memory_space<vmem>>, vector<1x16xf32>,
        %swap3A_145 = vector.shape_cast %swap3A_144 : vector<1x16xf32> to vector<16xf32>
        %swap3A_146 = vector.shape_cast %add3A_142 : vector<16xf32> to vector<1x16xf32>
        tpu.vector_store %arg12[%swap3A, %swap3A_143], %swap3A_146 {strides = array<i32>} : memref<320x128xf32, #tpu.memory_space<vmem>>, vector<1x16xf32>,
        %get3A_147 = arith.index_cast %scan3A_129 : i32 to index
        %get3A_148 = arith.constant 16 : index
        %get3A_149 = tpu.vector_load %arg12[%get3A_147, %get3A_148] {strides = array<i32>} : memref<320x128xf32, #tpu.memory_space<vmem>>, vector<1x16xf32>,
        %get3A_150 = vector.shape_cast %get3A_149 : vector<1x16xf32> to vector<16xf32>
        %get3A_151 = arith.index_cast %scan3A_129 : i32 to index
        %get3A_152 = arith.constant 80 : index
        %get3A_153 = tpu.vector_load %arg12[%get3A_151, %get3A_152] {strides = array<i32>} : memref<320x128xf32, #tpu.memory_space<vmem>>, vector<1x16xf32>,
        %get3A_154 = vector.shape_cast %get3A_153 : vector<1x16xf32> to vector<16xf32>
        %mul3A_155 = vector.broadcast %squeeze3A : f32 to vector<16xf32>
        %mul3A_156 = arith.mulf %mul3A_155, %get3A_154 : vector<16xf32>
        %add3A_157 = arith.addf %get3A_150, %mul3A_156 : vector<16xf32>
        %swap3A_158 = arith.index_cast %scan3A_129 : i32 to index
        %swap3A_159 = arith.constant 16 : index
        %swap3A_160 = tpu.vector_load %arg12[%swap3A_158, %swap3A_159] {strides = array<i32>} : memref<320x128xf32, #tpu.memory_space<vmem>>, vector<1x16xf32>,
        %swap3A_161 = vector.shape_cast %swap3A_160 : vector<1x16xf32> to vector<16xf32>
        %swap3A_162 = vector.shape_cast %add3A_157 : vector<16xf32> to vector<1x16xf32>
        tpu.vector_store %arg12[%swap3A_158, %swap3A_159], %swap3A_162 {strides = array<i32>} : memref<320x128xf32, #tpu.memory_space<vmem>>, vector<1x16xf32>,
        %get3A_163 = arith.index_cast %scan3A_129 : i32 to index
        %get3A_164 = arith.constant 32 : index
        %get3A_165 = tpu.vector_load %arg12[%get3A_163, %get3A_164] {strides = array<i32>} : memref<320x128xf32, #tpu.memory_space<vmem>>, vector<1x16xf32>,
        %get3A_166 = vector.shape_cast %get3A_165 : vector<1x16xf32> to vector<16xf32>
        %get3A_167 = arith.index_cast %scan3A_129 : i32 to index
        %get3A_168 = arith.constant 96 : index
        %get3A_169 = tpu.vector_load %arg12[%get3A_167, %get3A_168] {strides = array<i32>} : memref<320x128xf32, #tpu.memory_space<vmem>>, vector<1x16xf32>,
        %get3A_170 = vector.shape_cast %get3A_169 : vector<1x16xf32> to vector<16xf32>
        %mul3A_171 = vector.broadcast %squeeze3A : f32 to vector<16xf32>
        %mul3A_172 = arith.mulf %mul3A_171, %get3A_170 : vector<16xf32>
        %add3A_173 = arith.addf %get3A_166, %mul3A_172 : vector<16xf32>
        %swap3A_174 = arith.index_cast %scan3A_129 : i32 to index
        %swap3A_175 = arith.constant 32 : index
        %swap3A_176 = tpu.vector_load %arg12[%swap3A_174, %swap3A_175] {strides = array<i32>} : memref<320x128xf32, #tpu.memory_space<vmem>>, vector<1x16xf32>,
        %swap3A_177 = vector.shape_cast %swap3A_176 : vector<1x16xf32> to vector<16xf32>
        %swap3A_178 = vector.shape_cast %add3A_173 : vector<16xf32> to vector<1x16xf32>
        tpu.vector_store %arg12[%swap3A_174, %swap3A_175], %swap3A_178 {strides = array<i32>} : memref<320x128xf32, #tpu.memory_space<vmem>>, vector<1x16xf32>,
        %get3A_179 = arith.index_cast %scan3A_129 : i32 to index
        %get3A_180 = arith.constant 48 : index
        %get3A_181 = tpu.vector_load %arg12[%get3A_179, %get3A_180] {strides = array<i32>} : memref<320x128xf32, #tpu.memory_space<vmem>>, vector<1x16xf32>,
        %get3A_182 = vector.shape_cast %get3A_181 : vector<1x16xf32> to vector<16xf32>
        %get3A_183 = arith.index_cast %scan3A_129 : i32 to index
        %get3A_184 = arith.constant 112 : index
        %get3A_185 = tpu.vector_load %arg12[%get3A_183, %get3A_184] {strides = array<i32>} : memref<320x128xf32, #tpu.memory_space<vmem>>, vector<1x16xf32>,
        %get3A_186 = vector.shape_cast %get3A_185 : vector<1x16xf32> to vector<16xf32>
        %mul3A_187 = vector.broadcast %squeeze3A : f32 to vector<16xf32>
        %mul3A_188 = arith.mulf %mul3A_187, %get3A_186 : vector<16xf32>
        %add3A_189 = arith.addf %get3A_182, %mul3A_188 : vector<16xf32>
        %swap3A_190 = arith.index_cast %scan3A_129 : i32 to index
        %swap3A_191 = arith.constant 48 : index
        %swap3A_192 = tpu.vector_load %arg12[%swap3A_190, %swap3A_191] {strides = array<i32>} : memref<320x128xf32, #tpu.memory_space<vmem>>, vector<1x16xf32>,
        %swap3A_193 = vector.shape_cast %swap3A_192 : vector<1x16xf32> to vector<16xf32>
        %swap3A_194 = vector.shape_cast %add3A_189 : vector<16xf32> to vector<1x16xf32>
        tpu.vector_store %arg12[%swap3A_190, %swap3A_191], %swap3A_194 {strides = array<i32>} : memref<320x128xf32, #tpu.memory_space<vmem>>, vector<1x16xf32>,
        %scan3A_195 = arith.constant 1 : i32
        %scan3A_196 = arith.addi %scan3A_129, %scan3A_195 : i32
        %get3A_197 = arith.index_cast %scan3A_196 : i32 to index
        %get3A_198 = tpu.vector_load %arg10[%get3A_197] {strides = array<i32>} : memref<336xf32, #tpu.memory_space<vmem>>, vector<16xf32>,
        %get3A_199 = vector.shape_cast %get3A_198 : vector<16xf32> to vector<16xf32>
        %slice3A_200 = vector.extract_strided_slice %get3A_199 {offsets = [0], sizes = [1], strides = [1]} : vector<16xf32> to vector<1xf32>
        %squeeze3A_201 = vector.extract %slice3A_200[0] : f32 from vector<1xf32>
        %get3A_202 = arith.index_cast %scan3A_196 : i32 to index
        %get3A_203 = arith.constant 0 : index
        %get3A_204 = tpu.vector_load %arg12[%get3A_202, %get3A_203] {strides = array<i32>} : memref<320x128xf32, #tpu.memory_space<vmem>>, vector<1x16xf32>,
        %get3A_205 = vector.shape_cast %get3A_204 : vector<1x16xf32> to vector<16xf32>
        %get3A_206 = arith.index_cast %scan3A_196 : i32 to index
        %get3A_207 = arith.constant 64 : index
        %get3A_208 = tpu.vector_load %arg12[%get3A_206, %get3A_207] {strides = array<i32>} : memref<320x128xf32, #tpu.memory_space<vmem>>, vector<1x16xf32>,
        %get3A_209 = vector.shape_cast %get3A_208 : vector<1x16xf32> to vector<16xf32>
        %mul3A_210 = vector.broadcast %squeeze3A_201 : f32 to vector<16xf32>
        %mul3A_211 = arith.mulf %mul3A_210, %get3A_209 : vector<16xf32>
        %add3A_212 = arith.addf %get3A_205, %mul3A_211 : vector<16xf32>
        %swap3A_213 = arith.index_cast %scan3A_196 : i32 to index
        %swap3A_214 = arith.constant 0 : index
        %swap3A_215 = tpu.vector_load %arg12[%swap3A_213, %swap3A_214] {strides = array<i32>} : memref<320x128xf32, #tpu.memory_space<vmem>>, vector<1x16xf32>,
        %swap3A_216 = vector.shape_cast %swap3A_215 : vector<1x16xf32> to vector<16xf32>
        %swap3A_217 = vector.shape_cast %add3A_212 : vector<16xf32> to vector<1x16xf32>
        tpu.vector_store %arg12[%swap3A_213, %swap3A_214], %swap3A_217 {strides = array<i32>} : memref<320x128xf32, #tpu.memory_space<vmem>>, vector<1x16xf32>,
        %get3A_218 = arith.index_cast %scan3A_196 : i32 to index
        %get3A_219 = arith.constant 16 : index
        %get3A_220 = tpu.vector_load %arg12[%get3A_218, %get3A_219] {strides = array<i32>} : memref<320x128xf32, #tpu.memory_space<vmem>>, vector<1x16xf32>,
        %get3A_221 = vector.shape_cast %get3A_220 : vector<1x16xf32> to vector<16xf32>
        %get3A_222 = arith.index_cast %scan3A_196 : i32 to index
        %get3A_223 = arith.constant 80 : index
        %get3A_224 = tpu.vector_load %arg12[%get3A_222, %get3A_223] {strides = array<i32>} : memref<320x128xf32, #tpu.memory_space<vmem>>, vector<1x16xf32>,
        %get3A_225 = vector.shape_cast %get3A_224 : vector<1x16xf32> to vector<16xf32>
        %mul3A_226 = vector.broadcast %squeeze3A_201 : f32 to vector<16xf32>
        %mul3A_227 = arith.mulf %mul3A_226, %get3A_225 : vector<16xf32>
        %add3A_228 = arith.addf %get3A_221, %mul3A_227 : vector<16xf32>
        %swap3A_229 = arith.index_cast %scan3A_196 : i32 to index
        %swap3A_230 = arith.constant 16 : index
        %swap3A_231 = tpu.vector_load %arg12[%swap3A_229, %swap3A_230] {strides = array<i32>} : memref<320x128xf32, #tpu.memory_space<vmem>>, vector<1x16xf32>,
        %swap3A_232 = vector.shape_cast %swap3A_231 : vector<1x16xf32> to vector<16xf32>
        %swap3A_233 = vector.shape_cast %add3A_228 : vector<16xf32> to vector<1x16xf32>
        tpu.vector_store %arg12[%swap3A_229, %swap3A_230], %swap3A_233 {strides = array<i32>} : memref<320x128xf32, #tpu.memory_space<vmem>>, vector<1x16xf32>,
        %get3A_234 = arith.index_cast %scan3A_196 : i32 to index
        %get3A_235 = arith.constant 32 : index
        %get3A_236 = tpu.vector_load %arg12[%get3A_234, %get3A_235] {strides = array<i32>} : memref<320x128xf32, #tpu.memory_space<vmem>>, vector<1x16xf32>,
        %get3A_237 = vector.shape_cast %get3A_236 : vector<1x16xf32> to vector<16xf32>
        %get3A_238 = arith.index_cast %scan3A_196 : i32 to index
        %get3A_239 = arith.constant 96 : index
        %get3A_240 = tpu.vector_load %arg12[%get3A_238, %get3A_239] {strides = array<i32>} : memref<320x128xf32, #tpu.memory_space<vmem>>, vector<1x16xf32>,
        %get3A_241 = vector.shape_cast %get3A_240 : vector<1x16xf32> to vector<16xf32>
        %mul3A_242 = vector.broadcast %squeeze3A_201 : f32 to vector<16xf32>
        %mul3A_243 = arith.mulf %mul3A_242, %get3A_241 : vector<16xf32>
        %add3A_244 = arith.addf %get3A_237, %mul3A_243 : vector<16xf32>
        %swap3A_245 = arith.index_cast %scan3A_196 : i32 to index
        %swap3A_246 = arith.constant 32 : index
        %swap3A_247 = tpu.vector_load %arg12[%swap3A_245, %swap3A_246] {strides = array<i32>} : memref<320x128xf32, #tpu.memory_space<vmem>>, vector<1x16xf32>,
        %swap3A_248 = vector.shape_cast %swap3A_247 : vector<1x16xf32> to vector<16xf32>
        %swap3A_249 = vector.shape_cast %add3A_244 : vector<16xf32> to vector<1x16xf32>
        tpu.vector_store %arg12[%swap3A_245, %swap3A_246], %swap3A_249 {strides = array<i32>} : memref<320x128xf32, #tpu.memory_space<vmem>>, vector<1x16xf32>,
        %get3A_250 = arith.index_cast %scan3A_196 : i32 to index
        %get3A_251 = arith.constant 48 : index
        %get3A_252 = tpu.vector_load %arg12[%get3A_250, %get3A_251] {strides = array<i32>} : memref<320x128xf32, #tpu.memory_space<vmem>>, vector<1x16xf32>,
        %get3A_253 = vector.shape_cast %get3A_252 : vector<1x16xf32> to vector<16xf32>
        %get3A_254 = arith.index_cast %scan3A_196 : i32 to index
        %get3A_255 = arith.constant 112 : index
        %get3A_256 = tpu.vector_load %arg12[%get3A_254, %get3A_255] {strides = array<i32>} : memref<320x128xf32, #tpu.memory_space<vmem>>, vector<1x16xf32>,
        %get3A_257 = vector.shape_cast %get3A_256 : vector<1x16xf32> to vector<16xf32>
        %mul3A_258 = vector.broadcast %squeeze3A_201 : f32 to vector<16xf32>
        %mul3A_259 = arith.mulf %mul3A_258, %get3A_257 : vector<16xf32>
        %add3A_260 = arith.addf %get3A_253, %mul3A_259 : vector<16xf32>
        %swap3A_261 = arith.index_cast %scan3A_196 : i32 to index
        %swap3A_262 = arith.constant 48 : index
        %swap3A_263 = tpu.vector_load %arg12[%swap3A_261, %swap3A_262] {strides = array<i32>} : memref<320x128xf32, #tpu.memory_space<vmem>>, vector<1x16xf32>,
        %swap3A_264 = vector.shape_cast %swap3A_263 : vector<1x16xf32> to vector<16xf32>
        %swap3A_265 = vector.shape_cast %add3A_260 : vector<16xf32> to vector<1x16xf32>
        tpu.vector_store %arg12[%swap3A_261, %swap3A_262], %swap3A_265 {strides = array<i32>} : memref<320x128xf32, #tpu.memory_space<vmem>>, vector<1x16xf32>,
        %scan3A_266 = arith.constant 2 : i32
        %scan3A_267 = arith.addi %scan3A_129, %scan3A_266 : i32
        %get3A_268 = arith.index_cast %scan3A_267 : i32 to index
        %get3A_269 = tpu.vector_load %arg10[%get3A_268] {strides = array<i32>} : memref<336xf32, #tpu.memory_space<vmem>>, vector<16xf32>,
        %get3A_270 = vector.shape_cast %get3A_269 : vector<16xf32> to vector<16xf32>
        %slice3A_271 = vector.extract_strided_slice %get3A_270 {offsets = [0], sizes = [1], strides = [1]} : vector<16xf32> to vector<1xf32>
        %squeeze3A_272 = vector.extract %slice3A_271[0] : f32 from vector<1xf32>
        %get3A_273 = arith.index_cast %scan3A_267 : i32 to index
        %get3A_274 = arith.constant 0 : index
        %get3A_275 = tpu.vector_load %arg12[%get3A_273, %get3A_274] {strides = array<i32>} : memref<320x128xf32, #tpu.memory_space<vmem>>, vector<1x16xf32>,
        %get3A_276 = vector.shape_cast %get3A_275 : vector<1x16xf32> to vector<16xf32>
        %get3A_277 = arith.index_cast %scan3A_267 : i32 to index
        %get3A_278 = arith.constant 64 : index
        %get3A_279 = tpu.vector_load %arg12[%get3A_277, %get3A_278] {strides = array<i32>} : memref<320x128xf32, #tpu.memory_space<vmem>>, vector<1x16xf32>,
        %get3A_280 = vector.shape_cast %get3A_279 : vector<1x16xf32> to vector<16xf32>
        %mul3A_281 = vector.broadcast %squeeze3A_272 : f32 to vector<16xf32>
        %mul3A_282 = arith.mulf %mul3A_281, %get3A_280 : vector<16xf32>
        %add3A_283 = arith.addf %get3A_276, %mul3A_282 : vector<16xf32>
        %swap3A_284 = arith.index_cast %scan3A_267 : i32 to index
        %swap3A_285 = arith.constant 0 : index
        %swap3A_286 = tpu.vector_load %arg12[%swap3A_284, %swap3A_285] {strides = array<i32>} : memref<320x128xf32, #tpu.memory_space<vmem>>, vector<1x16xf32>,
        %swap3A_287 = vector.shape_cast %swap3A_286 : vector<1x16xf32> to vector<16xf32>
        %swap3A_288 = vector.shape_cast %add3A_283 : vector<16xf32> to vector<1x16xf32>
        tpu.vector_store %arg12[%swap3A_284, %swap3A_285], %swap3A_288 {strides = array<i32>} : memref<320x128xf32, #tpu.memory_space<vmem>>, vector<1x16xf32>,
        %get3A_289 = arith.index_cast %scan3A_267 : i32 to index
        %get3A_290 = arith.constant 16 : index
        %get3A_291 = tpu.vector_load %arg12[%get3A_289, %get3A_290] {strides = array<i32>} : memref<320x128xf32, #tpu.memory_space<vmem>>, vector<1x16xf32>,
        %get3A_292 = vector.shape_cast %get3A_291 : vector<1x16xf32> to vector<16xf32>
        %get3A_293 = arith.index_cast %scan3A_267 : i32 to index
        %get3A_294 = arith.constant 80 : index
        %get3A_295 = tpu.vector_load %arg12[%get3A_293, %get3A_294] {strides = array<i32>} : memref<320x128xf32, #tpu.memory_space<vmem>>, vector<1x16xf32>,
        %get3A_296 = vector.shape_cast %get3A_295 : vector<1x16xf32> to vector<16xf32>
        %mul3A_297 = vector.broadcast %squeeze3A_272 : f32 to vector<16xf32>
        %mul3A_298 = arith.mulf %mul3A_297, %get3A_296 : vector<16xf32>
        %add3A_299 = arith.addf %get3A_292, %mul3A_298 : vector<16xf32>
        %swap3A_300 = arith.index_cast %scan3A_267 : i32 to index
        %swap3A_301 = arith.constant 16 : index
        %swap3A_302 = tpu.vector_load %arg12[%swap3A_300, %swap3A_301] {strides = array<i32>} : memref<320x128xf32, #tpu.memory_space<vmem>>, vector<1x16xf32>,
        %swap3A_303 = vector.shape_cast %swap3A_302 : vector<1x16xf32> to vector<16xf32>
        %swap3A_304 = vector.shape_cast %add3A_299 : vector<16xf32> to vector<1x16xf32>
        tpu.vector_store %arg12[%swap3A_300, %swap3A_301], %swap3A_304 {strides = array<i32>} : memref<320x128xf32, #tpu.memory_space<vmem>>, vector<1x16xf32>,
        %get3A_305 = arith.index_cast %scan3A_267 : i32 to index
        %get3A_306 = arith.constant 32 : index
        %get3A_307 = tpu.vector_load %arg12[%get3A_305, %get3A_306] {strides = array<i32>} : memref<320x128xf32, #tpu.memory_space<vmem>>, vector<1x16xf32>,
        %get3A_308 = vector.shape_cast %get3A_307 : vector<1x16xf32> to vector<16xf32>
        %get3A_309 = arith.index_cast %scan3A_267 : i32 to index
        %get3A_310 = arith.constant 96 : index
        %get3A_311 = tpu.vector_load %arg12[%get3A_309, %get3A_310] {strides = array<i32>} : memref<320x128xf32, #tpu.memory_space<vmem>>, vector<1x16xf32>,
        %get3A_312 = vector.shape_cast %get3A_311 : vector<1x16xf32> to vector<16xf32>
        %mul3A_313 = vector.broadcast %squeeze3A_272 : f32 to vector<16xf32>
        %mul3A_314 = arith.mulf %mul3A_313, %get3A_312 : vector<16xf32>
        %add3A_315 = arith.addf %get3A_308, %mul3A_314 : vector<16xf32>
        %swap3A_316 = arith.index_cast %scan3A_267 : i32 to index
        %swap3A_317 = arith.constant 32 : index
        %swap3A_318 = tpu.vector_load %arg12[%swap3A_316, %swap3A_317] {strides = array<i32>} : memref<320x128xf32, #tpu.memory_space<vmem>>, vector<1x16xf32>,
        %swap3A_319 = vector.shape_cast %swap3A_318 : vector<1x16xf32> to vector<16xf32>
        %swap3A_320 = vector.shape_cast %add3A_315 : vector<16xf32> to vector<1x16xf32>
        tpu.vector_store %arg12[%swap3A_316, %swap3A_317], %swap3A_320 {strides = array<i32>} : memref<320x128xf32, #tpu.memory_space<vmem>>, vector<1x16xf32>,
        %get3A_321 = arith.index_cast %scan3A_267 : i32 to index
        %get3A_322 = arith.constant 48 : index
        %get3A_323 = tpu.vector_load %arg12[%get3A_321, %get3A_322] {strides = array<i32>} : memref<320x128xf32, #tpu.memory_space<vmem>>, vector<1x16xf32>,
        %get3A_324 = vector.shape_cast %get3A_323 : vector<1x16xf32> to vector<16xf32>
        %get3A_325 = arith.index_cast %scan3A_267 : i32 to index
        %get3A_326 = arith.constant 112 : index
        %get3A_327 = tpu.vector_load %arg12[%get3A_325, %get3A_326] {strides = array<i32>} : memref<320x128xf32, #tpu.memory_space<vmem>>, vector<1x16xf32>,
        %get3A_328 = vector.shape_cast %get3A_327 : vector<1x16xf32> to vector<16xf32>
        %mul3A_329 = vector.broadcast %squeeze3A_272 : f32 to vector<16xf32>
        %mul3A_330 = arith.mulf %mul3A_329, %get3A_328 : vector<16xf32>
        %add3A_331 = arith.addf %get3A_324, %mul3A_330 : vector<16xf32>
        %swap3A_332 = arith.index_cast %scan3A_267 : i32 to index
        %swap3A_333 = arith.constant 48 : index
        %swap3A_334 = tpu.vector_load %arg12[%swap3A_332, %swap3A_333] {strides = array<i32>} : memref<320x128xf32, #tpu.memory_space<vmem>>, vector<1x16xf32>,
        %swap3A_335 = vector.shape_cast %swap3A_334 : vector<1x16xf32> to vector<16xf32>
        %swap3A_336 = vector.shape_cast %add3A_331 : vector<16xf32> to vector<1x16xf32>
        tpu.vector_store %arg12[%swap3A_332, %swap3A_333], %swap3A_336 {strides = array<i32>} : memref<320x128xf32, #tpu.memory_space<vmem>>, vector<1x16xf32>,
        %scan3A_337 = arith.constant 3 : i32
        %scan3A_338 = arith.addi %scan3A_129, %scan3A_337 : i32
        %get3A_339 = arith.index_cast %scan3A_338 : i32 to index
        %get3A_340 = tpu.vector_load %arg10[%get3A_339] {strides = array<i32>} : memref<336xf32, #tpu.memory_space<vmem>>, vector<16xf32>,
        %get3A_341 = vector.shape_cast %get3A_340 : vector<16xf32> to vector<16xf32>
        %slice3A_342 = vector.extract_strided_slice %get3A_341 {offsets = [0], sizes = [1], strides = [1]} : vector<16xf32> to vector<1xf32>
        %squeeze3A_343 = vector.extract %slice3A_342[0] : f32 from vector<1xf32>
        %get3A_344 = arith.index_cast %scan3A_338 : i32 to index
        %get3A_345 = arith.constant 0 : index
        %get3A_346 = tpu.vector_load %arg12[%get3A_344, %get3A_345] {strides = array<i32>} : memref<320x128xf32, #tpu.memory_space<vmem>>, vector<1x16xf32>,
        %get3A_347 = vector.shape_cast %get3A_346 : vector<1x16xf32> to vector<16xf32>
        %get3A_348 = arith.index_cast %scan3A_338 : i32 to index
        %get3A_349 = arith.constant 64 : index
        %get3A_350 = tpu.vector_load %arg12[%get3A_348, %get3A_349] {strides = array<i32>} : memref<320x128xf32, #tpu.memory_space<vmem>>, vector<1x16xf32>,
        %get3A_351 = vector.shape_cast %get3A_350 : vector<1x16xf32> to vector<16xf32>
        %mul3A_352 = vector.broadcast %squeeze3A_343 : f32 to vector<16xf32>
        %mul3A_353 = arith.mulf %mul3A_352, %get3A_351 : vector<16xf32>
        %add3A_354 = arith.addf %get3A_347, %mul3A_353 : vector<16xf32>
        %swap3A_355 = arith.index_cast %scan3A_338 : i32 to index
        %swap3A_356 = arith.constant 0 : index
        %swap3A_357 = tpu.vector_load %arg12[%swap3A_355, %swap3A_356] {strides = array<i32>} : memref<320x128xf32, #tpu.memory_space<vmem>>, vector<1x16xf32>,
        %swap3A_358 = vector.shape_cast %swap3A_357 : vector<1x16xf32> to vector<16xf32>
        %swap3A_359 = vector.shape_cast %add3A_354 : vector<16xf32> to vector<1x16xf32>
        tpu.vector_store %arg12[%swap3A_355, %swap3A_356], %swap3A_359 {strides = array<i32>} : memref<320x128xf32, #tpu.memory_space<vmem>>, vector<1x16xf32>,
        %get3A_360 = arith.index_cast %scan3A_338 : i32 to index
        %get3A_361 = arith.constant 16 : index
        %get3A_362 = tpu.vector_load %arg12[%get3A_360, %get3A_361] {strides = array<i32>} : memref<320x128xf32, #tpu.memory_space<vmem>>, vector<1x16xf32>,
        %get3A_363 = vector.shape_cast %get3A_362 : vector<1x16xf32> to vector<16xf32>
        %get3A_364 = arith.index_cast %scan3A_338 : i32 to index
        %get3A_365 = arith.constant 80 : index
        %get3A_366 = tpu.vector_load %arg12[%get3A_364, %get3A_365] {strides = array<i32>} : memref<320x128xf32, #tpu.memory_space<vmem>>, vector<1x16xf32>,
        %get3A_367 = vector.shape_cast %get3A_366 : vector<1x16xf32> to vector<16xf32>
        %mul3A_368 = vector.broadcast %squeeze3A_343 : f32 to vector<16xf32>
        %mul3A_369 = arith.mulf %mul3A_368, %get3A_367 : vector<16xf32>
        %add3A_370 = arith.addf %get3A_363, %mul3A_369 : vector<16xf32>
        %swap3A_371 = arith.index_cast %scan3A_338 : i32 to index
        %swap3A_372 = arith.constant 16 : index
        %swap3A_373 = tpu.vector_load %arg12[%swap3A_371, %swap3A_372] {strides = array<i32>} : memref<320x128xf32, #tpu.memory_space<vmem>>, vector<1x16xf32>,
        %swap3A_374 = vector.shape_cast %swap3A_373 : vector<1x16xf32> to vector<16xf32>
        %swap3A_375 = vector.shape_cast %add3A_370 : vector<16xf32> to vector<1x16xf32>
        tpu.vector_store %arg12[%swap3A_371, %swap3A_372], %swap3A_375 {strides = array<i32>} : memref<320x128xf32, #tpu.memory_space<vmem>>, vector<1x16xf32>,
        %get3A_376 = arith.index_cast %scan3A_338 : i32 to index
        %get3A_377 = arith.constant 32 : index
        %get3A_378 = tpu.vector_load %arg12[%get3A_376, %get3A_377] {strides = array<i32>} : memref<320x128xf32, #tpu.memory_space<vmem>>, vector<1x16xf32>,
        %get3A_379 = vector.shape_cast %get3A_378 : vector<1x16xf32> to vector<16xf32>
        %get3A_380 = arith.index_cast %scan3A_338 : i32 to index
        %get3A_381 = arith.constant 96 : index
        %get3A_382 = tpu.vector_load %arg12[%get3A_380, %get3A_381] {strides = array<i32>} : memref<320x128xf32, #tpu.memory_space<vmem>>, vector<1x16xf32>,
        %get3A_383 = vector.shape_cast %get3A_382 : vector<1x16xf32> to vector<16xf32>
        %mul3A_384 = vector.broadcast %squeeze3A_343 : f32 to vector<16xf32>
        %mul3A_385 = arith.mulf %mul3A_384, %get3A_383 : vector<16xf32>
        %add3A_386 = arith.addf %get3A_379, %mul3A_385 : vector<16xf32>
        %swap3A_387 = arith.index_cast %scan3A_338 : i32 to index
        %swap3A_388 = arith.constant 32 : index
        %swap3A_389 = tpu.vector_load %arg12[%swap3A_387, %swap3A_388] {strides = array<i32>} : memref<320x128xf32, #tpu.memory_space<vmem>>, vector<1x16xf32>,
        %swap3A_390 = vector.shape_cast %swap3A_389 : vector<1x16xf32> to vector<16xf32>
        %swap3A_391 = vector.shape_cast %add3A_386 : vector<16xf32> to vector<1x16xf32>
        tpu.vector_store %arg12[%swap3A_387, %swap3A_388], %swap3A_391 {strides = array<i32>} : memref<320x128xf32, #tpu.memory_space<vmem>>, vector<1x16xf32>,
        %get3A_392 = arith.index_cast %scan3A_338 : i32 to index
        %get3A_393 = arith.constant 48 : index
        %get3A_394 = tpu.vector_load %arg12[%get3A_392, %get3A_393] {strides = array<i32>} : memref<320x128xf32, #tpu.memory_space<vmem>>, vector<1x16xf32>,
        %get3A_395 = vector.shape_cast %get3A_394 : vector<1x16xf32> to vector<16xf32>
        %get3A_396 = arith.index_cast %scan3A_338 : i32 to index
        %get3A_397 = arith.constant 112 : index
        %get3A_398 = tpu.vector_load %arg12[%get3A_396, %get3A_397] {strides = array<i32>} : memref<320x128xf32, #tpu.memory_space<vmem>>, vector<1x16xf32>,
        %get3A_399 = vector.shape_cast %get3A_398 : vector<1x16xf32> to vector<16xf32>
        %mul3A_400 = vector.broadcast %squeeze3A_343 : f32 to vector<16xf32>
        %mul3A_401 = arith.mulf %mul3A_400, %get3A_399 : vector<16xf32>
        %add3A_402 = arith.addf %get3A_395, %mul3A_401 : vector<16xf32>
        %swap3A_403 = arith.index_cast %scan3A_338 : i32 to index
        %swap3A_404 = arith.constant 48 : index
        %swap3A_405 = tpu.vector_load %arg12[%swap3A_403, %swap3A_404] {strides = array<i32>} : memref<320x128xf32, #tpu.memory_space<vmem>>, vector<1x16xf32>,
        %swap3A_406 = vector.shape_cast %swap3A_405 : vector<1x16xf32> to vector<16xf32>
        %swap3A_407 = vector.shape_cast %add3A_402 : vector<16xf32> to vector<1x16xf32>
        tpu.vector_store %arg12[%swap3A_403, %swap3A_404], %swap3A_407 {strides = array<i32>} : memref<320x128xf32, #tpu.memory_space<vmem>>, vector<1x16xf32>,
        %scan3A_408 = arith.constant 4 : i32
        %scan3A_409 = arith.addi %scan3A_129, %scan3A_408 : i32
        %get3A_410 = arith.index_cast %scan3A_409 : i32 to index
        %get3A_411 = tpu.vector_load %arg10[%get3A_410] {strides = array<i32>} : memref<336xf32, #tpu.memory_space<vmem>>, vector<16xf32>,
        %get3A_412 = vector.shape_cast %get3A_411 : vector<16xf32> to vector<16xf32>
        %slice3A_413 = vector.extract_strided_slice %get3A_412 {offsets = [0], sizes = [1], strides = [1]} : vector<16xf32> to vector<1xf32>
        %squeeze3A_414 = vector.extract %slice3A_413[0] : f32 from vector<1xf32>
        %get3A_415 = arith.index_cast %scan3A_409 : i32 to index
        %get3A_416 = arith.constant 0 : index
        %get3A_417 = tpu.vector_load %arg12[%get3A_415, %get3A_416] {strides = array<i32>} : memref<320x128xf32, #tpu.memory_space<vmem>>, vector<1x16xf32>,
        %get3A_418 = vector.shape_cast %get3A_417 : vector<1x16xf32> to vector<16xf32>
        %get3A_419 = arith.index_cast %scan3A_409 : i32 to index
        %get3A_420 = arith.constant 64 : index
        %get3A_421 = tpu.vector_load %arg12[%get3A_419, %get3A_420] {strides = array<i32>} : memref<320x128xf32, #tpu.memory_space<vmem>>, vector<1x16xf32>,
        %get3A_422 = vector.shape_cast %get3A_421 : vector<1x16xf32> to vector<16xf32>
        %mul3A_423 = vector.broadcast %squeeze3A_414 : f32 to vector<16xf32>
        %mul3A_424 = arith.mulf %mul3A_423, %get3A_422 : vector<16xf32>
        %add3A_425 = arith.addf %get3A_418, %mul3A_424 : vector<16xf32>
        %swap3A_426 = arith.index_cast %scan3A_409 : i32 to index
        %swap3A_427 = arith.constant 0 : index
        %swap3A_428 = tpu.vector_load %arg12[%swap3A_426, %swap3A_427] {strides = array<i32>} : memref<320x128xf32, #tpu.memory_space<vmem>>, vector<1x16xf32>,
        %swap3A_429 = vector.shape_cast %swap3A_428 : vector<1x16xf32> to vector<16xf32>
        %swap3A_430 = vector.shape_cast %add3A_425 : vector<16xf32> to vector<1x16xf32>
        tpu.vector_store %arg12[%swap3A_426, %swap3A_427], %swap3A_430 {strides = array<i32>} : memref<320x128xf32, #tpu.memory_space<vmem>>, vector<1x16xf32>,
        %get3A_431 = arith.index_cast %scan3A_409 : i32 to index
        %get3A_432 = arith.constant 16 : index
        %get3A_433 = tpu.vector_load %arg12[%get3A_431, %get3A_432] {strides = array<i32>} : memref<320x128xf32, #tpu.memory_space<vmem>>, vector<1x16xf32>,
        %get3A_434 = vector.shape_cast %get3A_433 : vector<1x16xf32> to vector<16xf32>
        %get3A_435 = arith.index_cast %scan3A_409 : i32 to index
        %get3A_436 = arith.constant 80 : index
        %get3A_437 = tpu.vector_load %arg12[%get3A_435, %get3A_436] {strides = array<i32>} : memref<320x128xf32, #tpu.memory_space<vmem>>, vector<1x16xf32>,
        %get3A_438 = vector.shape_cast %get3A_437 : vector<1x16xf32> to vector<16xf32>
        %mul3A_439 = vector.broadcast %squeeze3A_414 : f32 to vector<16xf32>
        %mul3A_440 = arith.mulf %mul3A_439, %get3A_438 : vector<16xf32>
        %add3A_441 = arith.addf %get3A_434, %mul3A_440 : vector<16xf32>
        %swap3A_442 = arith.index_cast %scan3A_409 : i32 to index
        %swap3A_443 = arith.constant 16 : index
        %swap3A_444 = tpu.vector_load %arg12[%swap3A_442, %swap3A_443] {strides = array<i32>} : memref<320x128xf32, #tpu.memory_space<vmem>>, vector<1x16xf32>,
        %swap3A_445 = vector.shape_cast %swap3A_444 : vector<1x16xf32> to vector<16xf32>
        %swap3A_446 = vector.shape_cast %add3A_441 : vector<16xf32> to vector<1x16xf32>
        tpu.vector_store %arg12[%swap3A_442, %swap3A_443], %swap3A_446 {strides = array<i32>} : memref<320x128xf32, #tpu.memory_space<vmem>>, vector<1x16xf32>,
        %get3A_447 = arith.index_cast %scan3A_409 : i32 to index
        %get3A_448 = arith.constant 32 : index
        %get3A_449 = tpu.vector_load %arg12[%get3A_447, %get3A_448] {strides = array<i32>} : memref<320x128xf32, #tpu.memory_space<vmem>>, vector<1x16xf32>,
        %get3A_450 = vector.shape_cast %get3A_449 : vector<1x16xf32> to vector<16xf32>
        %get3A_451 = arith.index_cast %scan3A_409 : i32 to index
        %get3A_452 = arith.constant 96 : index
        %get3A_453 = tpu.vector_load %arg12[%get3A_451, %get3A_452] {strides = array<i32>} : memref<320x128xf32, #tpu.memory_space<vmem>>, vector<1x16xf32>,
        %get3A_454 = vector.shape_cast %get3A_453 : vector<1x16xf32> to vector<16xf32>
        %mul3A_455 = vector.broadcast %squeeze3A_414 : f32 to vector<16xf32>
        %mul3A_456 = arith.mulf %mul3A_455, %get3A_454 : vector<16xf32>
        %add3A_457 = arith.addf %get3A_450, %mul3A_456 : vector<16xf32>
        %swap3A_458 = arith.index_cast %scan3A_409 : i32 to index
        %swap3A_459 = arith.constant 32 : index
        %swap3A_460 = tpu.vector_load %arg12[%swap3A_458, %swap3A_459] {strides = array<i32>} : memref<320x128xf32, #tpu.memory_space<vmem>>, vector<1x16xf32>,
        %swap3A_461 = vector.shape_cast %swap3A_460 : vector<1x16xf32> to vector<16xf32>
        %swap3A_462 = vector.shape_cast %add3A_457 : vector<16xf32> to vector<1x16xf32>
        tpu.vector_store %arg12[%swap3A_458, %swap3A_459], %swap3A_462 {strides = array<i32>} : memref<320x128xf32, #tpu.memory_space<vmem>>, vector<1x16xf32>,
        %get3A_463 = arith.index_cast %scan3A_409 : i32 to index
        %get3A_464 = arith.constant 48 : index
        %get3A_465 = tpu.vector_load %arg12[%get3A_463, %get3A_464] {strides = array<i32>} : memref<320x128xf32, #tpu.memory_space<vmem>>, vector<1x16xf32>,
        %get3A_466 = vector.shape_cast %get3A_465 : vector<1x16xf32> to vector<16xf32>
        %get3A_467 = arith.index_cast %scan3A_409 : i32 to index
        %get3A_468 = arith.constant 112 : index
        %get3A_469 = tpu.vector_load %arg12[%get3A_467, %get3A_468] {strides = array<i32>} : memref<320x128xf32, #tpu.memory_space<vmem>>, vector<1x16xf32>,
        %get3A_470 = vector.shape_cast %get3A_469 : vector<1x16xf32> to vector<16xf32>
        %mul3A_471 = vector.broadcast %squeeze3A_414 : f32 to vector<16xf32>
        %mul3A_472 = arith.mulf %mul3A_471, %get3A_470 : vector<16xf32>
        %add3A_473 = arith.addf %get3A_466, %mul3A_472 : vector<16xf32>
        %swap3A_474 = arith.index_cast %scan3A_409 : i32 to index
        %swap3A_475 = arith.constant 48 : index
        %swap3A_476 = tpu.vector_load %arg12[%swap3A_474, %swap3A_475] {strides = array<i32>} : memref<320x128xf32, #tpu.memory_space<vmem>>, vector<1x16xf32>,
        %swap3A_477 = vector.shape_cast %swap3A_476 : vector<1x16xf32> to vector<16xf32>
        %swap3A_478 = vector.shape_cast %add3A_473 : vector<16xf32> to vector<1x16xf32>
        tpu.vector_store %arg12[%swap3A_474, %swap3A_475], %swap3A_478 {strides = array<i32>} : memref<320x128xf32, #tpu.memory_space<vmem>>, vector<1x16xf32>,
        %scan3A_479 = arith.constant 5 : i32
        %scan3A_480 = arith.addi %scan3A_129, %scan3A_479 : i32
        %get3A_481 = arith.index_cast %scan3A_480 : i32 to index
        %get3A_482 = tpu.vector_load %arg10[%get3A_481] {strides = array<i32>} : memref<336xf32, #tpu.memory_space<vmem>>, vector<16xf32>,
        %get3A_483 = vector.shape_cast %get3A_482 : vector<16xf32> to vector<16xf32>
        %slice3A_484 = vector.extract_strided_slice %get3A_483 {offsets = [0], sizes = [1], strides = [1]} : vector<16xf32> to vector<1xf32>
        %squeeze3A_485 = vector.extract %slice3A_484[0] : f32 from vector<1xf32>
        %get3A_486 = arith.index_cast %scan3A_480 : i32 to index
        %get3A_487 = arith.constant 0 : index
        %get3A_488 = tpu.vector_load %arg12[%get3A_486, %get3A_487] {strides = array<i32>} : memref<320x128xf32, #tpu.memory_space<vmem>>, vector<1x16xf32>,
        %get3A_489 = vector.shape_cast %get3A_488 : vector<1x16xf32> to vector<16xf32>
        %get3A_490 = arith.index_cast %scan3A_480 : i32 to index
        %get3A_491 = arith.constant 64 : index
        %get3A_492 = tpu.vector_load %arg12[%get3A_490, %get3A_491] {strides = array<i32>} : memref<320x128xf32, #tpu.memory_space<vmem>>, vector<1x16xf32>,
        %get3A_493 = vector.shape_cast %get3A_492 : vector<1x16xf32> to vector<16xf32>
        %mul3A_494 = vector.broadcast %squeeze3A_485 : f32 to vector<16xf32>
        %mul3A_495 = arith.mulf %mul3A_494, %get3A_493 : vector<16xf32>
        %add3A_496 = arith.addf %get3A_489, %mul3A_495 : vector<16xf32>
        %swap3A_497 = arith.index_cast %scan3A_480 : i32 to index
        %swap3A_498 = arith.constant 0 : index
        %swap3A_499 = tpu.vector_load %arg12[%swap3A_497, %swap3A_498] {strides = array<i32>} : memref<320x128xf32, #tpu.memory_space<vmem>>, vector<1x16xf32>,
        %swap3A_500 = vector.shape_cast %swap3A_499 : vector<1x16xf32> to vector<16xf32>
        %swap3A_501 = vector.shape_cast %add3A_496 : vector<16xf32> to vector<1x16xf32>
        tpu.vector_store %arg12[%swap3A_497, %swap3A_498], %swap3A_501 {strides = array<i32>} : memref<320x128xf32, #tpu.memory_space<vmem>>, vector<1x16xf32>,
        %get3A_502 = arith.index_cast %scan3A_480 : i32 to index
        %get3A_503 = arith.constant 16 : index
        %get3A_504 = tpu.vector_load %arg12[%get3A_502, %get3A_503] {strides = array<i32>} : memref<320x128xf32, #tpu.memory_space<vmem>>, vector<1x16xf32>,
        %get3A_505 = vector.shape_cast %get3A_504 : vector<1x16xf32> to vector<16xf32>
        %get3A_506 = arith.index_cast %scan3A_480 : i32 to index
        %get3A_507 = arith.constant 80 : index
        %get3A_508 = tpu.vector_load %arg12[%get3A_506, %get3A_507] {strides = array<i32>} : memref<320x128xf32, #tpu.memory_space<vmem>>, vector<1x16xf32>,
        %get3A_509 = vector.shape_cast %get3A_508 : vector<1x16xf32> to vector<16xf32>
        %mul3A_510 = vector.broadcast %squeeze3A_485 : f32 to vector<16xf32>
        %mul3A_511 = arith.mulf %mul3A_510, %get3A_509 : vector<16xf32>
        %add3A_512 = arith.addf %get3A_505, %mul3A_511 : vector<16xf32>
        %swap3A_513 = arith.index_cast %scan3A_480 : i32 to index
        %swap3A_514 = arith.constant 16 : index
        %swap3A_515 = tpu.vector_load %arg12[%swap3A_513, %swap3A_514] {strides = array<i32>} : memref<320x128xf32, #tpu.memory_space<vmem>>, vector<1x16xf32>,
        %swap3A_516 = vector.shape_cast %swap3A_515 : vector<1x16xf32> to vector<16xf32>
        %swap3A_517 = vector.shape_cast %add3A_512 : vector<16xf32> to vector<1x16xf32>
        tpu.vector_store %arg12[%swap3A_513, %swap3A_514], %swap3A_517 {strides = array<i32>} : memref<320x128xf32, #tpu.memory_space<vmem>>, vector<1x16xf32>,
        %get3A_518 = arith.index_cast %scan3A_480 : i32 to index
        %get3A_519 = arith.constant 32 : index
        %get3A_520 = tpu.vector_load %arg12[%get3A_518, %get3A_519] {strides = array<i32>} : memref<320x128xf32, #tpu.memory_space<vmem>>, vector<1x16xf32>,
        %get3A_521 = vector.shape_cast %get3A_520 : vector<1x16xf32> to vector<16xf32>
        %get3A_522 = arith.index_cast %scan3A_480 : i32 to index
        %get3A_523 = arith.constant 96 : index
        %get3A_524 = tpu.vector_load %arg12[%get3A_522, %get3A_523] {strides = array<i32>} : memref<320x128xf32, #tpu.memory_space<vmem>>, vector<1x16xf32>,
        %get3A_525 = vector.shape_cast %get3A_524 : vector<1x16xf32> to vector<16xf32>
        %mul3A_526 = vector.broadcast %squeeze3A_485 : f32 to vector<16xf32>
        %mul3A_527 = arith.mulf %mul3A_526, %get3A_525 : vector<16xf32>
        %add3A_528 = arith.addf %get3A_521, %mul3A_527 : vector<16xf32>
        %swap3A_529 = arith.index_cast %scan3A_480 : i32 to index
        %swap3A_530 = arith.constant 32 : index
        %swap3A_531 = tpu.vector_load %arg12[%swap3A_529, %swap3A_530] {strides = array<i32>} : memref<320x128xf32, #tpu.memory_space<vmem>>, vector<1x16xf32>,
        %swap3A_532 = vector.shape_cast %swap3A_531 : vector<1x16xf32> to vector<16xf32>
        %swap3A_533 = vector.shape_cast %add3A_528 : vector<16xf32> to vector<1x16xf32>
        tpu.vector_store %arg12[%swap3A_529, %swap3A_530], %swap3A_533 {strides = array<i32>} : memref<320x128xf32, #tpu.memory_space<vmem>>, vector<1x16xf32>,
        %get3A_534 = arith.index_cast %scan3A_480 : i32 to index
        %get3A_535 = arith.constant 48 : index
        %get3A_536 = tpu.vector_load %arg12[%get3A_534, %get3A_535] {strides = array<i32>} : memref<320x128xf32, #tpu.memory_space<vmem>>, vector<1x16xf32>,
        %get3A_537 = vector.shape_cast %get3A_536 : vector<1x16xf32> to vector<16xf32>
        %get3A_538 = arith.index_cast %scan3A_480 : i32 to index
        %get3A_539 = arith.constant 112 : index
        %get3A_540 = tpu.vector_load %arg12[%get3A_538, %get3A_539] {strides = array<i32>} : memref<320x128xf32, #tpu.memory_space<vmem>>, vector<1x16xf32>,
        %get3A_541 = vector.shape_cast %get3A_540 : vector<1x16xf32> to vector<16xf32>
        %mul3A_542 = vector.broadcast %squeeze3A_485 : f32 to vector<16xf32>
        %mul3A_543 = arith.mulf %mul3A_542, %get3A_541 : vector<16xf32>
        %add3A_544 = arith.addf %get3A_537, %mul3A_543 : vector<16xf32>
        %swap3A_545 = arith.index_cast %scan3A_480 : i32 to index
        %swap3A_546 = arith.constant 48 : index
        %swap3A_547 = tpu.vector_load %arg12[%swap3A_545, %swap3A_546] {strides = array<i32>} : memref<320x128xf32, #tpu.memory_space<vmem>>, vector<1x16xf32>,
        %swap3A_548 = vector.shape_cast %swap3A_547 : vector<1x16xf32> to vector<16xf32>
        %swap3A_549 = vector.shape_cast %add3A_544 : vector<16xf32> to vector<1x16xf32>
        tpu.vector_store %arg12[%swap3A_545, %swap3A_546], %swap3A_549 {strides = array<i32>} : memref<320x128xf32, #tpu.memory_space<vmem>>, vector<1x16xf32>,
        %scan3A_550 = arith.constant 6 : i32
        %scan3A_551 = arith.addi %scan3A_129, %scan3A_550 : i32
        %get3A_552 = arith.index_cast %scan3A_551 : i32 to index
        %get3A_553 = tpu.vector_load %arg10[%get3A_552] {strides = array<i32>} : memref<336xf32, #tpu.memory_space<vmem>>, vector<16xf32>,
        %get3A_554 = vector.shape_cast %get3A_553 : vector<16xf32> to vector<16xf32>
        %slice3A_555 = vector.extract_strided_slice %get3A_554 {offsets = [0], sizes = [1], strides = [1]} : vector<16xf32> to vector<1xf32>
        %squeeze3A_556 = vector.extract %slice3A_555[0] : f32 from vector<1xf32>
        %get3A_557 = arith.index_cast %scan3A_551 : i32 to index
        %get3A_558 = arith.constant 0 : index
        %get3A_559 = tpu.vector_load %arg12[%get3A_557, %get3A_558] {strides = array<i32>} : memref<320x128xf32, #tpu.memory_space<vmem>>, vector<1x16xf32>,
        %get3A_560 = vector.shape_cast %get3A_559 : vector<1x16xf32> to vector<16xf32>
        %get3A_561 = arith.index_cast %scan3A_551 : i32 to index
        %get3A_562 = arith.constant 64 : index
        %get3A_563 = tpu.vector_load %arg12[%get3A_561, %get3A_562] {strides = array<i32>} : memref<320x128xf32, #tpu.memory_space<vmem>>, vector<1x16xf32>,
        %get3A_564 = vector.shape_cast %get3A_563 : vector<1x16xf32> to vector<16xf32>
        %mul3A_565 = vector.broadcast %squeeze3A_556 : f32 to vector<16xf32>
        %mul3A_566 = arith.mulf %mul3A_565, %get3A_564 : vector<16xf32>
        %add3A_567 = arith.addf %get3A_560, %mul3A_566 : vector<16xf32>
        %swap3A_568 = arith.index_cast %scan3A_551 : i32 to index
        %swap3A_569 = arith.constant 0 : index
        %swap3A_570 = tpu.vector_load %arg12[%swap3A_568, %swap3A_569] {strides = array<i32>} : memref<320x128xf32, #tpu.memory_space<vmem>>, vector<1x16xf32>,
        %swap3A_571 = vector.shape_cast %swap3A_570 : vector<1x16xf32> to vector<16xf32>
        %swap3A_572 = vector.shape_cast %add3A_567 : vector<16xf32> to vector<1x16xf32>
        tpu.vector_store %arg12[%swap3A_568, %swap3A_569], %swap3A_572 {strides = array<i32>} : memref<320x128xf32, #tpu.memory_space<vmem>>, vector<1x16xf32>,
        %get3A_573 = arith.index_cast %scan3A_551 : i32 to index
        %get3A_574 = arith.constant 16 : index
        %get3A_575 = tpu.vector_load %arg12[%get3A_573, %get3A_574] {strides = array<i32>} : memref<320x128xf32, #tpu.memory_space<vmem>>, vector<1x16xf32>,
        %get3A_576 = vector.shape_cast %get3A_575 : vector<1x16xf32> to vector<16xf32>
        %get3A_577 = arith.index_cast %scan3A_551 : i32 to index
        %get3A_578 = arith.constant 80 : index
        %get3A_579 = tpu.vector_load %arg12[%get3A_577, %get3A_578] {strides = array<i32>} : memref<320x128xf32, #tpu.memory_space<vmem>>, vector<1x16xf32>,
        %get3A_580 = vector.shape_cast %get3A_579 : vector<1x16xf32> to vector<16xf32>
        %mul3A_581 = vector.broadcast %squeeze3A_556 : f32 to vector<16xf32>
        %mul3A_582 = arith.mulf %mul3A_581, %get3A_580 : vector<16xf32>
        %add3A_583 = arith.addf %get3A_576, %mul3A_582 : vector<16xf32>
        %swap3A_584 = arith.index_cast %scan3A_551 : i32 to index
        %swap3A_585 = arith.constant 16 : index
        %swap3A_586 = tpu.vector_load %arg12[%swap3A_584, %swap3A_585] {strides = array<i32>} : memref<320x128xf32, #tpu.memory_space<vmem>>, vector<1x16xf32>,
        %swap3A_587 = vector.shape_cast %swap3A_586 : vector<1x16xf32> to vector<16xf32>
        %swap3A_588 = vector.shape_cast %add3A_583 : vector<16xf32> to vector<1x16xf32>
        tpu.vector_store %arg12[%swap3A_584, %swap3A_585], %swap3A_588 {strides = array<i32>} : memref<320x128xf32, #tpu.memory_space<vmem>>, vector<1x16xf32>,
        %get3A_589 = arith.index_cast %scan3A_551 : i32 to index
        %get3A_590 = arith.constant 32 : index
        %get3A_591 = tpu.vector_load %arg12[%get3A_589, %get3A_590] {strides = array<i32>} : memref<320x128xf32, #tpu.memory_space<vmem>>, vector<1x16xf32>,
        %get3A_592 = vector.shape_cast %get3A_591 : vector<1x16xf32> to vector<16xf32>
        %get3A_593 = arith.index_cast %scan3A_551 : i32 to index
        %get3A_594 = arith.constant 96 : index
        %get3A_595 = tpu.vector_load %arg12[%get3A_593, %get3A_594] {strides = array<i32>} : memref<320x128xf32, #tpu.memory_space<vmem>>, vector<1x16xf32>,
        %get3A_596 = vector.shape_cast %get3A_595 : vector<1x16xf32> to vector<16xf32>
        %mul3A_597 = vector.broadcast %squeeze3A_556 : f32 to vector<16xf32>
        %mul3A_598 = arith.mulf %mul3A_597, %get3A_596 : vector<16xf32>
        %add3A_599 = arith.addf %get3A_592, %mul3A_598 : vector<16xf32>
        %swap3A_600 = arith.index_cast %scan3A_551 : i32 to index
        %swap3A_601 = arith.constant 32 : index
        %swap3A_602 = tpu.vector_load %arg12[%swap3A_600, %swap3A_601] {strides = array<i32>} : memref<320x128xf32, #tpu.memory_space<vmem>>, vector<1x16xf32>,
        %swap3A_603 = vector.shape_cast %swap3A_602 : vector<1x16xf32> to vector<16xf32>
        %swap3A_604 = vector.shape_cast %add3A_599 : vector<16xf32> to vector<1x16xf32>
        tpu.vector_store %arg12[%swap3A_600, %swap3A_601], %swap3A_604 {strides = array<i32>} : memref<320x128xf32, #tpu.memory_space<vmem>>, vector<1x16xf32>,
        %get3A_605 = arith.index_cast %scan3A_551 : i32 to index
        %get3A_606 = arith.constant 48 : index
        %get3A_607 = tpu.vector_load %arg12[%get3A_605, %get3A_606] {strides = array<i32>} : memref<320x128xf32, #tpu.memory_space<vmem>>, vector<1x16xf32>,
        %get3A_608 = vector.shape_cast %get3A_607 : vector<1x16xf32> to vector<16xf32>
        %get3A_609 = arith.index_cast %scan3A_551 : i32 to index
        %get3A_610 = arith.constant 112 : index
        %get3A_611 = tpu.vector_load %arg12[%get3A_609, %get3A_610] {strides = array<i32>} : memref<320x128xf32, #tpu.memory_space<vmem>>, vector<1x16xf32>,
        %get3A_612 = vector.shape_cast %get3A_611 : vector<1x16xf32> to vector<16xf32>
        %mul3A_613 = vector.broadcast %squeeze3A_556 : f32 to vector<16xf32>
        %mul3A_614 = arith.mulf %mul3A_613, %get3A_612 : vector<16xf32>
        %add3A_615 = arith.addf %get3A_608, %mul3A_614 : vector<16xf32>
        %swap3A_616 = arith.index_cast %scan3A_551 : i32 to index
        %swap3A_617 = arith.constant 48 : index
        %swap3A_618 = tpu.vector_load %arg12[%swap3A_616, %swap3A_617] {strides = array<i32>} : memref<320x128xf32, #tpu.memory_space<vmem>>, vector<1x16xf32>,
        %swap3A_619 = vector.shape_cast %swap3A_618 : vector<1x16xf32> to vector<16xf32>
        %swap3A_620 = vector.shape_cast %add3A_615 : vector<16xf32> to vector<1x16xf32>
        tpu.vector_store %arg12[%swap3A_616, %swap3A_617], %swap3A_620 {strides = array<i32>} : memref<320x128xf32, #tpu.memory_space<vmem>>, vector<1x16xf32>,
        %scan3A_621 = arith.constant 7 : i32
        %scan3A_622 = arith.addi %scan3A_129, %scan3A_621 : i32
        %get3A_623 = arith.index_cast %scan3A_622 : i32 to index
        %get3A_624 = tpu.vector_load %arg10[%get3A_623] {strides = array<i32>} : memref<336xf32, #tpu.memory_space<vmem>>, vector<16xf32>,
        %get3A_625 = vector.shape_cast %get3A_624 : vector<16xf32> to vector<16xf32>
        %slice3A_626 = vector.extract_strided_slice %get3A_625 {offsets = [0], sizes = [1], strides = [1]} : vector<16xf32> to vector<1xf32>
        %squeeze3A_627 = vector.extract %slice3A_626[0] : f32 from vector<1xf32>
        %get3A_628 = arith.index_cast %scan3A_622 : i32 to index
        %get3A_629 = arith.constant 0 : index
        %get3A_630 = tpu.vector_load %arg12[%get3A_628, %get3A_629] {strides = array<i32>} : memref<320x128xf32, #tpu.memory_space<vmem>>, vector<1x16xf32>,
        %get3A_631 = vector.shape_cast %get3A_630 : vector<1x16xf32> to vector<16xf32>
        %get3A_632 = arith.index_cast %scan3A_622 : i32 to index
        %get3A_633 = arith.constant 64 : index
        %get3A_634 = tpu.vector_load %arg12[%get3A_632, %get3A_633] {strides = array<i32>} : memref<320x128xf32, #tpu.memory_space<vmem>>, vector<1x16xf32>,
        %get3A_635 = vector.shape_cast %get3A_634 : vector<1x16xf32> to vector<16xf32>
        %mul3A_636 = vector.broadcast %squeeze3A_627 : f32 to vector<16xf32>
        %mul3A_637 = arith.mulf %mul3A_636, %get3A_635 : vector<16xf32>
        %add3A_638 = arith.addf %get3A_631, %mul3A_637 : vector<16xf32>
        %swap3A_639 = arith.index_cast %scan3A_622 : i32 to index
        %swap3A_640 = arith.constant 0 : index
        %swap3A_641 = tpu.vector_load %arg12[%swap3A_639, %swap3A_640] {strides = array<i32>} : memref<320x128xf32, #tpu.memory_space<vmem>>, vector<1x16xf32>,
        %swap3A_642 = vector.shape_cast %swap3A_641 : vector<1x16xf32> to vector<16xf32>
        %swap3A_643 = vector.shape_cast %add3A_638 : vector<16xf32> to vector<1x16xf32>
        tpu.vector_store %arg12[%swap3A_639, %swap3A_640], %swap3A_643 {strides = array<i32>} : memref<320x128xf32, #tpu.memory_space<vmem>>, vector<1x16xf32>,
        %get3A_644 = arith.index_cast %scan3A_622 : i32 to index
        %get3A_645 = arith.constant 16 : index
        %get3A_646 = tpu.vector_load %arg12[%get3A_644, %get3A_645] {strides = array<i32>} : memref<320x128xf32, #tpu.memory_space<vmem>>, vector<1x16xf32>,
        %get3A_647 = vector.shape_cast %get3A_646 : vector<1x16xf32> to vector<16xf32>
        %get3A_648 = arith.index_cast %scan3A_622 : i32 to index
        %get3A_649 = arith.constant 80 : index
        %get3A_650 = tpu.vector_load %arg12[%get3A_648, %get3A_649] {strides = array<i32>} : memref<320x128xf32, #tpu.memory_space<vmem>>, vector<1x16xf32>,
        %get3A_651 = vector.shape_cast %get3A_650 : vector<1x16xf32> to vector<16xf32>
        %mul3A_652 = vector.broadcast %squeeze3A_627 : f32 to vector<16xf32>
        %mul3A_653 = arith.mulf %mul3A_652, %get3A_651 : vector<16xf32>
        %add3A_654 = arith.addf %get3A_647, %mul3A_653 : vector<16xf32>
        %swap3A_655 = arith.index_cast %scan3A_622 : i32 to index
        %swap3A_656 = arith.constant 16 : index
        %swap3A_657 = tpu.vector_load %arg12[%swap3A_655, %swap3A_656] {strides = array<i32>} : memref<320x128xf32, #tpu.memory_space<vmem>>, vector<1x16xf32>,
        %swap3A_658 = vector.shape_cast %swap3A_657 : vector<1x16xf32> to vector<16xf32>
        %swap3A_659 = vector.shape_cast %add3A_654 : vector<16xf32> to vector<1x16xf32>
        tpu.vector_store %arg12[%swap3A_655, %swap3A_656], %swap3A_659 {strides = array<i32>} : memref<320x128xf32, #tpu.memory_space<vmem>>, vector<1x16xf32>,
        %get3A_660 = arith.index_cast %scan3A_622 : i32 to index
        %get3A_661 = arith.constant 32 : index
        %get3A_662 = tpu.vector_load %arg12[%get3A_660, %get3A_661] {strides = array<i32>} : memref<320x128xf32, #tpu.memory_space<vmem>>, vector<1x16xf32>,
        %get3A_663 = vector.shape_cast %get3A_662 : vector<1x16xf32> to vector<16xf32>
        %get3A_664 = arith.index_cast %scan3A_622 : i32 to index
        %get3A_665 = arith.constant 96 : index
        %get3A_666 = tpu.vector_load %arg12[%get3A_664, %get3A_665] {strides = array<i32>} : memref<320x128xf32, #tpu.memory_space<vmem>>, vector<1x16xf32>,
        %get3A_667 = vector.shape_cast %get3A_666 : vector<1x16xf32> to vector<16xf32>
        %mul3A_668 = vector.broadcast %squeeze3A_627 : f32 to vector<16xf32>
        %mul3A_669 = arith.mulf %mul3A_668, %get3A_667 : vector<16xf32>
        %add3A_670 = arith.addf %get3A_663, %mul3A_669 : vector<16xf32>
        %swap3A_671 = arith.index_cast %scan3A_622 : i32 to index
        %swap3A_672 = arith.constant 32 : index
        %swap3A_673 = tpu.vector_load %arg12[%swap3A_671, %swap3A_672] {strides = array<i32>} : memref<320x128xf32, #tpu.memory_space<vmem>>, vector<1x16xf32>,
        %swap3A_674 = vector.shape_cast %swap3A_673 : vector<1x16xf32> to vector<16xf32>
        %swap3A_675 = vector.shape_cast %add3A_670 : vector<16xf32> to vector<1x16xf32>
        tpu.vector_store %arg12[%swap3A_671, %swap3A_672], %swap3A_675 {strides = array<i32>} : memref<320x128xf32, #tpu.memory_space<vmem>>, vector<1x16xf32>,
        %get3A_676 = arith.index_cast %scan3A_622 : i32 to index
        %get3A_677 = arith.constant 48 : index
        %get3A_678 = tpu.vector_load %arg12[%get3A_676, %get3A_677] {strides = array<i32>} : memref<320x128xf32, #tpu.memory_space<vmem>>, vector<1x16xf32>,
        %get3A_679 = vector.shape_cast %get3A_678 : vector<1x16xf32> to vector<16xf32>
        %get3A_680 = arith.index_cast %scan3A_622 : i32 to index
        %get3A_681 = arith.constant 112 : index
        %get3A_682 = tpu.vector_load %arg12[%get3A_680, %get3A_681] {strides = array<i32>} : memref<320x128xf32, #tpu.memory_space<vmem>>, vector<1x16xf32>,
        %get3A_683 = vector.shape_cast %get3A_682 : vector<1x16xf32> to vector<16xf32>
        %mul3A_684 = vector.broadcast %squeeze3A_627 : f32 to vector<16xf32>
        %mul3A_685 = arith.mulf %mul3A_684, %get3A_683 : vector<16xf32>
        %add3A_686 = arith.addf %get3A_679, %mul3A_685 : vector<16xf32>
        %swap3A_687 = arith.index_cast %scan3A_622 : i32 to index
        %swap3A_688 = arith.constant 48 : index
        %swap3A_689 = tpu.vector_load %arg12[%swap3A_687, %swap3A_688] {strides = array<i32>} : memref<320x128xf32, #tpu.memory_space<vmem>>, vector<1x16xf32>,
        %swap3A_690 = vector.shape_cast %swap3A_689 : vector<1x16xf32> to vector<16xf32>
        %swap3A_691 = vector.shape_cast %add3A_686 : vector<16xf32> to vector<1x16xf32>
        tpu.vector_store %arg12[%swap3A_687, %swap3A_688], %swap3A_691 {strides = array<i32>} : memref<320x128xf32, #tpu.memory_space<vmem>>, vector<1x16xf32>,
      }
      %scan3A_115 = arith.constant 320 : i32
      %mul3A_116 = arith.constant 320 : i32
      %mul3A_117 = arith.muli %add3A_92, %mul3A_116 : i32
      %add3A_118 = arith.addi %mul3A_2, %mul3A_117 : i32
      %dma_start3A_119 = arith.constant 0 : i32
      %dma_start3A_120 = arith.constant 0 : i32
      %dma_start3A_121 = tpu.memref_slice %arg12[%dma_start3A_119, %dma_start3A_120] : memref<320x128xf32, #tpu.memory_space<vmem>> -> memref<320x64xf32, #tpu.memory_space<vmem>>
      %dma_start3A_122 = arith.constant 0 : i32
      %dma_start3A_123 = tpu.memref_slice %arg4[%add3A_118, %dma_start3A_122] : memref<819200x128xf32, #tpu.memory_space<hbm>> -> memref<320x64xf32, #tpu.memory_space<hbm>>
      %dma_start3A_124 = arith.constant 0 : i32
      %dma_start3A_125 = tpu.memref_slice %arg4[%add3A_118, %dma_start3A_124] : memref<819200x128xf32, #tpu.memory_space<hbm>> -> memref<320x64xf32, #tpu.memory_space<hbm>>
      %dma_start3A_126 = arith.constant 0 : i32
      %dma_start3A_127 = arith.constant 0 : i32
      %dma_start3A_128 = tpu.memref_slice %arg12[%dma_start3A_126, %dma_start3A_127] : memref<320x128xf32, #tpu.memory_space<vmem>> -> memref<320x64xf32, #tpu.memory_space<vmem>>
      tpu.enqueue_dma source(%dma_start3A_128 : memref<320x64xf32, #tpu.memory_space<vmem>>) target(%dma_start3A_125 : memref<320x64xf32, #tpu.memory_space<hbm>>) target_semaphore(%arg18 : memref<!tpu.dma_semaphore, #tpu.memory_space<semaphore_mem>>)
    }
    %scan3A_26 = arith.constant 40 : i32
    %add3A_27 = arith.constant 24960 : i32
    %add3A_28 = arith.addi %mul3A_2, %add3A_27 : i32
    %dma_wait3A_29 = arith.constant 0 : i32
    %dma_wait3A_30 = arith.constant 0 : i32
    %dma_wait3A_31 = tpu.memref_slice %arg11[%dma_wait3A_29, %dma_wait3A_30] : memref<320x128xf32, #tpu.memory_space<vmem>> -> memref<320x64xf32, #tpu.memory_space<vmem>>
    %dma_wait3A_32 = arith.constant 0 : i32
    %dma_wait3A_33 = tpu.memref_slice %arg4[%add3A_28, %dma_wait3A_32] : memref<819200x128xf32, #tpu.memory_space<hbm>> -> memref<320x64xf32, #tpu.memory_space<hbm>>
    %dma_wait3A_34 = arith.constant 0 : i32
    %dma_wait3A_35 = tpu.memref_slice %arg4[%add3A_28, %dma_wait3A_34] : memref<819200x128xf32, #tpu.memory_space<hbm>> -> memref<320x64xf32, #tpu.memory_space<hbm>>
    %dma_wait3A_36 = arith.constant 0 : i32
    %dma_wait3A_37 = arith.constant 0 : i32
    %dma_wait3A_38 = tpu.memref_slice %arg11[%dma_wait3A_36, %dma_wait3A_37] : memref<320x128xf32, #tpu.memory_space<vmem>> -> memref<320x64xf32, #tpu.memory_space<vmem>>
    tpu.wait_dma2 semaphore(%arg17 : memref<!tpu.dma_semaphore, #tpu.memory_space<semaphore_mem>>) src(%dma_wait3A_38 : memref<320x64xf32, #tpu.memory_space<vmem>>) dst(%dma_wait3A_35 : memref<320x64xf32, #tpu.memory_space<hbm>>)
    %add3A_39 = arith.constant 25280 : i32
    %add3A_40 = arith.addi %mul3A_2, %add3A_39 : i32
    %dma_wait3A_41 = arith.constant 0 : i32
    %dma_wait3A_42 = arith.constant 0 : i32
    %dma_wait3A_43 = tpu.memref_slice %arg12[%dma_wait3A_41, %dma_wait3A_42] : memref<320x128xf32, #tpu.memory_space<vmem>> -> memref<320x64xf32, #tpu.memory_space<vmem>>
    %dma_wait3A_44 = arith.constant 0 : i32
    %dma_wait3A_45 = tpu.memref_slice %arg4[%add3A_40, %dma_wait3A_44] : memref<819200x128xf32, #tpu.memory_space<hbm>> -> memref<320x64xf32, #tpu.memory_space<hbm>>
    %dma_wait3A_46 = arith.constant 0 : i32
    %dma_wait3A_47 = tpu.memref_slice %arg4[%add3A_40, %dma_wait3A_46] : memref<819200x128xf32, #tpu.memory_space<hbm>> -> memref<320x64xf32, #tpu.memory_space<hbm>>
    %dma_wait3A_48 = arith.constant 0 : i32
    %dma_wait3A_49 = arith.constant 0 : i32
    %dma_wait3A_50 = tpu.memref_slice %arg12[%dma_wait3A_48, %dma_wait3A_49] : memref<320x128xf32, #tpu.memory_space<vmem>> -> memref<320x64xf32, #tpu.memory_space<vmem>>
    tpu.wait_dma2 semaphore(%arg18 : memref<!tpu.dma_semaphore, #tpu.memory_space<semaphore_mem>>) src(%dma_wait3A_50 : memref<320x64xf32, #tpu.memory_space<vmem>>) dst(%dma_wait3A_47 : memref<320x64xf32, #tpu.memory_space<hbm>>)
    return
  }
}

module attributes {stable_mosaic.version = 14 : i64} {
  func.func @_prep_body(%arg0: memref<2048x64xf32, #tpu.memory_space<vmem>>, %arg1: memref<2048x128xf32, #tpu.memory_space<vmem>>) attributes {dimension_semantics = [], scalar_prefetch = 0 : i64, scratch_operands = 0 : i64, tpu.core_type = #tpu.core_type<tc>} {
    %get3A = arith.constant 0 : index
    %get3A_0 = arith.constant 0 : index
    %get3A_1 = vector.load %arg0[%get3A, %get3A_0] : memref<2048x64xf32, #tpu.memory_space<vmem>>, vector<2048x64xf32>
    %slice3A = vector.extract_strided_slice %get3A_1 {offsets = [1, 0], sizes = [2047, 64], strides = [1, 1]} : vector<2048x64xf32> to vector<2047x64xf32>
    %slice3A_2 = vector.extract_strided_slice %get3A_1 {offsets = [2047, 0], sizes = [1, 64], strides = [1, 1]} : vector<2048x64xf32> to vector<1x64xf32>
    %concatenate3A = tpu.concatenate %slice3A, %slice3A_2 in 0 : vector<2047x64xf32>, vector<1x64xf32> -> vector<2048x64xf32>
    %sub3A = arith.subf %concatenate3A, %get3A_1 : vector<2048x64xf32>
    %concatenate3A_3 = tpu.concatenate %get3A_1, %sub3A in 1 : vector<2048x64xf32>, vector<2048x64xf32> -> vector<2048x128xf32>
    %swap3A = arith.constant 0 : index
    %swap3A_4 = arith.constant 0 : index
    %swap3A_5 = vector.load %arg1[%swap3A, %swap3A_4] : memref<2048x128xf32, #tpu.memory_space<vmem>>, vector<2048x128xf32>
    tpu.vector_store %arg1[%swap3A, %swap3A_4], %concatenate3A_3 {strides = array<i32>} : memref<2048x128xf32, #tpu.memory_space<vmem>>, vector<2048x128xf32>,
    return
  }
}

</mosaic_0001>

<sc_bundles>
// kernel: kernel.4.cloned.1.call-start
scs
__scs_entry_jumppad:
0x0: {  	(pc) =	sbr.rel $0x88, $3  }
0x1: {  	(tag) =	ssettag $0x0;
	lr =	simm.s32 $0x1  }
0x2: {  	[smem:$0x3F9F] =	sst lr;
	_ =	strace $0xD0000000  }
0x3: {  	_ = 	snop  }
0x4: {  	_ = 	snop  }
0x5: {  	_ = 	snop  }
0x6: {  	_ = 	snop  }
0x7: {  	_ = 	snop  }
__scs_overlays_trampoline_lowered:
0x8: {  	[smem:$0x3FAE] =	sst s0  }
0x9: {  	[smem:$0x3FAF] =	sst s1  }
0xa: {  	[smem:$0x3FB0] =	sst s2  }
0xb: {  	[smem:$0x3FB1] =	sst s3  }
0xc: {  	[smem:$0x3FB2] =	sst s4  }
0xd: {  	[smem:$0x3FB3] =	sst s5  }
0xe: {  	[smem:$0x3FB4] =	sst s6  }
0xf: {  	[smem:$0x3FB5] =	sst s7  }
0x10: {  	[smem:$0x3FB6] =	sst s8  }
0x11: {  	[smem:$0x3FB7] =	sst s9;
	s0 =	simm.s32 @!p0 $0x0  }
0x12: {  	s1 =	sld [smem:$0x3F9D];
	s0 =	simm.s32 @p0 $0x1  }
0x13: {  	[smem:$0x3FB8] =	sst s0;
	s0 =	simm.s32 @!p1 $0x0  }
0x14: {  	s2 =	sld [smem:$0x3F9C];
	s0 =	simm.s32 @p1 $0x1  }
0x15: {  	[smem:$0x3FB9] =	sst s0;
	s0 =	simm.s32 @!p2 $0x0  }
0x16: {  	s3 =	sld [smem:$0x3FDB];
	s0 =	simm.s32 @p2 $0x1  }
0x17: {  	s4 =	simm.s32 $0x1BF5;
	[smem:$0x3FBB] =	sst s0  }
0x18: {  	s0 =	sld [smem:$0x3F9E];
	_ =	swait.ge [sflag:s4], $0x0  }
0x19: {  	s7 =	sld [smem:$0x3F9F]  }
0x1a: {  	s8 =	sadd.s32 $0xFFFFE003, lr  }
0x1b: {  	s9 =	sadd.s32 $0xFFFFFEF7, lr;
	s5 =	simm.s32 $0xFFFFFFFF;
	p2 =	slt.u32 s8, $0xFFFFF086  }
0x1c: {  	p1 =	slt.u32 s9, $0xF7A;
	s5 =	simm.s32 @!p2 $0x0  }
0x1d: {  	s5 =	simm.s32 @p1 $0x1;
	p0 =	seq.s32 s7, s2  }
0x1e: {  	s7 =	smul.u32 @!p0 $0xF7A, s2;
	p2 =	seq.s32 @!p0 s5, $0x0  }
0x1f: {  	s9 =	smul.u32 $0xF7A, s1;
	s8 =	simm.s32 @!p0 $0x1BF5;
	p2 =	por !p2, p0  }
0x20: {  	[sflag:s8] =	ssyncset.s32 @!p0 $0xFFFFF086;
	s6 =	sadd.s32 @!p0 s3, s7;
	s7 =	simm.s32 @!p0 $0x108  }
0x21: {  	s3 =	sadd.s32 s3, s9;
	s6 =	sadd.s32 @!p0 $0x88, s6;
	s7 =	simm.s32 @p2 $0x1082  }
0x22: {  	[simem:s7], [sflag:s8] =	dma.local @!p0 [hbm:s6], $0xF7A  }
0x23: {  	s9 =	sor.u32 $0xD0000000, s2;
	s6 =	simm.s32 $0x108;
	_ =	swait.ge @!p0 [sflag:s8], $0x0  }
0x24: {  	s3 =	sadd.s32 $0x88, s3;
	s6 =	simm.s32 @!p1 $0x1082;
	[sflag:s4] =	ssyncset.s32 $0xFFFFF086  }
0x25: {  	[simem:s6], [sflag:s4] =	dma.local [hbm:s3], $0xF7A  }
0x26: {  	[smem:$0x3F9F] =	sst s1;
	(tag) =	ssettag s2;
	_ =	strace s9  }
0x27: {  	s1 =	sld [smem:$0x3FAF]  }
0x28: {  	s2 =	sld [smem:$0x3FB0]  }
0x29: {  	s4 =	sld [smem:$0x3FB2]  }
0x2a: {  	p0 =	seq.s32 s5, $0x0;
	s5 =	sld [smem:$0x3FB3]  }
0x2b: {  	s6 =	sld [smem:$0x3FB4]  }
0x2c: {  	s7 =	sld [smem:$0x3FB5]  }
0x2d: {  	s3 =	simm.s32 $0x108;
	s8 =	sld [smem:$0x3FB6]  }
0x2e: {  	s3 =	simm.s32 @!p0 $0x1082;
	s9 =	sld [smem:$0x3FB7]  }
0x2f: {  	lr =	sadd.s32 s0, s3;
	s0 =	sld [smem:$0x3FAE]  }
0x30: {  	s3 =	sld [smem:$0x3FB1]  }
0x31: {  	[smem:$0x3FBA] =	sst s10  }
0x32: {  	s10 =	sld [smem:$0x3FB8];
	_ =	sdelay $0x3  }
0x33: {  	p0 =	seq.s32 s10, $0x1;
	s10 =	sld [smem:$0x3FBA];
	_ =	sdelay $0x3  }
0x34: {  	[smem:$0x3FBA] =	sst s10  }
0x35: {  	s10 =	sld [smem:$0x3FB9];
	_ =	sdelay $0x3  }
0x36: {  	p1 =	seq.s32 s10, $0x1;
	s10 =	sld [smem:$0x3FBA];
	_ =	sdelay $0x3  }
0x37: {  	[smem:$0x3FBA] =	sst s10  }
0x38: {  	s10 =	sld [smem:$0x3FBB]  }
0x39: {  	_ = 	snop;
	(pc) =	sbr.ind lr, $3  }
0x3a: {  	_ = 	snop  }
0x3b: {  	_ = 	snop  }
0x3c: {  	p2 =	seq.s32 s10, $0x1;
	s10 =	sld [smem:$0x3FBA]  }
0x3d: {  	_ =	shalt  }
0x3e: {  	_ =	shalt  }
0x3f: {  	_ =	shalt  }
0x40: {  	_ =	shalt  }
0x41: {  	_ =	shalt  }
0x42: {  	_ =	shalt  }
0x43: {  	_ =	shalt  }
0x44: {  	_ =	shalt  }
0x45: {  	_ =	shalt  }
0x46: {  	_ =	shalt  }
0x47: {  	_ =	shalt  }
0x48: {  	_ =	shalt  }
0x49: {  	_ =	shalt  }
0x4a: {  	_ =	shalt  }
0x4b: {  	_ =	shalt  }
0x4c: {  	_ =	shalt  }
0x4d: {  	_ =	shalt  }
0x4e: {  	_ =	shalt  }
0x4f: {  	_ =	shalt  }
0x50: {  	_ =	shalt  }
0x51: {  	_ =	shalt  }
0x52: {  	_ =	shalt  }
0x53: {  	_ =	shalt  }
0x54: {  	_ =	shalt  }
0x55: {  	_ =	shalt  }
0x56: {  	_ =	shalt  }
0x57: {  	_ =	shalt  }
0x58: {  	_ =	shalt  }
0x59: {  	_ =	shalt  }
0x5a: {  	_ =	shalt  }
0x5b: {  	_ =	shalt  }
0x5c: {  	_ =	shalt  }
0x5d: {  	_ =	shalt  }
0x5e: {  	_ =	shalt  }
0x5f: {  	_ =	shalt  }
0x60: {  	_ =	shalt  }
0x61: {  	_ =	shalt  }
0x62: {  	_ =	shalt  }
0x63: {  	_ =	shalt  }
0x64: {  	_ =	shalt  }
0x65: {  	_ =	shalt  }
0x66: {  	_ =	shalt  }
0x67: {  	_ =	shalt  }
0x68: {  	_ =	shalt  }
0x69: {  	_ =	shalt  }
0x6a: {  	_ =	shalt  }
0x6b: {  	_ =	shalt  }
0x6c: {  	_ =	shalt  }
0x6d: {  	_ =	shalt  }
0x6e: {  	_ =	shalt  }
0x6f: {  	_ =	shalt  }
0x70: {  	_ =	shalt  }
0x71: {  	_ =	shalt  }
0x72: {  	_ =	shalt  }
0x73: {  	_ =	shalt  }
0x74: {  	_ =	shalt  }
0x75: {  	_ =	shalt  }
0x76: {  	_ =	shalt  }
0x77: {  	_ =	shalt  }
0x78: {  	_ =	shalt  }
0x79: {  	_ =	shalt  }
0x7a: {  	_ =	shalt  }
0x7b: {  	_ =	shalt  }
0x7c: {  	_ =	shalt  }
0x7d: {  	_ =	shalt  }
0x7e: {  	_ =	shalt  }
0x7f: {  	_ =	shalt  }
0x80: {  	_ =	shalt  }
0x81: {  	_ =	shalt  }
0x82: {  	_ =	shalt  }
0x83: {  	_ =	shalt  }
0x84: {  	_ =	shalt  }
0x85: {  	_ =	shalt  }
0x86: {  	_ =	shalt  }
0x87: {  	_ =	shalt  }
.Lfunc_end0:
.L_simem_size_0:
called_computation.1_lowered:
.L_overlay_start_0:
0x88: {  	s2 =	sld [smem:$0x3FD9]  }
0x89: {  	s3 =	sld [smem:$0x3FFE];
	_ =	sdelay $0x1  }
0x8a: {  	s1 =	srdreg.scid  }
0x8b: {  	s0 =	sand.u32 $0x1, s1  }
0x8c: {  	s17 =	sshll.u32 s0, $0xA;
	s2 =	sadd.s32 s3, s2  }
0x8d: {  	s2 =	sadd.s32 s2, s17  }
0x8e: {  	[smem:$0x3FC6] =	sst s2  }
0x8f: {  	_ = 	snop  }
0x90: {  	s2 =	sld [smem:$0x3FC9]  }
0x91: {  	s18 =	sld [smem:$0x3FD0];
	(tm) =	ssettm $0x1  }
0x92: {  	s4 =	sld [smem:$0x3FFB];
	_ =	sdelay $0x3  }
0x93: {  	_ =	strace s4  }
0x94: {  	s4 =	sld [smem:$0x3FFC];
	_ =	sdelay $0x3  }
0x95: {  	_ =	strace s4  }
0x96: {  	s4 =	sld [smem:$0x3FFD];
	_ =	sdelay $0x3  }
0x97: {  	_ =	strace s4  }
0x98: {  	_ =	strace $0x8FFFFFFF  }
0x99: {  	s19 =	sld [smem:$0x3FDB];
	_ =	sdelay $0x1  }
0x9a: {  	s5 =	simm.s32 $_scs_section_size  }
0x9b: {  	s6 =	simm.s32 $_size__tile_overlayer_lowered;
	s7 =	simm.s32 $_tile_overlayer_lowered  }
0x9c: {  	s22 =	simm.s32 $0x1BFF;
	s21 =	sshll.u32 s7, $0x1;
	s4 =	sadd.s32 s5, s19  }
0x9d: {  	s8 =	simm.s32 $0x0;
	s20 =	sshll.u32 s6, $0x1;
	s6 =	sadd.s32 s21, s4  }
0x9e: {  	[timem:s8], [sflag:s22] =	dma.local [hbm:s6], s20  }
0x9f: {  	_ =	swait.ge [sflag:s22], s20  }
0xa0: {  	s5 =	ssub.s32 $0x0, s20;
	[sflag:s22] =	ssyncset.done $0x0  }
0xa1: {  	[sflag:s22] =	ssyncadd.s32 s5;
	_ =	sdelay $0x1  }
0xa2: {  	s23 =	simm.s32 $0x1B8B  }
0xa3: {  	_ =	swait.ge [sflag:s23], $0x1  }
0xa4: {  	[sflag:s23] =	ssyncset.done $0x0  }
0xa5: {  	s25 =	simm.s32 $0x1B8E;
	s24 =	sld [smem:$0x3FFE];
	[sflag:s23] =	ssyncadd.s32 $0xFFFFFFFF  }
0xa6: {  	s26 =	simm.s32 $execute0_lowered;
	[smem:$0x3FD2] =	sst s25  }
0xa7: {  	s6 =	sshll.u32 s26, $0x1;
	_ =	strace $0x80000046;
	[dreg:$0x1] =	wrdreg $0xFFFFFFFF  }
0xa8: {  	s28 =	simm.s32 $_size_execute0_lowered;
	s4 =	sadd.s32 s4, s6;
	[dreg:$0x0] =	wrdreg $0x0  }
0xa9: {  	s6 =	sshll.u32 s28, $0x1;
	[dreg:$0x2] =	wrdreg s4  }
0xaa: {  	[dreg:$0x3] =	wrdreg s6  }
0xab: {  	[dreg:$0x4] =	wrdreg $0xC0  }
0xac: {  	_ =	task [dreg:s8], $0x5FFFF  }
0xad: {  	[dreg:$0x1] =	wrdreg $0xFFFFFFFF  }
0xae: {  	[dreg:$0x0] =	wrdreg $0x60  }
0xaf: {  	[dreg:$0x2] =	wrdreg s2  }
0xb0: {  	[dreg:$0x3] =	wrdreg s18  }
0xb1: {  	[dreg:$0x4] =	wrdreg s24  }
0xb2: {  	[dreg:$0x5] =	wrdreg $0x9  }
0xb3: {  	_ =	task.clear_ibuf [dreg:s8], $0x6FFFF;
	_ =	strace $0x90000046  }
0xb4: {  	s29 =	simm.s32 $0x9;
	_ =	strace $0x80000048  }
0xb5: {  	_ =	swait.ge [sflag:s29], $0x1  }
0xb6: {  	[sflag:s29] =	ssyncadd.s32 $0xFFFFFFFF  }
0xb7: {  	_ =	strace $0x90000048  }
0xb8: {  	_ =	sfence  }
0xb9: {  	s30 =	sld [smem:$0x0];
	_ =	sdelay $0x2  }
0xba: {  	s31 =	sshll.u32 s1, $0xD;
	s1 =	sshrl.u32 s1, $0x2  }
0xbb: {  	s3 =	sand.u32 $0x4000, s31;
	s1 =	sadd.s32 s1, s30  }
0xbc: {  	s0 =	sor.u32 s3, s0;
	s1 =	sshll.u32 s1, $0x11  }
0xbd: {  	s0 =	sor.u32 s1, s0  }
0xbe: {  	s0 =	sadd.s32 $0x8F2B, s0  }
0xbf: {  	[sflag:s0] =	ssyncadd.remote.s32 $0x1  }
0xc0: {  	_ =	sfence.sel $0xFFFF  }
0xc1: {  	[dreg:$0x0] =	wrdreg $0xFFFFFFFF;
	(pc) =	sbr.abs _section_cstart, $3  }
0xc2: {  	[dreg:$0x1] =	wrdreg $0xFFFFFFFF  }
0xc3: {  	_ =	task.clear_ibuf [dreg:s8], $0x2FFFF;
	_ =	strace $0x9FFFFFFF  }
0xc4: {  	(tm) =	ssettm $0x7FFFFFFF  }
0xc5: {  	_ =	shalt  }
tec
execute0_lowered:
.L_overlay_start_1:
0x0: {  	(tag) =	ssettag $0x1  }
0x1: {  	s1 =	rddreg [dreg:$0x0]  }
0x2: {  	s3 =	rddreg [dreg:$0x1]  }
0x3: {  	s0 =	srdreg.scid;
	s6 =	rddreg [dreg:$0x2];
	s13 =	simm.s32 $0x140  }
0x4: {  	s14 =	simm.s32 $0x1;
	s15 =	simm.s32 $0x280;
	s16 =	simm.s32 $0x7A0  }
0x5: {  	s17 =	simm.s32 $0x2;
	s18 =	simm.s32 $0x3C0;
	s19 =	simm.s32 $0xA7A0  }
0x6: {  	s20 =	simm.s32 $0x3;
	s21 =	simm.s32 $0x4;
	s2 =	sand.u32 $0x1, s0  }
0x7: {  	s22 =	simm.s32 $0x5;
	s0 =	stileid.u32;
	s4 =	sshll.u32 s2, $0x4  }
0x8: {  	s23 =	simm.s32 $0x6;
	s24 =	simm.s32 $0x0;
	s5 =	sor.u32 s0, s4  }
0x9: {  	s2 =	ssub.s32 $0x2, s2;
	s4 =	simm.s32 $0x0;
	s5 =	smul.u32 $0x6400, s5  }
0xa: {  	s6 =	sadd.s32 $0xA00, s6;
	s8 =	sshrl.u32 s2, $0x1;
	[smem:$0x7FF] =	sst s4  }
0xb: {  	s2 =	ssub.s32 s2, s8;
	_ =	strace $0x80000047;
	s7 =	sshrl.u32 s5, $0x3  }
0xc: {  	s12 =	smax.u32 s2, $0x1;
	s9 =	sor.u32 $0x280, s5;
	s7 =	sadd.s32 s1, s7  }
0xd: {  	s10 =	sor.u32 $0x3C0, s5;
	s11 =	sor.u32 $0x140, s5;
	s8 =	sadd.s32 $0x28, s7  }
.LBB2_1:
0xe: {  	[tilespmem:s4], [sflag:$0x1] =	stream.linear.gather [hbm4b:s7+s4], $0x140, $0x38;
	[tilespmem:$0x147A0] =	vst v63  }
0xf: {  	_ = 	snop  }
0x10: {  	[tilespmem:s13], [sflag:$0x2] =	stream.linear.gather [hbm4b:s8+s4], $0x140, $0x38;
	[tilespmem:$0x147A0] =	vst v63  }
0x11: {  	_ =	swait.ge [sflag:s14], $0x140  }
0x12: {  	[sflag:s14] =	ssyncset.done $0x0  }
0x13: {  	[sflag:s14] =	ssyncadd.s32 $0xFFFFFEC0  }
0x14: {  	v0 =	vld [tilespmem:$0x0]  }
0x15: {  	v1 =	vld [tilespmem:$0x10]  }
0x16: {  	v2 =	vld [tilespmem:$0x20]  }
0x17: {  	v3 =	vld [tilespmem:$0x30]  }
0x18: {  	v5 =	vld [tilespmem:$0x40]  }
0x19: {  	v7 =	vld [tilespmem:$0x50]  }
0x1a: {  	v11 =	vld [tilespmem:$0x60]  }
0x1b: {  	v13 =	vld [tilespmem:$0x70]  }
0x1c: {  	v17 =	vld [tilespmem:$0x80]  }
0x1d: {  	v36 =	vld [tilespmem:$0x90]  }
0x1e: {  	v52 =	vld [tilespmem:$0xC0]  }
0x1f: {  	v57 =	vld [tilespmem:$0xD0]  }
0x20: {  	v62 =	vld [tilespmem:$0xE0];
	v0 =	vmul.f32 $2.047000000e+03, v0  }
0x21: {  	v20 =	vld [tilespmem:$0xF0];
	v1 =	vmul.f32 $2.047000000e+03, v1;
	v2 =	vmul.f32 $2.047000000e+03, v2  }
0x22: {  	v32 =	vld [tilespmem:$0x110];
	v3 =	vmul.f32 $2.047000000e+03, v3;
	v5 =	vmul.f32 $2.047000000e+03, v5  }
0x23: {  	v7 =	vmul.f32 $2.047000000e+03, v7;
	v11 =	vmul.f32 $2.047000000e+03, v11  }
0x24: {  	v37 =	vmul.f32 $2.047000000e+03, v13;
	v42 =	vmul.f32 $2.047000000e+03, v17  }
0x25: {  	v41 =	vld [tilespmem:$0xA0];
	v46 =	vmul.f32 $2.047000000e+03, v36;
	v61 =	vmul.f32 $2.047000000e+03, v52  }
0x26: {  	v19 =	vmul.f32 $2.047000000e+03, v57;
	v25 =	vmul.f32 $2.047000000e+03, v62  }
0x27: {  	v31 =	vmul.f32 $2.047000000e+03, v20;
	v13 =	vmul.f32 $2.047000000e+03, v32  }
0x28: {  	v0 =	vmax.f32 v0, $0.0e+00;
	v1 =	vmax.f32 v1, $0.0e+00;
	v2 =	vmax.f32 v2, $0.0e+00  }
0x29: {  	v3 =	vmax.f32 v3, $0.0e+00;
	v5 =	vmax.f32 v5, $0.0e+00;
	v7 =	vmax.f32 v7, $0.0e+00  }
0x2a: {  	v40 =	vmax.f32 v11, $0.0e+00;
	v11 =	vmul.f32 $2.047000000e+03, v41;
	v0 =	vmin.f32 v0, $2.047000000e+03  }
0x2b: {  	v1 =	vmin.f32 v1, $2.047000000e+03;
	v2 =	vmin.f32 v2, $2.047000000e+03;
	v3 =	vmin.f32 v3, $2.047000000e+03  }
0x2c: {  	v5 =	vmin.f32 v5, $2.047000000e+03;
	v4 =	vtrunc.f32 v0;
	v8 =	vtrunc.f32 v1  }
0x2d: {  	v7 =	vmin.f32 v7, $2.047000000e+03;
	v9 =	vtrunc.f32 v2;
	v10 =	vtrunc.f32 v3  }
0x2e: {  	v12 =	vtrunc.f32 v5;
	v18 =	vtrunc.f32 v7  }
0x2f: {  	v4 =	vcvt.f32.s32 v4;
	v8 =	vcvt.f32.s32 v8  }
0x30: {  	v11 =	vmax.f32 v11, $0.0e+00;
	v9 =	vcvt.f32.s32 v9;
	v10 =	vcvt.f32.s32 v10  }
0x31: {  	v12 =	vcvt.f32.s32 v12;
	v35 =	vcvt.f32.s32 v18;
	v11 =	vmin.f32 v11, $2.047000000e+03;
	[tilespmem:$0x280] =	vst v4  }
0x32: {  	v58 =	vtrunc.f32 v11;
	v6 =	vcvt.s32.f32 v4;
	[tilespmem:$0x290] =	vst v8  }
0x33: {  	v50 =	vld [tilespmem:$0xB0];
	v14 =	vcvt.s32.f32 v8;
	v15 =	vcvt.s32.f32 v9;
	[tilespmem:$0x2A0] =	vst v9  }
0x34: {  	v16 =	vcvt.s32.f32 v10;
	v34 =	vcvt.s32.f32 v12;
	[tilespmem:$0x2B0] =	vst v10  }
0x35: {  	v39 =	vcvt.s32.f32 v35;
	v4 =	vmax.f32 v37, $0.0e+00;
	[tilespmem:$0x2C0] =	vst v12;
	v60 =	vcvt.f32.s32 v58  }
0x36: {  	v24 =	vld [tilespmem:$0x100];
	v8 =	vmax.f32 v42, $0.0e+00;
	v9 =	vmax.f32 v46, $0.0e+00;
	[tilespmem:$0x2D0] =	vst v35;
	v0 =	vsub.f32 v0, v6  }
0x37: {  	v4 =	vmin.f32 v4, $2.047000000e+03;
	v49 =	vmin.f32 v8, $2.047000000e+03;
	v1 =	vsub.f32 v1, v14;
	[tilespmem:$0x320] =	vst v60  }
0x38: {  	v9 =	vmin.f32 v9, $2.047000000e+03;
	v8 =	vmul.f32 $2.047000000e+03, v50;
	v2 =	vsub.f32 v2, v15;
	[tilespmem:$0x500] =	vst v0  }
0x39: {  	v41 =	vld [tilespmem:$0x130];
	v3 =	vsub.f32 v3, v16;
	v38 =	vsub.f32 v5, v34;
	v45 =	vtrunc.f32 v4;
	[tilespmem:$0x510] =	vst v1  }
0x3a: {  	v6 =	vmin.f32 v40, $2.047000000e+03;
	v51 =	vtrunc.f32 v49;
	v55 =	vtrunc.f32 v9;
	[tilespmem:$0x520] =	vst v2  }
0x3b: {  	v43 =	vsub.f32 v7, v39;
	v17 =	vcvt.s32.f32 v60;
	v34 =	vmul.f32 $2.047000000e+03, v24;
	[tilespmem:$0x530] =	vst v3  }
0x3c: {  	v44 =	vtrunc.f32 v6;
	v48 =	vcvt.f32.s32 v45;
	[tilespmem:$0x540] =	vst v38  }
0x3d: {  	v10 =	vcvt.f32.s32 v51;
	v15 =	vcvt.f32.s32 v55;
	v14 =	vmax.f32 v8, $0.0e+00;
	[tilespmem:$0x550] =	vst v43  }
0x3e: {  	v8 =	vmax.f32 v19, $0.0e+00;
	v51 =	vmul.f32 $2.047000000e+03, v41;
	v47 =	vcvt.f32.s32 v44;
	[tilespmem:$0x2F0] =	vst v48  }
0x3f: {  	v37 =	vld [tilespmem:$0x120];
	v7 =	vmin.f32 v14, $2.047000000e+03;
	v26 =	vsub.f32 v11, v17;
	v54 =	vcvt.s32.f32 v48;
	[tilespmem:$0x300] =	vst v10  }
0x40: {  	v8 =	vmin.f32 v8, $2.047000000e+03;
	v56 =	vcvt.s32.f32 v10;
	v18 =	vtrunc.f32 v7;
	[tilespmem:$0x310] =	vst v15  }
0x41: {  	v36 =	vmax.f32 v31, $0.0e+00;
	v29 =	vtrunc.f32 v8;
	[tilespmem:$0x2E0] =	vst v47;
	v22 =	vcvt.f32.s32 v18  }
0x42: {  	v63 =	vcvt.s32.f32 v15;
	v10 =	vmax.f32 v25, $0.0e+00;
	v30 =	vcvt.f32.s32 v29;
	[tilespmem:$0x5A0] =	vst v26  }
0x43: {  	v53 =	vcvt.s32.f32 v47;
	v10 =	vmin.f32 v10, $2.047000000e+03;
	v59 =	vsub.f32 v4, v54;
	[tilespmem:$0x330] =	vst v22  }
0x44: {  	v47 =	vmul.f32 $2.047000000e+03, v37;
	v0 =	vsub.f32 v49, v56;
	v21 =	vsub.f32 v9, v63;
	[tilespmem:$0x350] =	vst v30  }
0x45: {  	v33 =	vtrunc.f32 v10;
	v3 =	vsub.f32 v6, v53;
	v6 =	vmax.f32 v61, $0.0e+00;
	[tilespmem:$0x570] =	vst v59  }
0x46: {  	v27 =	vcvt.s32.f32 v22;
	v4 =	vcvt.f32.s32 v33;
	v6 =	vmin.f32 v6, $2.047000000e+03;
	[tilespmem:$0x580] =	vst v0  }
0x47: {  	v46 =	vmax.f32 v13, $0.0e+00;
	v38 =	vcvt.s32.f32 v30;
	[tilespmem:$0x590] =	vst v21;
	v23 =	vtrunc.f32 v6  }
0x48: {  	[tilespmem:$0x560] =	vst v3;
	v3 =	vsub.f32 v7, v27;
	v7 =	vmax.f32 v34, $0.0e+00;
	v5 =	vcvt.f32.s32 v23  }
0x49: {  	v39 =	vcvt.s32.f32 v4;
	v43 =	vsub.f32 v8, v38;
	[tilespmem:$0x360] =	vst v4;
	v7 =	vmin.f32 v7, $2.047000000e+03  }
0x4a: {  	[tilespmem:$0x5B0] =	vst v3;
	v42 =	vtrunc.f32 v7;
	v3 =	vmin.f32 v46, $2.047000000e+03;
	v28 =	vcvt.s32.f32 v5  }
0x4b: {  	v45 =	vsub.f32 v10, v39;
	[tilespmem:$0x340] =	vst v5;
	v5 =	vcvt.f32.s32 v42;
	v50 =	vtrunc.f32 v3  }
0x4c: {  	[tilespmem:$0x5D0] =	vst v43;
	v52 =	vcvt.f32.s32 v50;
	v35 =	vsub.f32 v6, v28;
	v6 =	vmin.f32 v36, $2.047000000e+03  }
0x4d: {  	[tilespmem:$0x5E0] =	vst v45;
	v49 =	vcvt.s32.f32 v5;
	v40 =	vtrunc.f32 v6  }
0x4e: {  	v56 =	vmax.f32 v51, $0.0e+00;
	[tilespmem:$0x380] =	vst v5;
	v44 =	vcvt.f32.s32 v40  }
0x4f: {  	v8 =	vmax.f32 v47, $0.0e+00;
	[tilespmem:$0x390] =	vst v52;
	v54 =	vsub.f32 v7, v49;
	v7 =	vmin.f32 v56, $2.047000000e+03  }
0x50: {  	v53 =	vmin.f32 v8, $2.047000000e+03;
	[tilespmem:$0x5C0] =	vst v35;
	v58 =	vtrunc.f32 v7;
	v48 =	vcvt.s32.f32 v44  }
0x51: {  	v55 =	vtrunc.f32 v53;
	[tilespmem:$0x370] =	vst v44;
	v60 =	vcvt.f32.s32 v58  }
0x52: {  	v57 =	vcvt.s32.f32 v52;
	[tilespmem:$0x600] =	vst v54;
	v0 =	vsub.f32 v6, v48;
	v6 =	vcvt.f32.s32 v55  }
0x53: {  	v62 =	vcvt.s32.f32 v60;
	[tilespmem:$0x3B0] =	vst v60  }
0x54: {  	[tilespmem:$0x5F0] =	vst v0;
	v0 =	vsub.f32 v3, v57;
	v59 =	vcvt.s32.f32 v6  }
0x55: {  	[tilespmem:$0x3A0] =	vst v6;
	v63 =	vsub.f32 v7, v62  }
0x56: {  	[tilespmem:$0x610] =	vst v0;
	v61 =	vsub.f32 v53, v59  }
0x57: {  	[tilespmem:$0x630] =	vst v63  }
0x58: {  	s25 =	simm.s32 $0x0;
	[tilespmem:$0x620] =	vst v61  }
0x59: {  	[tilespmem:s16], [sflag:$0x3] =	stream.indirect.gather [hbm4b:s3+s13], $0x80, s15, s13, $0xb8;
	[tilespmem:$0x147A0] =	vst v63  }
.LBB2_2:
0x5a: {  	_ =	swait.ge [sflag:s17], $0x140  }
0x5b: {  	[sflag:s17] =	ssyncset.done $0x0  }
0x5c: {  	[sflag:s17] =	ssyncadd.s32 $0xFFFFFEC0  }
0x5d: {  	v0 =	vld [tilespmem:$0x140]  }
0x5e: {  	v1 =	vld [tilespmem:$0x150]  }
0x5f: {  	v2 =	vld [tilespmem:$0x160]  }
0x60: {  	v3 =	vld [tilespmem:$0x170]  }
0x61: {  	v5 =	vld [tilespmem:$0x180]  }
0x62: {  	v7 =	vld [tilespmem:$0x190]  }
0x63: {  	v11 =	vld [tilespmem:$0x1A0]  }
0x64: {  	v13 =	vld [tilespmem:$0x1B0]  }
0x65: {  	v17 =	vld [tilespmem:$0x1C0]  }
0x66: {  	v36 =	vld [tilespmem:$0x1D0]  }
0x67: {  	v52 =	vld [tilespmem:$0x200]  }
0x68: {  	v57 =	vld [tilespmem:$0x210]  }
0x69: {  	v62 =	vld [tilespmem:$0x220];
	v0 =	vmul.f32 $2.047000000e+03, v0  }
0x6a: {  	v20 =	vld [tilespmem:$0x230];
	v1 =	vmul.f32 $2.047000000e+03, v1;
	v2 =	vmul.f32 $2.047000000e+03, v2  }
0x6b: {  	v32 =	vld [tilespmem:$0x250];
	v3 =	vmul.f32 $2.047000000e+03, v3;
	v5 =	vmul.f32 $2.047000000e+03, v5  }
0x6c: {  	v7 =	vmul.f32 $2.047000000e+03, v7;
	v11 =	vmul.f32 $2.047000000e+03, v11  }
0x6d: {  	v37 =	vmul.f32 $2.047000000e+03, v13;
	v42 =	vmul.f32 $2.047000000e+03, v17  }
0x6e: {  	v41 =	vld [tilespmem:$0x1E0];
	v46 =	vmul.f32 $2.047000000e+03, v36;
	v61 =	vmul.f32 $2.047000000e+03, v52  }
0x6f: {  	v19 =	vmul.f32 $2.047000000e+03, v57;
	v25 =	vmul.f32 $2.047000000e+03, v62  }
0x70: {  	v31 =	vmul.f32 $2.047000000e+03, v20;
	v13 =	vmul.f32 $2.047000000e+03, v32  }
0x71: {  	v0 =	vmax.f32 v0, $0.0e+00;
	v1 =	vmax.f32 v1, $0.0e+00;
	v2 =	vmax.f32 v2, $0.0e+00  }
0x72: {  	v3 =	vmax.f32 v3, $0.0e+00;
	v5 =	vmax.f32 v5, $0.0e+00;
	v7 =	vmax.f32 v7, $0.0e+00  }
0x73: {  	v40 =	vmax.f32 v11, $0.0e+00;
	v11 =	vmul.f32 $2.047000000e+03, v41;
	v0 =	vmin.f32 v0, $2.047000000e+03  }
0x74: {  	v1 =	vmin.f32 v1, $2.047000000e+03;
	v2 =	vmin.f32 v2, $2.047000000e+03;
	v3 =	vmin.f32 v3, $2.047000000e+03  }
0x75: {  	v5 =	vmin.f32 v5, $2.047000000e+03;
	v4 =	vtrunc.f32 v0;
	v8 =	vtrunc.f32 v1  }
0x76: {  	v7 =	vmin.f32 v7, $2.047000000e+03;
	v9 =	vtrunc.f32 v2;
	v10 =	vtrunc.f32 v3  }
0x77: {  	v12 =	vtrunc.f32 v5;
	v18 =	vtrunc.f32 v7  }
0x78: {  	v4 =	vcvt.f32.s32 v4;
	v8 =	vcvt.f32.s32 v8  }
0x79: {  	v11 =	vmax.f32 v11, $0.0e+00;
	v9 =	vcvt.f32.s32 v9;
	v10 =	vcvt.f32.s32 v10  }
0x7a: {  	v12 =	vcvt.f32.s32 v12;
	v35 =	vcvt.f32.s32 v18;
	v11 =	vmin.f32 v11, $2.047000000e+03;
	[tilespmem:$0x3C0] =	vst v4  }
0x7b: {  	v58 =	vtrunc.f32 v11;
	v6 =	vcvt.s32.f32 v4;
	[tilespmem:$0x3D0] =	vst v8  }
0x7c: {  	v50 =	vld [tilespmem:$0x1F0];
	v14 =	vcvt.s32.f32 v8;
	v15 =	vcvt.s32.f32 v9;
	[tilespmem:$0x3E0] =	vst v9  }
0x7d: {  	v16 =	vcvt.s32.f32 v10;
	v34 =	vcvt.s32.f32 v12;
	[tilespmem:$0x3F0] =	vst v10  }
0x7e: {  	v39 =	vcvt.s32.f32 v35;
	v4 =	vmax.f32 v37, $0.0e+00;
	[tilespmem:$0x400] =	vst v12;
	v60 =	vcvt.f32.s32 v58  }
0x7f: {  	v24 =	vld [tilespmem:$0x240];
	v8 =	vmax.f32 v42, $0.0e+00;
	v9 =	vmax.f32 v46, $0.0e+00;
	[tilespmem:$0x410] =	vst v35;
	v0 =	vsub.f32 v0, v6  }
0x80: {  	v4 =	vmin.f32 v4, $2.047000000e+03;
	v49 =	vmin.f32 v8, $2.047000000e+03;
	v1 =	vsub.f32 v1, v14;
	[tilespmem:$0x460] =	vst v60  }
0x81: {  	v9 =	vmin.f32 v9, $2.047000000e+03;
	v8 =	vmul.f32 $2.047000000e+03, v50;
	v2 =	vsub.f32 v2, v15;
	[tilespmem:$0x650] =	vst v0  }
0x82: {  	v41 =	vld [tilespmem:$0x270];
	v3 =	vsub.f32 v3, v16;
	v38 =	vsub.f32 v5, v34;
	v45 =	vtrunc.f32 v4;
	[tilespmem:$0x660] =	vst v1  }
0x83: {  	v6 =	vmin.f32 v40, $2.047000000e+03;
	v51 =	vtrunc.f32 v49;
	v55 =	vtrunc.f32 v9;
	[tilespmem:$0x670] =	vst v2  }
0x84: {  	v43 =	vsub.f32 v7, v39;
	v17 =	vcvt.s32.f32 v60;
	v34 =	vmul.f32 $2.047000000e+03, v24;
	[tilespmem:$0x680] =	vst v3  }
0x85: {  	v44 =	vtrunc.f32 v6;
	v48 =	vcvt.f32.s32 v45;
	[tilespmem:$0x690] =	vst v38  }
0x86: {  	v10 =	vcvt.f32.s32 v51;
	v15 =	vcvt.f32.s32 v55;
	v14 =	vmax.f32 v8, $0.0e+00;
	[tilespmem:$0x6A0] =	vst v43  }
0x87: {  	v8 =	vmax.f32 v19, $0.0e+00;
	v51 =	vmul.f32 $2.047000000e+03, v41;
	v47 =	vcvt.f32.s32 v44;
	[tilespmem:$0x430] =	vst v48  }
0x88: {  	v37 =	vld [tilespmem:$0x260];
	v7 =	vmin.f32 v14, $2.047000000e+03;
	v26 =	vsub.f32 v11, v17;
	v54 =	vcvt.s32.f32 v48;
	[tilespmem:$0x440] =	vst v10  }
0x89: {  	v8 =	vmin.f32 v8, $2.047000000e+03;
	v56 =	vcvt.s32.f32 v10;
	v18 =	vtrunc.f32 v7;
	[tilespmem:$0x450] =	vst v15  }
0x8a: {  	v36 =	vmax.f32 v31, $0.0e+00;
	v29 =	vtrunc.f32 v8;
	[tilespmem:$0x420] =	vst v47;
	v22 =	vcvt.f32.s32 v18  }
0x8b: {  	v63 =	vcvt.s32.f32 v15;
	v10 =	vmax.f32 v25, $0.0e+00;
	v30 =	vcvt.f32.s32 v29;
	[tilespmem:$0x6F0] =	vst v26  }
0x8c: {  	v53 =	vcvt.s32.f32 v47;
	v10 =	vmin.f32 v10, $2.047000000e+03;
	v59 =	vsub.f32 v4, v54;
	[tilespmem:$0x470] =	vst v22  }
0x8d: {  	v47 =	vmul.f32 $2.047000000e+03, v37;
	v0 =	vsub.f32 v49, v56;
	v21 =	vsub.f32 v9, v63;
	[tilespmem:$0x490] =	vst v30  }
0x8e: {  	v33 =	vtrunc.f32 v10;
	v3 =	vsub.f32 v6, v53;
	v6 =	vmax.f32 v61, $0.0e+00;
	[tilespmem:$0x6C0] =	vst v59  }
0x8f: {  	v27 =	vcvt.s32.f32 v22;
	v4 =	vcvt.f32.s32 v33;
	v6 =	vmin.f32 v6, $2.047000000e+03;
	[tilespmem:$0x6D0] =	vst v0  }
0x90: {  	v46 =	vmax.f32 v13, $0.0e+00;
	v38 =	vcvt.s32.f32 v30;
	[tilespmem:$0x6E0] =	vst v21;
	v23 =	vtrunc.f32 v6  }
0x91: {  	[tilespmem:$0x6B0] =	vst v3;
	v3 =	vsub.f32 v7, v27;
	v7 =	vmax.f32 v34, $0.0e+00;
	v5 =	vcvt.f32.s32 v23  }
0x92: {  	v39 =	vcvt.s32.f32 v4;
	v43 =	vsub.f32 v8, v38;
	[tilespmem:$0x4A0] =	vst v4;
	v7 =	vmin.f32 v7, $2.047000000e+03  }
0x93: {  	[tilespmem:$0x700] =	vst v3;
	v42 =	vtrunc.f32 v7;
	v3 =	vmin.f32 v46, $2.047000000e+03;
	v28 =	vcvt.s32.f32 v5  }
0x94: {  	v45 =	vsub.f32 v10, v39;
	[tilespmem:$0x480] =	vst v5;
	v5 =	vcvt.f32.s32 v42;
	v50 =	vtrunc.f32 v3  }
0x95: {  	[tilespmem:$0x720] =	vst v43;
	v52 =	vcvt.f32.s32 v50;
	v35 =	vsub.f32 v6, v28;
	v6 =	vmin.f32 v36, $2.047000000e+03  }
0x96: {  	[tilespmem:$0x730] =	vst v45;
	v49 =	vcvt.s32.f32 v5;
	v40 =	vtrunc.f32 v6  }
0x97: {  	v56 =	vmax.f32 v51, $0.0e+00;
	[tilespmem:$0x4C0] =	vst v5;
	v44 =	vcvt.f32.s32 v40  }
0x98: {  	v8 =	vmax.f32 v47, $0.0e+00;
	[tilespmem:$0x4D0] =	vst v52;
	v54 =	vsub.f32 v7, v49;
	v7 =	vmin.f32 v56, $2.047000000e+03  }
0x99: {  	v53 =	vmin.f32 v8, $2.047000000e+03;
	[tilespmem:$0x710] =	vst v35;
	v58 =	vtrunc.f32 v7;
	v48 =	vcvt.s32.f32 v44  }
0x9a: {  	v55 =	vtrunc.f32 v53;
	[tilespmem:$0x4B0] =	vst v44;
	v60 =	vcvt.f32.s32 v58  }
0x9b: {  	v57 =	vcvt.s32.f32 v52;
	[tilespmem:$0x750] =	vst v54;
	v0 =	vsub.f32 v6, v48;
	v6 =	vcvt.f32.s32 v55  }
0x9c: {  	p0 =	sne.s32 s25, $0x0;
	v62 =	vcvt.s32.f32 v60;
	[tilespmem:$0x4F0] =	vst v60  }
.Ltmp0:
0x9d: {  	[tilespmem:$0x740] =	vst v0;
	v0 =	vsub.f32 v3, v57;
	v59 =	vcvt.s32.f32 v6;
	(pc) =	sbr.rel @!p0 .LBB2_3-.Ltmp0, $4  }
0x9e: {  	[tilespmem:$0x4E0] =	vst v6;
	v63 =	vsub.f32 v7, v62  }
0x9f: {  	[tilespmem:$0x760] =	vst v0;
	v61 =	vsub.f32 v53, v59  }
0xa0: {  	[tilespmem:$0x780] =	vst v63  }
0xa1: {  	[tilespmem:$0x770] =	vst v61  }
0xa2: {  	p1 =	seq.s32 s25, $0x27  }
.Ltmp1:
0xa3: {  	_ = 	snop;
	(pc) =	sbr.rel @p1 .LBB2_6-.Ltmp1, $4  }
.Ltmp2:
0xa4: {  	_ =	swait.ge [sflag:s23], $0x5000;
	(pc) =	sbr.rel @!p1 .LBB2_5-.Ltmp2, $4  }
0xa5: {  	[sflag:s23] =	ssyncset.done $0x0  }
0xa6: {  	p0 =	por $0x1, $0x1;
	[sflag:s23] =	ssyncadd.s32 $0xFFFFB000  }
0xa7: {  	[tilespmem:s19], [sflag:$0x4] =	stream.indirect.gather [hbm4b:s3+s13], $0x80, s18, s13, $0xb8;
	[tilespmem:$0x147A0] =	vst v63  }
0xa8: {  	_ = 	snop  }
.LBB2_3:
0xa9: {  	[tilespmem:s19], [sflag:$0x4] =	stream.indirect.gather [hbm4b:s3+s13], $0x80, s18, s13, $0xb8;
	[tilespmem:$0x147A0] =	vst v63  }
.LBB2_5:
0xaa: {  	s2 =	smul.u32 $0x280, s25;
	_ =	sdelay $0x1  }
0xab: {  	s2 =	sadd.s32 s2, s9  }
0xac: {  	s2 =	sshrl.u32 s2, $0x3  }
0xad: {  	p0 =	por $0x0, $0x0;
	s2 =	sadd.s32 s1, s2  }
0xae: {  	[tilespmem:s4], [sflag:$0x1] =	stream.linear.gather [hbm4b:s2+s4], $0x140, $0x38;
	[tilespmem:$0x147A0] =	vst v63  }
.LBB2_6:
0xaf: {  	_ =	swait.ge [sflag:s20], $0xA000  }
0xb0: {  	[sflag:s20] =	ssyncset.done $0x0  }
0xb1: {  	s28 =	simm.s32 $0x9A0;
	[sflag:s20] =	ssyncadd.s32 $0xFFFF6000  }
0xb2: {  	v0 =	vld [tilespmem:s28+$0xFFFFFE00]  }
0xb3: {  	s26 =	simm.s32 $0x504;
	v1 =	vld [tilespmem:s28+$0xFFFFFE70]  }
0xb4: {  	v2 =	vld.msk [tilespmem:s26+$0xFFFFFFFC ss:$0x0], $0xffff  }
0xb5: {  	v3 =	vld [tilespmem:s28+$0xFFFFFE40]  }
0xb6: {  	v4 =	vld [tilespmem:s28+$0xFFFFFE50]  }
0xb7: {  	v5 =	vld [tilespmem:s28+$0xFFFFFE30]  }
0xb8: {  	v6 =	vld [tilespmem:s28+$0xFFFFFE60]  }
0xb9: {  	v7 =	vld [tilespmem:s28+$0xFFFFFE10]  }
0xba: {  	v8 =	vld [tilespmem:s28+$0xFFFFFE20];
	v1 =	vmul.f32 v1, v2  }
0xbb: {  	v3 =	vmul.f32 v3, v2  }
0xbc: {  	v4 =	vmul.f32 v4, v2;
	v1 =	vadd.f32 v1, v5  }
0xbd: {  	v2 =	vmul.f32 v6, v2;
	v0 =	vadd.f32 v3, v0  }
0xbe: {  	v3 =	vadd.f32 v4, v7;
	[tilespmem:s28+$0xFFFFFE30] =	vst v1  }
0xbf: {  	v6 =	vld [tilespmem:s28+$0xFFFFFEE0];
	v1 =	vadd.f32 v2, v8;
	[tilespmem:s28+$0xFFFFFE00] =	vst v0  }
0xc0: {  	v4 =	vld [tilespmem:s28+$0xFFFFFED0];
	[tilespmem:s28+$0xFFFFFE10] =	vst v3  }
0xc1: {  	v3 =	vld [tilespmem:s28+$0xFFFFFEC0];
	[tilespmem:s28+$0xFFFFFE20] =	vst v1  }
0xc2: {  	v1 =	vld.msk [tilespmem:s26+$0xFFFFFFFD ss:$0x0], $0xffff  }
0xc3: {  	v5 =	vld [tilespmem:s28+$0xFFFFFE80]  }
0xc4: {  	v2 =	vld [tilespmem:s28+$0xFFFFFEF0]  }
0xc5: {  	v0 =	vld [tilespmem:s28+$0xFFFFFE90]  }
0xc6: {  	v7 =	vld [tilespmem:s28+$0xFFFFFEB0]  }
0xc7: {  	v8 =	vld [tilespmem:s28+$0xFFFFFEA0];
	v3 =	vmul.f32 v3, v1  }
0xc8: {  	v4 =	vmul.f32 v4, v1  }
0xc9: {  	v2 =	vmul.f32 v2, v1;
	v3 =	vadd.f32 v3, v5  }
0xca: {  	v1 =	vmul.f32 v6, v1;
	v0 =	vadd.f32 v4, v0  }
0xcb: {  	v2 =	vadd.f32 v2, v7;
	[tilespmem:s28+$0xFFFFFE80] =	vst v3  }
0xcc: {  	v6 =	vld [tilespmem:s28+$0xFFFFFF40];
	v1 =	vadd.f32 v1, v8;
	[tilespmem:s28+$0xFFFFFE90] =	vst v0  }
0xcd: {  	v4 =	vld [tilespmem:s28+$0xFFFFFF70];
	[tilespmem:s28+$0xFFFFFEB0] =	vst v2  }
0xce: {  	[tilespmem:s28+$0xFFFFFEA0] =	vst v1;
	v1 =	vld [tilespmem:s28+$0xFFFFFF50]  }
0xcf: {  	v2 =	vld.msk [tilespmem:s26+$0xFFFFFFFE ss:$0x0], $0xffff  }
0xd0: {  	v5 =	vld [tilespmem:s28+$0xFFFFFF60]  }
0xd1: {  	v0 =	vld [tilespmem:s28+$0xFFFFFF10]  }
0xd2: {  	v3 =	vld [tilespmem:s28+$0xFFFFFF30]  }
0xd3: {  	v7 =	vld [tilespmem:s28+$0xFFFFFF20]  }
0xd4: {  	v8 =	vld [tilespmem:s28+$0xFFFFFF00];
	v1 =	vmul.f32 v1, v2  }
0xd5: {  	v4 =	vmul.f32 v4, v2  }
0xd6: {  	v5 =	vmul.f32 v5, v2;
	v0 =	vadd.f32 v1, v0  }
0xd7: {  	v1 =	vmul.f32 v6, v2;
	v2 =	vadd.f32 v4, v3  }
0xd8: {  	v3 =	vadd.f32 v5, v7;
	[tilespmem:s28+$0xFFFFFF10] =	vst v0  }
0xd9: {  	v4 =	vld [tilespmem:s28+$0xFFFFFFE0];
	v0 =	vadd.f32 v1, v8;
	[tilespmem:s28+$0xFFFFFF30] =	vst v2  }
0xda: {  	v5 =	vld [tilespmem:s28+$0xFFFFFF80];
	[tilespmem:s28+$0xFFFFFF20] =	vst v3  }
0xdb: {  	v3 =	vld [tilespmem:s28+$0xFFFFFFC0];
	[tilespmem:s28+$0xFFFFFF00] =	vst v0  }
0xdc: {  	v2 =	vld.msk [tilespmem:s26+$0xFFFFFFFF ss:$0x0], $0xffff  }
0xdd: {  	v0 =	vld [tilespmem:s28+$0xFFFFFFD0]  }
0xde: {  	v6 =	vld [tilespmem:s28+$0xFFFFFFF0]  }
0xdf: {  	v1 =	vld [tilespmem:s28+$0xFFFFFF90]  }
0xe0: {  	v7 =	vld [tilespmem:s28+$0xFFFFFFA0]  }
0xe1: {  	v8 =	vld [tilespmem:s28+$0xFFFFFFB0];
	v3 =	vmul.f32 v3, v2  }
0xe2: {  	v0 =	vmul.f32 v0, v2  }
0xe3: {  	v4 =	vmul.f32 v4, v2;
	v3 =	vadd.f32 v3, v5  }
0xe4: {  	v2 =	vmul.f32 v6, v2;
	v0 =	vadd.f32 v0, v1  }
0xe5: {  	v1 =	vadd.f32 v4, v7;
	[tilespmem:s28+$0xFFFFFF80] =	vst v3  }
0xe6: {  	v6 =	vld [tilespmem:s28+$0x70];
	v2 =	vadd.f32 v2, v8;
	[tilespmem:s28+$0xFFFFFF90] =	vst v0  }
0xe7: {  	v4 =	vld [tilespmem:s28+$0x60];
	[tilespmem:s28+$0xFFFFFFA0] =	vst v1  }
0xe8: {  	[tilespmem:s28+$0xFFFFFFB0] =	vst v2;
	v3 =	vld [tilespmem:s28+$0x40]  }
0xe9: {  	v2 =	vld.msk [tilespmem:s26+$0x0 ss:$0x0], $0xffff  }
0xea: {  	v1 =	vld [tilespmem:s28+$0x50]  }
0xeb: {  	v5 =	vld [tilespmem:s28+$0x0]  }
0xec: {  	v0 =	vld [tilespmem:s28+$0x10]  }
0xed: {  	v7 =	vld [tilespmem:s28+$0x20]  }
0xee: {  	v8 =	vld [tilespmem:s28+$0x30];
	v3 =	vmul.f32 v3, v2  }
0xef: {  	v1 =	vmul.f32 v1, v2  }
0xf0: {  	v4 =	vmul.f32 v4, v2;
	v3 =	vadd.f32 v3, v5  }
0xf1: {  	v2 =	vmul.f32 v6, v2;
	v0 =	vadd.f32 v1, v0  }
0xf2: {  	v1 =	vadd.f32 v4, v7;
	[tilespmem:s28+$0x0] =	vst v3  }
0xf3: {  	v6 =	vld [tilespmem:s28+$0x80];
	v2 =	vadd.f32 v2, v8;
	[tilespmem:s28+$0x10] =	vst v0  }
0xf4: {  	v4 =	vld [tilespmem:s28+$0xC0];
	[tilespmem:s28+$0x20] =	vst v1  }
0xf5: {  	[tilespmem:s28+$0x30] =	vst v2;
	v2 =	vld [tilespmem:s28+$0xD0]  }
0xf6: {  	v3 =	vld.msk [tilespmem:s26+$0x1 ss:$0x0], $0xffff  }
0xf7: {  	v5 =	vld [tilespmem:s28+$0xE0]  }
0xf8: {  	v0 =	vld [tilespmem:s28+$0x90]  }
0xf9: {  	v1 =	vld [tilespmem:s28+$0xF0]  }
0xfa: {  	v7 =	vld [tilespmem:s28+$0xA0]  }
0xfb: {  	v8 =	vld [tilespmem:s28+$0xB0];
	v2 =	vmul.f32 v2, v3  }
0xfc: {  	v4 =	vmul.f32 v4, v3  }
0xfd: {  	v5 =	vmul.f32 v5, v3;
	v2 =	vadd.f32 v2, v0  }
0xfe: {  	v3 =	vmul.f32 v1, v3;
	v1 =	vld [tilespmem:s28+$0x110];
	v4 =	vadd.f32 v4, v6  }
0xff: {  	v0 =	vld [tilespmem:s28+$0x100];
	v5 =	vadd.f32 v5, v7;
	[tilespmem:s28+$0x90] =	vst v2  }
0x100: {  	v3 =	vadd.f32 v3, v8;
	v6 =	vld [tilespmem:s28+$0x140];
	[tilespmem:s28+$0x80] =	vst v4  }
0x101: {  	[tilespmem:s28+$0xA0] =	vst v5;
	v2 =	vld [tilespmem:s28+$0x170]  }
0x102: {  	[tilespmem:s28+$0xB0] =	vst v3;
	v4 =	vld [tilespmem:s28+$0x150]  }
0x103: {  	v3 =	vld.msk [tilespmem:s26+$0x2 ss:$0x0], $0xffff  }
0x104: {  	s30 =	simm.s32 $0x0;
	s31 =	simm.s32 $0x9A0;
	s29 =	simm.s32 $0x504;
	v5 =	vld [tilespmem:s28+$0x160]  }
.LBB2_7:
0x105: {  	s30 =	sadd.s32 $0x8, s30;
	v7 =	vld [tilespmem:s28+$0x120];
	s31 =	sadd.s32 $0x400, s31;
	s26 =	sadd.s32 $0x8, s26  }
0x106: {  	p1 =	slt.u32 s30, $0x138;
	v8 =	vld [tilespmem:s28+$0x130];
	_ =	sdelay $0x1  }
0x107: {  	v4 =	vmul.f32 v4, v3;
	v6 =	vmul.f32 v6, v3  }
0x108: {  	v2 =	vmul.f32 v2, v3;
	v5 =	vmul.f32 v5, v3  }
0x109: {  	v1 =	vadd.f32 v4, v1;
	v0 =	vadd.f32 v6, v0;
	v3 =	vld [tilespmem:s28+$0x1F0]  }
0x10a: {  	v4 =	vadd.f32 v5, v7;
	v2 =	vadd.f32 v2, v8;
	v5 =	vld [tilespmem:s28+$0x1E0]  }
0x10b: {  	[tilespmem:s28+$0x100] =	vst v0;
	v6 =	vld [tilespmem:s28+$0x1D0]  }
0x10c: {  	v0 =	vld [tilespmem:s31+$0x100];
	[tilespmem:s28+$0x110] =	vst v1  }
0x10d: {  	v1 =	vld [tilespmem:s31+$0x110];
	[tilespmem:s28+$0x120] =	vst v4  }
0x10e: {  	[tilespmem:s28+$0x130] =	vst v2;
	v2 =	vld [tilespmem:s28+$0x1C0]  }
0x10f: {  	v4 =	vld.msk [tilespmem:s29+$0x3 ss:$0x0], $0xffff;
	s29 =	smov.u32 s26  }
0x110: {  	v7 =	vld [tilespmem:s28+$0x180]  }
0x111: {  	v8 =	vld [tilespmem:s28+$0x1B0]  }
0x112: {  	v9 =	vld [tilespmem:s28+$0x190]  }
0x113: {  	v10 =	vld [tilespmem:s28+$0x1A0];
	_ =	sdelay $0x1  }
0x114: {  	v2 =	vmul.f32 v2, v4;
	v6 =	vmul.f32 v6, v4  }
0x115: {  	v5 =	vmul.f32 v5, v4;
	v3 =	vmul.f32 v3, v4  }
0x116: {  	v2 =	vadd.f32 v2, v7;
	v4 =	vadd.f32 v6, v9  }
0x117: {  	v3 =	vadd.f32 v3, v8;
	v5 =	vadd.f32 v5, v10  }
0x118: {  	v6 =	vld [tilespmem:s31+$0xFFFFFE20];
	[tilespmem:s28+$0x180] =	vst v2  }
0x119: {  	v2 =	vld [tilespmem:s31+$0xFFFFFE00];
	[tilespmem:s28+$0x190] =	vst v4  }
0x11a: {  	v4 =	vld [tilespmem:s31+$0xFFFFFE70];
	[tilespmem:s28+$0x1B0] =	vst v3  }
0x11b: {  	v3 =	vld [tilespmem:s31+$0xFFFFFE60];
	[tilespmem:s28+$0x1A0] =	vst v5;
	s28 =	smov.u32 s31  }
0x11c: {  	v5 =	vld.msk [tilespmem:s26+$0xFFFFFFFC ss:$0x0], $0xffff  }
0x11d: {  	v7 =	vld [tilespmem:s31+$0xFFFFFE40]  }
0x11e: {  	v8 =	vld [tilespmem:s31+$0xFFFFFE50]  }
0x11f: {  	v9 =	vld [tilespmem:s31+$0xFFFFFE30]  }
0x120: {  	v10 =	vld [tilespmem:s31+$0xFFFFFE10];
	_ =	sdelay $0x1  }
0x121: {  	v4 =	vmul.f32 v4, v5;
	v7 =	vmul.f32 v7, v5  }
0x122: {  	v3 =	vmul.f32 v3, v5;
	v8 =	vmul.f32 v8, v5  }
0x123: {  	v2 =	vadd.f32 v7, v2;
	v4 =	vadd.f32 v4, v9  }
0x124: {  	v3 =	vadd.f32 v3, v6;
	v5 =	vadd.f32 v8, v10  }
0x125: {  	[tilespmem:s31+$0xFFFFFE30] =	vst v4;
	v4 =	vld [tilespmem:s31+$0xFFFFFEB0]  }
0x126: {  	[tilespmem:s31+$0xFFFFFE00] =	vst v2;
	v2 =	vld [tilespmem:s31+$0xFFFFFE90]  }
0x127: {  	[tilespmem:s31+$0xFFFFFE10] =	vst v5;
	v5 =	vld [tilespmem:s31+$0xFFFFFEF0]  }
0x128: {  	[tilespmem:s31+$0xFFFFFE20] =	vst v3;
	v3 =	vld [tilespmem:s31+$0xFFFFFED0]  }
0x129: {  	v6 =	vld.msk [tilespmem:s26+$0xFFFFFFFD ss:$0x0], $0xffff  }
0x12a: {  	v7 =	vld [tilespmem:s31+$0xFFFFFEC0]  }
0x12b: {  	v8 =	vld [tilespmem:s31+$0xFFFFFEE0]  }
0x12c: {  	v9 =	vld [tilespmem:s31+$0xFFFFFE80]  }
0x12d: {  	v10 =	vld [tilespmem:s31+$0xFFFFFEA0];
	_ =	sdelay $0x1  }
0x12e: {  	v3 =	vmul.f32 v3, v6;
	v7 =	vmul.f32 v7, v6  }
0x12f: {  	v5 =	vmul.f32 v5, v6;
	v8 =	vmul.f32 v8, v6  }
0x130: {  	v2 =	vadd.f32 v3, v2;
	v6 =	vadd.f32 v7, v9  }
0x131: {  	v4 =	vadd.f32 v5, v4;
	v3 =	vadd.f32 v8, v10  }
0x132: {  	[tilespmem:s31+$0xFFFFFE80] =	vst v6;
	v5 =	vld [tilespmem:s31+$0xFFFFFF30]  }
0x133: {  	[tilespmem:s31+$0xFFFFFE90] =	vst v2;
	v2 =	vld [tilespmem:s31+$0xFFFFFF10]  }
0x134: {  	[tilespmem:s31+$0xFFFFFEB0] =	vst v4;
	v4 =	vld [tilespmem:s31+$0xFFFFFF70]  }
0x135: {  	[tilespmem:s31+$0xFFFFFEA0] =	vst v3;
	v3 =	vld [tilespmem:s31+$0xFFFFFF50]  }
0x136: {  	v6 =	vld.msk [tilespmem:s26+$0xFFFFFFFE ss:$0x0], $0xffff  }
0x137: {  	v7 =	vld [tilespmem:s31+$0xFFFFFF40]  }
0x138: {  	v8 =	vld [tilespmem:s31+$0xFFFFFF60]  }
0x139: {  	v9 =	vld [tilespmem:s31+$0xFFFFFF00]  }
0x13a: {  	v10 =	vld [tilespmem:s31+$0xFFFFFF20];
	_ =	sdelay $0x1  }
0x13b: {  	v3 =	vmul.f32 v3, v6;
	v7 =	vmul.f32 v7, v6  }
0x13c: {  	v4 =	vmul.f32 v4, v6;
	v8 =	vmul.f32 v8, v6  }
0x13d: {  	v2 =	vadd.f32 v3, v2;
	v6 =	vadd.f32 v7, v9  }
0x13e: {  	v4 =	vadd.f32 v4, v5;
	v3 =	vadd.f32 v8, v10  }
0x13f: {  	[tilespmem:s31+$0xFFFFFF10] =	vst v2;
	v2 =	vld [tilespmem:s31+$0xFFFFFFB0]  }
0x140: {  	[tilespmem:s31+$0xFFFFFF30] =	vst v4;
	v4 =	vld [tilespmem:s31+$0xFFFFFF90]  }
0x141: {  	[tilespmem:s31+$0xFFFFFF20] =	vst v3;
	v3 =	vld [tilespmem:s31+$0xFFFFFFF0]  }
0x142: {  	[tilespmem:s31+$0xFFFFFF00] =	vst v6;
	v5 =	vld [tilespmem:s31+$0xFFFFFFD0]  }
0x143: {  	v6 =	vld.msk [tilespmem:s26+$0xFFFFFFFF ss:$0x0], $0xffff  }
0x144: {  	v7 =	vld [tilespmem:s31+$0xFFFFFFC0]  }
0x145: {  	v8 =	vld [tilespmem:s31+$0xFFFFFFE0]  }
0x146: {  	v9 =	vld [tilespmem:s31+$0xFFFFFF80]  }
0x147: {  	v10 =	vld [tilespmem:s31+$0xFFFFFFA0];
	_ =	sdelay $0x1  }
0x148: {  	v5 =	vmul.f32 v5, v6;
	v7 =	vmul.f32 v7, v6  }
0x149: {  	v3 =	vmul.f32 v3, v6;
	v8 =	vmul.f32 v8, v6  }
0x14a: {  	v4 =	vadd.f32 v5, v4;
	v6 =	vadd.f32 v7, v9  }
0x14b: {  	v2 =	vadd.f32 v3, v2;
	v5 =	vadd.f32 v8, v10  }
0x14c: {  	[tilespmem:s31+$0xFFFFFF80] =	vst v6;
	v3 =	vld [tilespmem:s31+$0x30]  }
0x14d: {  	[tilespmem:s31+$0xFFFFFF90] =	vst v4;
	v4 =	vld [tilespmem:s31+$0x10]  }
0x14e: {  	[tilespmem:s31+$0xFFFFFFA0] =	vst v5;
	v5 =	vld [tilespmem:s31+$0x70]  }
0x14f: {  	[tilespmem:s31+$0xFFFFFFB0] =	vst v2;
	v2 =	vld [tilespmem:s31+$0x50]  }
0x150: {  	v6 =	vld.msk [tilespmem:s26+$0x0 ss:$0x0], $0xffff  }
0x151: {  	v7 =	vld [tilespmem:s31+$0x40]  }
0x152: {  	v8 =	vld [tilespmem:s31+$0x60]  }
0x153: {  	v9 =	vld [tilespmem:s31+$0x0]  }
0x154: {  	v10 =	vld [tilespmem:s31+$0x20];
	_ =	sdelay $0x1  }
0x155: {  	v2 =	vmul.f32 v2, v6;
	v7 =	vmul.f32 v7, v6  }
0x156: {  	v5 =	vmul.f32 v5, v6;
	v8 =	vmul.f32 v8, v6  }
0x157: {  	v2 =	vadd.f32 v2, v4;
	v6 =	vadd.f32 v7, v9  }
0x158: {  	v3 =	vadd.f32 v5, v3;
	v4 =	vadd.f32 v8, v10  }
0x159: {  	[tilespmem:s31+$0x0] =	vst v6;
	v5 =	vld [tilespmem:s31+$0xB0]  }
0x15a: {  	[tilespmem:s31+$0x10] =	vst v2;
	v2 =	vld [tilespmem:s31+$0x90]  }
0x15b: {  	[tilespmem:s31+$0x20] =	vst v4;
	v4 =	vld [tilespmem:s31+$0xF0]  }
0x15c: {  	[tilespmem:s31+$0x30] =	vst v3;
	v3 =	vld [tilespmem:s31+$0xD0]  }
0x15d: {  	v6 =	vld.msk [tilespmem:s26+$0x1 ss:$0x0], $0xffff  }
0x15e: {  	v7 =	vld [tilespmem:s31+$0xC0]  }
0x15f: {  	v8 =	vld [tilespmem:s31+$0xE0]  }
0x160: {  	v9 =	vld [tilespmem:s31+$0x80]  }
0x161: {  	v10 =	vld [tilespmem:s31+$0xA0];
	_ =	sdelay $0x1  }
0x162: {  	v3 =	vmul.f32 v3, v6;
	v7 =	vmul.f32 v7, v6  }
0x163: {  	v4 =	vmul.f32 v4, v6;
	v8 =	vmul.f32 v8, v6  }
0x164: {  	v2 =	vadd.f32 v3, v2;
	v6 =	vadd.f32 v7, v9  }
0x165: {  	v4 =	vadd.f32 v4, v5;
	v3 =	vadd.f32 v8, v10  }
0x166: {  	[tilespmem:s31+$0x90] =	vst v2  }
0x167: {  	[tilespmem:s31+$0x80] =	vst v6  }
.Ltmp3:
0x168: {  	[tilespmem:s31+$0xA0] =	vst v3;
	v2 =	vld [tilespmem:s31+$0x170];
	(pc) =	sbr.rel @p1 .LBB2_7-.Ltmp3, $4  }
0x169: {  	[tilespmem:s31+$0xB0] =	vst v4;
	v4 =	vld [tilespmem:s31+$0x150]  }
0x16a: {  	v3 =	vld.msk [tilespmem:s26+$0x2 ss:$0x0], $0xffff  }
0x16b: {  	v6 =	vld [tilespmem:s31+$0x140]  }
0x16c: {  	v5 =	vld [tilespmem:s31+$0x160]  }
0x16d: {  	_ = 	snop  }
0x16e: {  	v8 =	vld [tilespmem:s28+$0x130]  }
0x16f: {  	v7 =	vld [tilespmem:s28+$0x120];
	v4 =	vmul.f32 v4, v3  }
0x170: {  	v6 =	vmul.f32 v6, v3  }
0x171: {  	v2 =	vmul.f32 v2, v3;
	v1 =	vadd.f32 v4, v1  }
0x172: {  	v5 =	vmul.f32 v5, v3;
	v0 =	vadd.f32 v6, v0  }
0x173: {  	v2 =	vadd.f32 v2, v8;
	[tilespmem:s28+$0x110] =	vst v1  }
0x174: {  	v55 =	vld [tilespmem:s28+$0x1F0];
	v54 =	vadd.f32 v5, v7;
	[tilespmem:s28+$0x100] =	vst v0  }
0x175: {  	v56 =	vld [tilespmem:s28+$0x1E0];
	[tilespmem:s28+$0x130] =	vst v2  }
0x176: {  	v57 =	vld [tilespmem:s28+$0x1C0];
	[tilespmem:s28+$0x120] =	vst v54  }
0x177: {  	v3 =	vld.msk [tilespmem:s29+$0x3 ss:$0x0], $0xffff  }
0x178: {  	v58 =	vld [tilespmem:s28+$0x1D0]  }
0x179: {  	v59 =	vld [tilespmem:s28+$0x180]  }
0x17a: {  	v60 =	vld [tilespmem:s28+$0x190]  }
0x17b: {  	v61 =	vld [tilespmem:s28+$0x1B0]  }
0x17c: {  	v62 =	vld [tilespmem:s28+$0x1A0];
	v2 =	vmul.f32 v57, v3  }
0x17d: {  	v4 =	vmul.f32 v58, v3  }
0x17e: {  	s26 =	smul.u32 $0x280, s25;
	v0 =	vmul.f32 v55, v3;
	v2 =	vadd.f32 v2, v59  }
0x17f: {  	v1 =	vmul.f32 v56, v3;
	v63 =	vadd.f32 v4, v60  }
0x180: {  	s2 =	sadd.s32 s5, s26;
	v0 =	vadd.f32 v0, v61;
	[tilespmem:s28+$0x180] =	vst v2  }
0x181: {  	s2 =	sshll.u32 s2, $0x4;
	v1 =	vadd.f32 v1, v62;
	[tilespmem:s28+$0x190] =	vst v63  }
0x182: {  	s30 =	simm.s32 $0x820;
	s2 =	sadd.s32 s6, s2;
	[tilespmem:s28+$0x1B0] =	vst v0  }
0x183: {  	s31 =	sadd.s32 $0x0, s2;
	s29 =	simm.s32 $0x7A0;
	[tilespmem:s28+$0x1A0] =	vst v1;
	s28 =	simm.s32 $0x10  }
.LBB2_9:
0x184: {  	[hbm4b:s31+s4] =	stream.linear.scatter [tilespmem:s29], [sflag:$0x5], $0x40, $0x38;
	[tilespmem:$0x147A0] =	vst v63  }
0x185: {  	s31 =	smov.u32 s28;
	s29 =	smov.u32 s30;
	p1 =	sne.s32 s28, $0x13F0  }
.Ltmp4:
0x186: {  	s28 =	sadd.s32 $0x10, s28;
	(pc) =	sbr.rel @p1 .LBB2_9-.Ltmp4, $2  }
0x187: {  	_ =	sdelay $0x2  }
0x188: {  	s30 =	sadd.s32 $0x80, s30;
	s31 =	sadd.s32 s31, s2  }
.Ltmp5:
0x189: {  	(pc) =	sbr.rel @p0 .LBB2_12-.Ltmp5, $2  }
0x18a: {  	_ =	sdelay $0x2  }
0x18b: {  	[hbm4b:s31+s4] =	stream.linear.scatter [tilespmem:s29], [sflag:$0x5], $0x40, $0x38;
	[tilespmem:$0x147A0] =	vst v63  }
0x18c: {  	_ =	swait.ge [sflag:s14], $0x140  }
0x18d: {  	[sflag:s14] =	ssyncset.done $0x0  }
0x18e: {  	[sflag:s14] =	ssyncadd.s32 $0xFFFFFEC0  }
0x18f: {  	v0 =	vld [tilespmem:$0x0]  }
0x190: {  	v1 =	vld [tilespmem:$0x10]  }
0x191: {  	v2 =	vld [tilespmem:$0x20]  }
0x192: {  	v3 =	vld [tilespmem:$0x30]  }
0x193: {  	v5 =	vld [tilespmem:$0x40]  }
0x194: {  	v7 =	vld [tilespmem:$0x50]  }
0x195: {  	v11 =	vld [tilespmem:$0x60]  }
0x196: {  	v13 =	vld [tilespmem:$0x70]  }
0x197: {  	v17 =	vld [tilespmem:$0x80]  }
0x198: {  	v36 =	vld [tilespmem:$0x90]  }
0x199: {  	v52 =	vld [tilespmem:$0xC0]  }
0x19a: {  	v57 =	vld [tilespmem:$0xD0]  }
0x19b: {  	v62 =	vld [tilespmem:$0xE0];
	v0 =	vmul.f32 $2.047000000e+03, v0  }
0x19c: {  	v20 =	vld [tilespmem:$0xF0];
	v1 =	vmul.f32 $2.047000000e+03, v1;
	v2 =	vmul.f32 $2.047000000e+03, v2  }
0x19d: {  	v32 =	vld [tilespmem:$0x110];
	v3 =	vmul.f32 $2.047000000e+03, v3;
	v5 =	vmul.f32 $2.047000000e+03, v5  }
0x19e: {  	v7 =	vmul.f32 $2.047000000e+03, v7;
	v11 =	vmul.f32 $2.047000000e+03, v11  }
0x19f: {  	v37 =	vmul.f32 $2.047000000e+03, v13;
	v42 =	vmul.f32 $2.047000000e+03, v17  }
0x1a0: {  	v41 =	vld [tilespmem:$0xA0];
	v46 =	vmul.f32 $2.047000000e+03, v36;
	v61 =	vmul.f32 $2.047000000e+03, v52  }
0x1a1: {  	v19 =	vmul.f32 $2.047000000e+03, v57;
	v25 =	vmul.f32 $2.047000000e+03, v62  }
0x1a2: {  	v31 =	vmul.f32 $2.047000000e+03, v20;
	v13 =	vmul.f32 $2.047000000e+03, v32  }
0x1a3: {  	v0 =	vmax.f32 v0, $0.0e+00;
	v1 =	vmax.f32 v1, $0.0e+00;
	v2 =	vmax.f32 v2, $0.0e+00  }
0x1a4: {  	v3 =	vmax.f32 v3, $0.0e+00;
	v5 =	vmax.f32 v5, $0.0e+00;
	v7 =	vmax.f32 v7, $0.0e+00  }
0x1a5: {  	v40 =	vmax.f32 v11, $0.0e+00;
	v11 =	vmul.f32 $2.047000000e+03, v41;
	v0 =	vmin.f32 v0, $2.047000000e+03  }
0x1a6: {  	v1 =	vmin.f32 v1, $2.047000000e+03;
	v2 =	vmin.f32 v2, $2.047000000e+03;
	v3 =	vmin.f32 v3, $2.047000000e+03  }
0x1a7: {  	v5 =	vmin.f32 v5, $2.047000000e+03;
	v4 =	vtrunc.f32 v0;
	v8 =	vtrunc.f32 v1  }
0x1a8: {  	v7 =	vmin.f32 v7, $2.047000000e+03;
	v9 =	vtrunc.f32 v2;
	v10 =	vtrunc.f32 v3  }
0x1a9: {  	v12 =	vtrunc.f32 v5;
	v18 =	vtrunc.f32 v7  }
0x1aa: {  	v4 =	vcvt.f32.s32 v4;
	v8 =	vcvt.f32.s32 v8  }
0x1ab: {  	v11 =	vmax.f32 v11, $0.0e+00;
	v9 =	vcvt.f32.s32 v9;
	v10 =	vcvt.f32.s32 v10  }
0x1ac: {  	v12 =	vcvt.f32.s32 v12;
	v35 =	vcvt.f32.s32 v18;
	v11 =	vmin.f32 v11, $2.047000000e+03;
	[tilespmem:$0x280] =	vst v4  }
0x1ad: {  	v58 =	vtrunc.f32 v11;
	v6 =	vcvt.s32.f32 v4;
	[tilespmem:$0x290] =	vst v8  }
0x1ae: {  	v50 =	vld [tilespmem:$0xB0];
	v14 =	vcvt.s32.f32 v8;
	v15 =	vcvt.s32.f32 v9;
	[tilespmem:$0x2A0] =	vst v9  }
0x1af: {  	v16 =	vcvt.s32.f32 v10;
	v34 =	vcvt.s32.f32 v12;
	[tilespmem:$0x2B0] =	vst v10  }
0x1b0: {  	v39 =	vcvt.s32.f32 v35;
	v4 =	vmax.f32 v37, $0.0e+00;
	[tilespmem:$0x2C0] =	vst v12;
	v60 =	vcvt.f32.s32 v58  }
0x1b1: {  	v24 =	vld [tilespmem:$0x100];
	v8 =	vmax.f32 v42, $0.0e+00;
	v9 =	vmax.f32 v46, $0.0e+00;
	[tilespmem:$0x2D0] =	vst v35;
	v0 =	vsub.f32 v0, v6  }
0x1b2: {  	v4 =	vmin.f32 v4, $2.047000000e+03;
	v49 =	vmin.f32 v8, $2.047000000e+03;
	v1 =	vsub.f32 v1, v14;
	[tilespmem:$0x320] =	vst v60  }
0x1b3: {  	v9 =	vmin.f32 v9, $2.047000000e+03;
	v8 =	vmul.f32 $2.047000000e+03, v50;
	v2 =	vsub.f32 v2, v15;
	[tilespmem:$0x500] =	vst v0  }
0x1b4: {  	v41 =	vld [tilespmem:$0x130];
	v3 =	vsub.f32 v3, v16;
	v38 =	vsub.f32 v5, v34;
	v45 =	vtrunc.f32 v4;
	[tilespmem:$0x510] =	vst v1  }
0x1b5: {  	v6 =	vmin.f32 v40, $2.047000000e+03;
	v51 =	vtrunc.f32 v49;
	v55 =	vtrunc.f32 v9;
	[tilespmem:$0x520] =	vst v2  }
0x1b6: {  	v43 =	vsub.f32 v7, v39;
	v17 =	vcvt.s32.f32 v60;
	v34 =	vmul.f32 $2.047000000e+03, v24;
	[tilespmem:$0x530] =	vst v3  }
0x1b7: {  	v44 =	vtrunc.f32 v6;
	v48 =	vcvt.f32.s32 v45;
	[tilespmem:$0x540] =	vst v38  }
0x1b8: {  	v10 =	vcvt.f32.s32 v51;
	v15 =	vcvt.f32.s32 v55;
	v14 =	vmax.f32 v8, $0.0e+00;
	[tilespmem:$0x550] =	vst v43  }
0x1b9: {  	v8 =	vmax.f32 v19, $0.0e+00;
	v51 =	vmul.f32 $2.047000000e+03, v41;
	v47 =	vcvt.f32.s32 v44;
	[tilespmem:$0x2F0] =	vst v48  }
0x1ba: {  	v37 =	vld [tilespmem:$0x120];
	v7 =	vmin.f32 v14, $2.047000000e+03;
	v26 =	vsub.f32 v11, v17;
	v54 =	vcvt.s32.f32 v48;
	[tilespmem:$0x300] =	vst v10  }
0x1bb: {  	v8 =	vmin.f32 v8, $2.047000000e+03;
	v56 =	vcvt.s32.f32 v10;
	v18 =	vtrunc.f32 v7;
	[tilespmem:$0x310] =	vst v15  }
0x1bc: {  	v36 =	vmax.f32 v31, $0.0e+00;
	v29 =	vtrunc.f32 v8;
	[tilespmem:$0x2E0] =	vst v47;
	v22 =	vcvt.f32.s32 v18  }
0x1bd: {  	v63 =	vcvt.s32.f32 v15;
	v10 =	vmax.f32 v25, $0.0e+00;
	v30 =	vcvt.f32.s32 v29;
	[tilespmem:$0x5A0] =	vst v26  }
0x1be: {  	v53 =	vcvt.s32.f32 v47;
	v10 =	vmin.f32 v10, $2.047000000e+03;
	v59 =	vsub.f32 v4, v54;
	[tilespmem:$0x330] =	vst v22  }
0x1bf: {  	v47 =	vmul.f32 $2.047000000e+03, v37;
	v0 =	vsub.f32 v49, v56;
	v21 =	vsub.f32 v9, v63;
	[tilespmem:$0x350] =	vst v30  }
0x1c0: {  	v33 =	vtrunc.f32 v10;
	v3 =	vsub.f32 v6, v53;
	v6 =	vmax.f32 v61, $0.0e+00;
	[tilespmem:$0x570] =	vst v59  }
0x1c1: {  	v27 =	vcvt.s32.f32 v22;
	v4 =	vcvt.f32.s32 v33;
	v6 =	vmin.f32 v6, $2.047000000e+03;
	[tilespmem:$0x580] =	vst v0  }
0x1c2: {  	v46 =	vmax.f32 v13, $0.0e+00;
	v38 =	vcvt.s32.f32 v30;
	[tilespmem:$0x590] =	vst v21;
	v23 =	vtrunc.f32 v6  }
0x1c3: {  	[tilespmem:$0x560] =	vst v3;
	v3 =	vsub.f32 v7, v27;
	v7 =	vmax.f32 v34, $0.0e+00;
	v5 =	vcvt.f32.s32 v23  }
0x1c4: {  	v39 =	vcvt.s32.f32 v4;
	v43 =	vsub.f32 v8, v38;
	[tilespmem:$0x360] =	vst v4;
	v7 =	vmin.f32 v7, $2.047000000e+03  }
0x1c5: {  	[tilespmem:$0x5B0] =	vst v3;
	v42 =	vtrunc.f32 v7;
	v3 =	vmin.f32 v46, $2.047000000e+03;
	v28 =	vcvt.s32.f32 v5  }
0x1c6: {  	v45 =	vsub.f32 v10, v39;
	[tilespmem:$0x340] =	vst v5;
	v5 =	vcvt.f32.s32 v42;
	v50 =	vtrunc.f32 v3  }
0x1c7: {  	[tilespmem:$0x5D0] =	vst v43;
	v52 =	vcvt.f32.s32 v50;
	v35 =	vsub.f32 v6, v28;
	v6 =	vmin.f32 v36, $2.047000000e+03  }
0x1c8: {  	[tilespmem:$0x5E0] =	vst v45;
	v49 =	vcvt.s32.f32 v5;
	v40 =	vtrunc.f32 v6  }
0x1c9: {  	v56 =	vmax.f32 v51, $0.0e+00;
	[tilespmem:$0x380] =	vst v5;
	v44 =	vcvt.f32.s32 v40  }
0x1ca: {  	v8 =	vmax.f32 v47, $0.0e+00;
	[tilespmem:$0x390] =	vst v52;
	v54 =	vsub.f32 v7, v49;
	v7 =	vmin.f32 v56, $2.047000000e+03  }
0x1cb: {  	v53 =	vmin.f32 v8, $2.047000000e+03;
	[tilespmem:$0x5C0] =	vst v35;
	v58 =	vtrunc.f32 v7;
	v48 =	vcvt.s32.f32 v44  }
0x1cc: {  	v55 =	vtrunc.f32 v53;
	[tilespmem:$0x370] =	vst v44;
	v60 =	vcvt.f32.s32 v58  }
0x1cd: {  	v57 =	vcvt.s32.f32 v52;
	[tilespmem:$0x600] =	vst v54;
	v0 =	vsub.f32 v6, v48;
	v6 =	vcvt.f32.s32 v55  }
0x1ce: {  	v62 =	vcvt.s32.f32 v60;
	[tilespmem:$0x3B0] =	vst v60  }
0x1cf: {  	[tilespmem:$0x5F0] =	vst v0;
	v0 =	vsub.f32 v3, v57;
	v59 =	vcvt.s32.f32 v6  }
0x1d0: {  	[tilespmem:$0x3A0] =	vst v6;
	v63 =	vsub.f32 v7, v62  }
0x1d1: {  	[tilespmem:$0x610] =	vst v0;
	v61 =	vsub.f32 v53, v59  }
0x1d2: {  	[tilespmem:$0x630] =	vst v63  }
0x1d3: {  	[tilespmem:$0x620] =	vst v61  }
0x1d4: {  	_ =	swait.ge [sflag:s22], $0x5000  }
0x1d5: {  	s2 =	sadd.s32 s26, s10;
	[sflag:s22] =	ssyncset.done $0x0  }
0x1d6: {  	s2 =	sshrl.u32 s2, $0x3;
	[sflag:s22] =	ssyncadd.s32 $0xFFFFB000  }
0x1d7: {  	[tilespmem:s16], [sflag:$0x3] =	stream.indirect.gather [hbm4b:s3+s13], $0x80, s15, s13, $0xb8;
	[tilespmem:$0x147A0] =	vst v63  }
0x1d8: {  	s2 =	sadd.s32 s1, s2  }
0x1d9: {  	[tilespmem:s13], [sflag:$0x2] =	stream.linear.gather [hbm4b:s2+s4], $0x140, $0x38;
	[tilespmem:$0x147A0] =	vst v63  }
.LBB2_12:
0x1da: {  	_ =	swait.ge [sflag:s21], $0xA000  }
0x1db: {  	[sflag:s21] =	ssyncset.done $0x0  }
0x1dc: {  	s28 =	simm.s32 $0xA9A0;
	[sflag:s21] =	ssyncadd.s32 $0xFFFF6000  }
0x1dd: {  	v0 =	vld [tilespmem:s28+$0xFFFFFE00]  }
0x1de: {  	s29 =	simm.s32 $0x654;
	v1 =	vld [tilespmem:s28+$0xFFFFFE70]  }
0x1df: {  	v2 =	vld.msk [tilespmem:s29+$0xFFFFFFFC ss:$0x0], $0xffff  }
0x1e0: {  	v3 =	vld [tilespmem:s28+$0xFFFFFE40]  }
0x1e1: {  	v4 =	vld [tilespmem:s28+$0xFFFFFE50]  }
0x1e2: {  	v5 =	vld [tilespmem:s28+$0xFFFFFE30]  }
0x1e3: {  	v6 =	vld [tilespmem:s28+$0xFFFFFE60]  }
0x1e4: {  	v7 =	vld [tilespmem:s28+$0xFFFFFE10]  }
0x1e5: {  	v8 =	vld [tilespmem:s28+$0xFFFFFE20];
	v1 =	vmul.f32 v1, v2  }
0x1e6: {  	v3 =	vmul.f32 v3, v2  }
0x1e7: {  	v4 =	vmul.f32 v4, v2;
	v1 =	vadd.f32 v1, v5  }
0x1e8: {  	v2 =	vmul.f32 v6, v2;
	v0 =	vadd.f32 v3, v0  }
0x1e9: {  	v3 =	vadd.f32 v4, v7;
	[tilespmem:s28+$0xFFFFFE30] =	vst v1  }
0x1ea: {  	v6 =	vld [tilespmem:s28+$0xFFFFFEE0];
	v1 =	vadd.f32 v2, v8;
	[tilespmem:s28+$0xFFFFFE00] =	vst v0  }
0x1eb: {  	v4 =	vld [tilespmem:s28+$0xFFFFFED0];
	[tilespmem:s28+$0xFFFFFE10] =	vst v3  }
0x1ec: {  	v3 =	vld [tilespmem:s28+$0xFFFFFEC0];
	[tilespmem:s28+$0xFFFFFE20] =	vst v1  }
0x1ed: {  	v1 =	vld.msk [tilespmem:s29+$0xFFFFFFFD ss:$0x0], $0xffff  }
0x1ee: {  	v5 =	vld [tilespmem:s28+$0xFFFFFE80]  }
0x1ef: {  	v2 =	vld [tilespmem:s28+$0xFFFFFEF0]  }
0x1f0: {  	v0 =	vld [tilespmem:s28+$0xFFFFFE90]  }
0x1f1: {  	v7 =	vld [tilespmem:s28+$0xFFFFFEB0]  }
0x1f2: {  	v8 =	vld [tilespmem:s28+$0xFFFFFEA0];
	v3 =	vmul.f32 v3, v1  }
0x1f3: {  	v4 =	vmul.f32 v4, v1  }
0x1f4: {  	v2 =	vmul.f32 v2, v1;
	v3 =	vadd.f32 v3, v5  }
0x1f5: {  	v1 =	vmul.f32 v6, v1;
	v0 =	vadd.f32 v4, v0  }
0x1f6: {  	v2 =	vadd.f32 v2, v7;
	[tilespmem:s28+$0xFFFFFE80] =	vst v3  }
0x1f7: {  	v6 =	vld [tilespmem:s28+$0xFFFFFF40];
	v1 =	vadd.f32 v1, v8;
	[tilespmem:s28+$0xFFFFFE90] =	vst v0  }
0x1f8: {  	v4 =	vld [tilespmem:s28+$0xFFFFFF70];
	[tilespmem:s28+$0xFFFFFEB0] =	vst v2  }
0x1f9: {  	[tilespmem:s28+$0xFFFFFEA0] =	vst v1;
	v1 =	vld [tilespmem:s28+$0xFFFFFF50]  }
0x1fa: {  	v2 =	vld.msk [tilespmem:s29+$0xFFFFFFFE ss:$0x0], $0xffff  }
0x1fb: {  	v5 =	vld [tilespmem:s28+$0xFFFFFF60]  }
0x1fc: {  	v0 =	vld [tilespmem:s28+$0xFFFFFF10]  }
0x1fd: {  	v3 =	vld [tilespmem:s28+$0xFFFFFF30]  }
0x1fe: {  	v7 =	vld [tilespmem:s28+$0xFFFFFF20]  }
0x1ff: {  	v8 =	vld [tilespmem:s28+$0xFFFFFF00];
	v1 =	vmul.f32 v1, v2  }
0x200: {  	v4 =	vmul.f32 v4, v2  }
0x201: {  	v5 =	vmul.f32 v5, v2;
	v0 =	vadd.f32 v1, v0  }
0x202: {  	v1 =	vmul.f32 v6, v2;
	v2 =	vadd.f32 v4, v3  }
0x203: {  	v3 =	vadd.f32 v5, v7;
	[tilespmem:s28+$0xFFFFFF10] =	vst v0  }
0x204: {  	v4 =	vld [tilespmem:s28+$0xFFFFFFE0];
	v0 =	vadd.f32 v1, v8;
	[tilespmem:s28+$0xFFFFFF30] =	vst v2  }
0x205: {  	v5 =	vld [tilespmem:s28+$0xFFFFFF80];
	[tilespmem:s28+$0xFFFFFF20] =	vst v3  }
0x206: {  	v3 =	vld [tilespmem:s28+$0xFFFFFFC0];
	[tilespmem:s28+$0xFFFFFF00] =	vst v0  }
0x207: {  	v2 =	vld.msk [tilespmem:s29+$0xFFFFFFFF ss:$0x0], $0xffff  }
0x208: {  	v0 =	vld [tilespmem:s28+$0xFFFFFFD0]  }
0x209: {  	v6 =	vld [tilespmem:s28+$0xFFFFFFF0]  }
0x20a: {  	v1 =	vld [tilespmem:s28+$0xFFFFFF90]  }
0x20b: {  	v7 =	vld [tilespmem:s28+$0xFFFFFFA0]  }
0x20c: {  	v8 =	vld [tilespmem:s28+$0xFFFFFFB0];
	v3 =	vmul.f32 v3, v2  }
0x20d: {  	v0 =	vmul.f32 v0, v2  }
0x20e: {  	v4 =	vmul.f32 v4, v2;
	v3 =	vadd.f32 v3, v5  }
0x20f: {  	v2 =	vmul.f32 v6, v2;
	v0 =	vadd.f32 v0, v1  }
0x210: {  	v1 =	vadd.f32 v4, v7;
	[tilespmem:s28+$0xFFFFFF80] =	vst v3  }
0x211: {  	v6 =	vld [tilespmem:s28+$0x70];
	v2 =	vadd.f32 v2, v8;
	[tilespmem:s28+$0xFFFFFF90] =	vst v0  }
0x212: {  	v4 =	vld [tilespmem:s28+$0x60];
	[tilespmem:s28+$0xFFFFFFA0] =	vst v1  }
0x213: {  	[tilespmem:s28+$0xFFFFFFB0] =	vst v2;
	v3 =	vld [tilespmem:s28+$0x40]  }
0x214: {  	v2 =	vld.msk [tilespmem:s29+$0x0 ss:$0x0], $0xffff  }
0x215: {  	v1 =	vld [tilespmem:s28+$0x50]  }
0x216: {  	v5 =	vld [tilespmem:s28+$0x0]  }
0x217: {  	v0 =	vld [tilespmem:s28+$0x10]  }
0x218: {  	v7 =	vld [tilespmem:s28+$0x20]  }
0x219: {  	v8 =	vld [tilespmem:s28+$0x30];
	v3 =	vmul.f32 v3, v2  }
0x21a: {  	v1 =	vmul.f32 v1, v2  }
0x21b: {  	v4 =	vmul.f32 v4, v2;
	v3 =	vadd.f32 v3, v5  }
0x21c: {  	v2 =	vmul.f32 v6, v2;
	v0 =	vadd.f32 v1, v0  }
0x21d: {  	v1 =	vadd.f32 v4, v7;
	[tilespmem:s28+$0x0] =	vst v3  }
0x21e: {  	v6 =	vld [tilespmem:s28+$0x80];
	v2 =	vadd.f32 v2, v8;
	[tilespmem:s28+$0x10] =	vst v0  }
0x21f: {  	v4 =	vld [tilespmem:s28+$0xC0];
	[tilespmem:s28+$0x20] =	vst v1  }
0x220: {  	[tilespmem:s28+$0x30] =	vst v2;
	v2 =	vld [tilespmem:s28+$0xD0]  }
0x221: {  	v3 =	vld.msk [tilespmem:s29+$0x1 ss:$0x0], $0xffff  }
0x222: {  	v5 =	vld [tilespmem:s28+$0xE0]  }
0x223: {  	v0 =	vld [tilespmem:s28+$0x90]  }
0x224: {  	v1 =	vld [tilespmem:s28+$0xF0]  }
0x225: {  	v7 =	vld [tilespmem:s28+$0xA0]  }
0x226: {  	v8 =	vld [tilespmem:s28+$0xB0];
	v2 =	vmul.f32 v2, v3  }
0x227: {  	v4 =	vmul.f32 v4, v3  }
0x228: {  	v5 =	vmul.f32 v5, v3;
	v2 =	vadd.f32 v2, v0  }
0x229: {  	v3 =	vmul.f32 v1, v3;
	v1 =	vld [tilespmem:s28+$0x110];
	v4 =	vadd.f32 v4, v6  }
0x22a: {  	v0 =	vld [tilespmem:s28+$0x100];
	v5 =	vadd.f32 v5, v7;
	[tilespmem:s28+$0x90] =	vst v2  }
0x22b: {  	v3 =	vadd.f32 v3, v8;
	v6 =	vld [tilespmem:s28+$0x140];
	[tilespmem:s28+$0x80] =	vst v4  }
0x22c: {  	[tilespmem:s28+$0xA0] =	vst v5;
	v2 =	vld [tilespmem:s28+$0x170]  }
0x22d: {  	[tilespmem:s28+$0xB0] =	vst v3;
	v4 =	vld [tilespmem:s28+$0x150]  }
0x22e: {  	v3 =	vld.msk [tilespmem:s29+$0x2 ss:$0x0], $0xffff  }
0x22f: {  	s31 =	simm.s32 $0x0;
	s2 =	simm.s32 $0xA9A0;
	s30 =	simm.s32 $0x654;
	v5 =	vld [tilespmem:s28+$0x160]  }
.LBB2_13:
0x230: {  	s31 =	sadd.s32 $0x8, s31;
	v7 =	vld [tilespmem:s28+$0x120];
	s2 =	sadd.s32 $0x400, s2;
	s29 =	sadd.s32 $0x8, s29  }
0x231: {  	p0 =	slt.u32 s31, $0x138;
	v8 =	vld [tilespmem:s28+$0x130];
	_ =	sdelay $0x1  }
0x232: {  	v4 =	vmul.f32 v4, v3;
	v6 =	vmul.f32 v6, v3  }
0x233: {  	v2 =	vmul.f32 v2, v3;
	v5 =	vmul.f32 v5, v3  }
0x234: {  	v1 =	vadd.f32 v4, v1;
	v0 =	vadd.f32 v6, v0;
	v3 =	vld [tilespmem:s28+$0x1F0]  }
0x235: {  	v4 =	vadd.f32 v5, v7;
	v2 =	vadd.f32 v2, v8;
	v5 =	vld [tilespmem:s28+$0x1E0]  }
0x236: {  	[tilespmem:s28+$0x100] =	vst v0;
	v6 =	vld [tilespmem:s28+$0x1D0]  }
0x237: {  	v0 =	vld [tilespmem:s2+$0x100];
	[tilespmem:s28+$0x110] =	vst v1  }
0x238: {  	v1 =	vld [tilespmem:s2+$0x110];
	[tilespmem:s28+$0x120] =	vst v4  }
0x239: {  	[tilespmem:s28+$0x130] =	vst v2;
	v2 =	vld [tilespmem:s28+$0x1C0]  }
0x23a: {  	v4 =	vld.msk [tilespmem:s30+$0x3 ss:$0x0], $0xffff;
	s30 =	smov.u32 s29  }
0x23b: {  	v7 =	vld [tilespmem:s28+$0x180]  }
0x23c: {  	v8 =	vld [tilespmem:s28+$0x1B0]  }
0x23d: {  	v9 =	vld [tilespmem:s28+$0x190]  }
0x23e: {  	v10 =	vld [tilespmem:s28+$0x1A0];
	_ =	sdelay $0x1  }
0x23f: {  	v2 =	vmul.f32 v2, v4;
	v6 =	vmul.f32 v6, v4  }
0x240: {  	v5 =	vmul.f32 v5, v4;
	v3 =	vmul.f32 v3, v4  }
0x241: {  	v2 =	vadd.f32 v2, v7;
	v4 =	vadd.f32 v6, v9  }
0x242: {  	v3 =	vadd.f32 v3, v8;
	v5 =	vadd.f32 v5, v10  }
0x243: {  	v6 =	vld [tilespmem:s2+$0xFFFFFE20];
	[tilespmem:s28+$0x180] =	vst v2  }
0x244: {  	v2 =	vld [tilespmem:s2+$0xFFFFFE00];
	[tilespmem:s28+$0x190] =	vst v4  }
0x245: {  	v4 =	vld [tilespmem:s2+$0xFFFFFE70];
	[tilespmem:s28+$0x1B0] =	vst v3  }
0x246: {  	v3 =	vld [tilespmem:s2+$0xFFFFFE60];
	[tilespmem:s28+$0x1A0] =	vst v5;
	s28 =	smov.u32 s2  }
0x247: {  	v5 =	vld.msk [tilespmem:s29+$0xFFFFFFFC ss:$0x0], $0xffff  }
0x248: {  	v7 =	vld [tilespmem:s2+$0xFFFFFE40]  }
0x249: {  	v8 =	vld [tilespmem:s2+$0xFFFFFE50]  }
0x24a: {  	v9 =	vld [tilespmem:s2+$0xFFFFFE30]  }
0x24b: {  	v10 =	vld [tilespmem:s2+$0xFFFFFE10];
	_ =	sdelay $0x1  }
0x24c: {  	v4 =	vmul.f32 v4, v5;
	v7 =	vmul.f32 v7, v5  }
0x24d: {  	v3 =	vmul.f32 v3, v5;
	v8 =	vmul.f32 v8, v5  }
0x24e: {  	v2 =	vadd.f32 v7, v2;
	v4 =	vadd.f32 v4, v9  }
0x24f: {  	v3 =	vadd.f32 v3, v6;
	v5 =	vadd.f32 v8, v10  }
0x250: {  	[tilespmem:s2+$0xFFFFFE30] =	vst v4;
	v4 =	vld [tilespmem:s2+$0xFFFFFEB0]  }
0x251: {  	[tilespmem:s2+$0xFFFFFE00] =	vst v2;
	v2 =	vld [tilespmem:s2+$0xFFFFFE90]  }
0x252: {  	[tilespmem:s2+$0xFFFFFE10] =	vst v5;
	v5 =	vld [tilespmem:s2+$0xFFFFFEF0]  }
0x253: {  	[tilespmem:s2+$0xFFFFFE20] =	vst v3;
	v3 =	vld [tilespmem:s2+$0xFFFFFED0]  }
0x254: {  	v6 =	vld.msk [tilespmem:s29+$0xFFFFFFFD ss:$0x0], $0xffff  }
0x255: {  	v7 =	vld [tilespmem:s2+$0xFFFFFEC0]  }
0x256: {  	v8 =	vld [tilespmem:s2+$0xFFFFFEE0]  }
0x257: {  	v9 =	vld [tilespmem:s2+$0xFFFFFE80]  }
0x258: {  	v10 =	vld [tilespmem:s2+$0xFFFFFEA0];
	_ =	sdelay $0x1  }
0x259: {  	v3 =	vmul.f32 v3, v6;
	v7 =	vmul.f32 v7, v6  }
0x25a: {  	v5 =	vmul.f32 v5, v6;
	v8 =	vmul.f32 v8, v6  }
0x25b: {  	v2 =	vadd.f32 v3, v2;
	v6 =	vadd.f32 v7, v9  }
0x25c: {  	v4 =	vadd.f32 v5, v4;
	v3 =	vadd.f32 v8, v10  }
0x25d: {  	[tilespmem:s2+$0xFFFFFE80] =	vst v6;
	v5 =	vld [tilespmem:s2+$0xFFFFFF30]  }
0x25e: {  	[tilespmem:s2+$0xFFFFFE90] =	vst v2;
	v2 =	vld [tilespmem:s2+$0xFFFFFF10]  }
0x25f: {  	[tilespmem:s2+$0xFFFFFEB0] =	vst v4;
	v4 =	vld [tilespmem:s2+$0xFFFFFF70]  }
0x260: {  	[tilespmem:s2+$0xFFFFFEA0] =	vst v3;
	v3 =	vld [tilespmem:s2+$0xFFFFFF50]  }
0x261: {  	v6 =	vld.msk [tilespmem:s29+$0xFFFFFFFE ss:$0x0], $0xffff  }
0x262: {  	v7 =	vld [tilespmem:s2+$0xFFFFFF40]  }
0x263: {  	v8 =	vld [tilespmem:s2+$0xFFFFFF60]  }
0x264: {  	v9 =	vld [tilespmem:s2+$0xFFFFFF00]  }
0x265: {  	v10 =	vld [tilespmem:s2+$0xFFFFFF20];
	_ =	sdelay $0x1  }
0x266: {  	v3 =	vmul.f32 v3, v6;
	v7 =	vmul.f32 v7, v6  }
0x267: {  	v4 =	vmul.f32 v4, v6;
	v8 =	vmul.f32 v8, v6  }
0x268: {  	v2 =	vadd.f32 v3, v2;
	v6 =	vadd.f32 v7, v9  }
0x269: {  	v4 =	vadd.f32 v4, v5;
	v3 =	vadd.f32 v8, v10  }
0x26a: {  	[tilespmem:s2+$0xFFFFFF10] =	vst v2;
	v2 =	vld [tilespmem:s2+$0xFFFFFFB0]  }
0x26b: {  	[tilespmem:s2+$0xFFFFFF30] =	vst v4;
	v4 =	vld [tilespmem:s2+$0xFFFFFF90]  }
0x26c: {  	[tilespmem:s2+$0xFFFFFF20] =	vst v3;
	v3 =	vld [tilespmem:s2+$0xFFFFFFF0]  }
0x26d: {  	[tilespmem:s2+$0xFFFFFF00] =	vst v6;
	v5 =	vld [tilespmem:s2+$0xFFFFFFD0]  }
0x26e: {  	v6 =	vld.msk [tilespmem:s29+$0xFFFFFFFF ss:$0x0], $0xffff  }
0x26f: {  	v7 =	vld [tilespmem:s2+$0xFFFFFFC0]  }
0x270: {  	v8 =	vld [tilespmem:s2+$0xFFFFFFE0]  }
0x271: {  	v9 =	vld [tilespmem:s2+$0xFFFFFF80]  }
0x272: {  	v10 =	vld [tilespmem:s2+$0xFFFFFFA0];
	_ =	sdelay $0x1  }
0x273: {  	v5 =	vmul.f32 v5, v6;
	v7 =	vmul.f32 v7, v6  }
0x274: {  	v3 =	vmul.f32 v3, v6;
	v8 =	vmul.f32 v8, v6  }
0x275: {  	v4 =	vadd.f32 v5, v4;
	v6 =	vadd.f32 v7, v9  }
0x276: {  	v2 =	vadd.f32 v3, v2;
	v5 =	vadd.f32 v8, v10  }
0x277: {  	[tilespmem:s2+$0xFFFFFF80] =	vst v6;
	v3 =	vld [tilespmem:s2+$0x30]  }
0x278: {  	[tilespmem:s2+$0xFFFFFF90] =	vst v4;
	v4 =	vld [tilespmem:s2+$0x10]  }
0x279: {  	[tilespmem:s2+$0xFFFFFFA0] =	vst v5;
	v5 =	vld [tilespmem:s2+$0x70]  }
0x27a: {  	[tilespmem:s2+$0xFFFFFFB0] =	vst v2;
	v2 =	vld [tilespmem:s2+$0x50]  }
0x27b: {  	v6 =	vld.msk [tilespmem:s29+$0x0 ss:$0x0], $0xffff  }
0x27c: {  	v7 =	vld [tilespmem:s2+$0x40]  }
0x27d: {  	v8 =	vld [tilespmem:s2+$0x60]  }
0x27e: {  	v9 =	vld [tilespmem:s2+$0x0]  }
0x27f: {  	v10 =	vld [tilespmem:s2+$0x20];
	_ =	sdelay $0x1  }
0x280: {  	v2 =	vmul.f32 v2, v6;
	v7 =	vmul.f32 v7, v6  }
0x281: {  	v5 =	vmul.f32 v5, v6;
	v8 =	vmul.f32 v8, v6  }
0x282: {  	v2 =	vadd.f32 v2, v4;
	v6 =	vadd.f32 v7, v9  }
0x283: {  	v3 =	vadd.f32 v5, v3;
	v4 =	vadd.f32 v8, v10  }
0x284: {  	[tilespmem:s2+$0x0] =	vst v6;
	v5 =	vld [tilespmem:s2+$0xB0]  }
0x285: {  	[tilespmem:s2+$0x10] =	vst v2;
	v2 =	vld [tilespmem:s2+$0x90]  }
0x286: {  	[tilespmem:s2+$0x20] =	vst v4;
	v4 =	vld [tilespmem:s2+$0xF0]  }
0x287: {  	[tilespmem:s2+$0x30] =	vst v3;
	v3 =	vld [tilespmem:s2+$0xD0]  }
0x288: {  	v6 =	vld.msk [tilespmem:s29+$0x1 ss:$0x0], $0xffff  }
0x289: {  	v7 =	vld [tilespmem:s2+$0xC0]  }
0x28a: {  	v8 =	vld [tilespmem:s2+$0xE0]  }
0x28b: {  	v9 =	vld [tilespmem:s2+$0x80]  }
0x28c: {  	v10 =	vld [tilespmem:s2+$0xA0];
	_ =	sdelay $0x1  }
0x28d: {  	v3 =	vmul.f32 v3, v6;
	v7 =	vmul.f32 v7, v6  }
0x28e: {  	v4 =	vmul.f32 v4, v6;
	v8 =	vmul.f32 v8, v6  }
0x28f: {  	v2 =	vadd.f32 v3, v2;
	v6 =	vadd.f32 v7, v9  }
0x290: {  	v4 =	vadd.f32 v4, v5;
	v3 =	vadd.f32 v8, v10  }
0x291: {  	[tilespmem:s2+$0x90] =	vst v2  }
0x292: {  	[tilespmem:s2+$0x80] =	vst v6  }
.Ltmp6:
0x293: {  	[tilespmem:s2+$0xA0] =	vst v3;
	v2 =	vld [tilespmem:s2+$0x170];
	(pc) =	sbr.rel @p0 .LBB2_13-.Ltmp6, $4  }
0x294: {  	[tilespmem:s2+$0xB0] =	vst v4;
	v4 =	vld [tilespmem:s2+$0x150]  }
0x295: {  	v3 =	vld.msk [tilespmem:s29+$0x2 ss:$0x0], $0xffff  }
0x296: {  	v6 =	vld [tilespmem:s2+$0x140]  }
0x297: {  	v5 =	vld [tilespmem:s2+$0x160]  }
0x298: {  	_ = 	snop  }
0x299: {  	v8 =	vld [tilespmem:s28+$0x130]  }
0x29a: {  	v7 =	vld [tilespmem:s28+$0x120];
	v4 =	vmul.f32 v4, v3  }
0x29b: {  	v6 =	vmul.f32 v6, v3  }
0x29c: {  	v2 =	vmul.f32 v2, v3;
	v1 =	vadd.f32 v4, v1  }
0x29d: {  	v5 =	vmul.f32 v5, v3;
	v0 =	vadd.f32 v6, v0  }
0x29e: {  	v2 =	vadd.f32 v2, v8;
	[tilespmem:s28+$0x110] =	vst v1  }
0x29f: {  	v55 =	vld [tilespmem:s28+$0x1F0];
	v54 =	vadd.f32 v5, v7;
	[tilespmem:s28+$0x100] =	vst v0  }
0x2a0: {  	v56 =	vld [tilespmem:s28+$0x1E0];
	[tilespmem:s28+$0x130] =	vst v2  }
0x2a1: {  	v57 =	vld [tilespmem:s28+$0x1C0];
	[tilespmem:s28+$0x120] =	vst v54  }
0x2a2: {  	v3 =	vld.msk [tilespmem:s30+$0x3 ss:$0x0], $0xffff  }
0x2a3: {  	v58 =	vld [tilespmem:s28+$0x1D0]  }
0x2a4: {  	v59 =	vld [tilespmem:s28+$0x180]  }
0x2a5: {  	v60 =	vld [tilespmem:s28+$0x190]  }
0x2a6: {  	v61 =	vld [tilespmem:s28+$0x1B0]  }
0x2a7: {  	v62 =	vld [tilespmem:s28+$0x1A0];
	v2 =	vmul.f32 v57, v3  }
0x2a8: {  	v4 =	vmul.f32 v58, v3  }
0x2a9: {  	v0 =	vmul.f32 v55, v3;
	v2 =	vadd.f32 v2, v59  }
0x2aa: {  	s2 =	sadd.s32 s26, s11;
	v1 =	vmul.f32 v56, v3;
	v63 =	vadd.f32 v4, v60  }
0x2ab: {  	s2 =	sshll.u32 s2, $0x4;
	v0 =	vadd.f32 v0, v61;
	[tilespmem:s28+$0x180] =	vst v2  }
0x2ac: {  	s2 =	sand.u32 $0x1FFFFC00, s2;
	v1 =	vadd.f32 v1, v62;
	[tilespmem:s28+$0x190] =	vst v63  }
0x2ad: {  	s26 =	simm.s32 $0xA7A0;
	s2 =	sadd.s32 s6, s2;
	[tilespmem:s28+$0x1B0] =	vst v0  }
0x2ae: {  	s29 =	simm.s32 $0xA820;
	s30 =	sadd.s32 $0x0, s2;
	[tilespmem:s28+$0x1A0] =	vst v1;
	s28 =	simm.s32 $0x10  }
.LBB2_15:
0x2af: {  	[hbm4b:s30+s4] =	stream.linear.scatter [tilespmem:s26], [sflag:$0x6], $0x40, $0x38;
	[tilespmem:$0x147A0] =	vst v63  }
0x2b0: {  	s30 =	smov.u32 s28;
	s26 =	smov.u32 s29;
	p0 =	sne.s32 s28, $0x13F0  }
.Ltmp7:
0x2b1: {  	s28 =	sadd.s32 $0x10, s28;
	(pc) =	sbr.rel @p0 .LBB2_15-.Ltmp7, $2  }
0x2b2: {  	_ =	sdelay $0x2  }
0x2b3: {  	s29 =	sadd.s32 $0x80, s29;
	s30 =	sadd.s32 s30, s2  }
0x2b4: {  	s25 =	sadd.s32 $0x1, s25  }
0x2b5: {  	p0 =	sne.s32 s25, $0x28  }
.Ltmp8:
0x2b6: {  	_ = 	snop;
	(pc) =	sbr.rel @p0 .LBB2_2-.Ltmp8, $2  }
0x2b7: {  	_ =	sdelay $0x2  }
0x2b8: {  	[hbm4b:s30+s4] =	stream.linear.scatter [tilespmem:s26], [sflag:$0x6], $0x40, $0x38;
	[tilespmem:$0x147A0] =	vst v63  }
0x2b9: {  	s24 =	sadd.s32 $0x1, s24  }
0x2ba: {  	_ =	swait.ge [sflag:s22], $0x5000;
	p0 =	sne.s32 s24, s12  }
.Ltmp9:
0x2bb: {  	[sflag:s22] =	ssyncset.done $0x0;
	(pc) =	sbr.rel @p0 .LBB2_1-.Ltmp9, $4  }
0x2bc: {  	[sflag:s22] =	ssyncadd.s32 $0xFFFFB000  }
0x2bd: {  	_ =	swait.ge [sflag:s23], $0x5000  }
0x2be: {  	[sflag:s23] =	ssyncset.done $0x0  }
0x2bf: {  	[sflag:s23] =	ssyncadd.s32 $0xFFFFB000  }
0x2c0: {  	_ =	sfence.sel $0x180000  }
0x2c1: {  	[bflag:$0x0] =	sbarrier.arrive $0xFFFF  }
0x2c2: {  	_ =	strace $0x90000047  }
0x2c3: {  	[bflag:$0x2] =	sbarrier.arrive $0xFFFF  }
0x2c4: {  	p0 =	sne.s32 s0, $0x0;
	s0 =	rddreg [dreg:$0x3]  }
0x2c5: {  	s0 =	sadd.s32 @!p0 $0x100000, s0  }
0x2c6: {  	[sflag:s0] =	ssyncadd.tile.s32 @!p0 $0x1;
	_ =	shalt  }
.Lfunc_end2:
_tile_overlayer_lowered:
.L_overlay_start_2:
0x2c7: {  	(tag) =	ssettag $0x2  }
0x2c8: {  	s0 =	rddreg [dreg:$0x0];
	s2 =	stileid.u32  }
0x2c9: {  	s1 =	rddreg [dreg:$0x1];
	p0 =	sne.s32 s2, $0x0  }
0x2ca: {  	s3 =	rddreg [dreg:$0x2];
	[bflag:$0x3] =	sbarrier.arrive $0xFFFF;
	s2 =	simm.s32 @!p0 $0x1C07  }
0x2cb: {  	[timem:s3], [sflag:s2] =	dma.local @!p0 [hbm:s0], s1  }
0x2cc: {  	s0 =	simm.s32 @!p0 $0x7  }
0x2cd: {  	_ =	swait.ge @!p0 [sflag:s0], s1  }
0x2ce: {  	s1 =	ssub.s32 @!p0 $0x0, s1;
	[sflag:s0] =	ssyncset.done @!p0 $0x0  }
0x2cf: {  	[sflag:s0] =	ssyncadd.s32 @!p0 s1  }
0x2d0: {  	[bflag:$0x3] =	sbarrier.arrive $0xFFFF  }
0x2d1: {  	_ =	shalt  }

// kernel: sparse-core-data-format-call.cloned.1.call-start
scs
called_computation_lowered:
.L_overlay_start_0:
0x0: {  	s2 =	sld [smem:$0x3FD9]  }
0x1: {  	s3 =	sld [smem:$0x3FFE];
	_ =	sdelay $0x1  }
0x2: {  	s1 =	srdreg.scid  }
0x3: {  	s0 =	sand.u32 $0x1, s1  }
0x4: {  	s18 =	sshll.u32 s0, $0xA;
	s2 =	sadd.s32 s3, s2  }
0x5: {  	s2 =	sadd.s32 s2, s18  }
0x6: {  	[smem:$0x3FC6] =	sst s2  }
0x7: {  	_ = 	snop  }
0x8: {  	s2 =	sld [smem:$0x3FD0];
	(tm) =	ssettm $0x1  }
0x9: {  	s19 =	sld [smem:$0x3FFB];
	_ =	sdelay $0x3  }
0xa: {  	_ =	strace s19  }
0xb: {  	s3 =	sld [smem:$0x3FFC];
	_ =	sdelay $0x3  }
0xc: {  	_ =	strace s3  }
0xd: {  	s3 =	sld [smem:$0x3FFD];
	_ =	sdelay $0x3  }
0xe: {  	_ =	strace s3  }
0xf: {  	_ =	strace $0x8FFFFFFF  }
0x10: {  	s20 =	sld [smem:$0x3FDB];
	_ =	sdelay $0x1  }
0x11: {  	s4 =	simm.s32 $_scs_section_size  }
0x12: {  	s5 =	simm.s32 $_size__tile_overlayer_lowered;
	s6 =	simm.s32 $_tile_overlayer_lowered  }
0x13: {  	s23 =	simm.s32 $0x1BFF;
	s22 =	sshll.u32 s6, $0x1;
	s3 =	sadd.s32 s4, s20  }
0x14: {  	s7 =	simm.s32 $0x0;
	s21 =	sshll.u32 s5, $0x1;
	s5 =	sadd.s32 s22, s3  }
0x15: {  	[timem:s7], [sflag:s23] =	dma.local [hbm:s5], s21  }
0x16: {  	_ =	swait.ge [sflag:s23], s21  }
0x17: {  	s4 =	ssub.s32 $0x0, s21;
	[sflag:s23] =	ssyncset.done $0x0  }
0x18: {  	[sflag:s23] =	ssyncadd.s32 s4;
	_ =	sdelay $0x1  }
0x19: {  	s24 =	simm.s32 $0x1B8B  }
0x1a: {  	_ =	swait.ge [sflag:s24], $0x1  }
0x1b: {  	[sflag:s24] =	ssyncset.done $0x0  }
0x1c: {  	s26 =	simm.s32 $0x1B8E;
	s25 =	sld [smem:$0x3FFE];
	[sflag:s24] =	ssyncadd.s32 $0xFFFFFFFF  }
0x1d: {  	s27 =	simm.s32 $execute0_lowered;
	[smem:$0x3FD2] =	sst s26  }
0x1e: {  	s5 =	sshll.u32 s27, $0x1;
	_ =	strace $0x80000049;
	[dreg:$0x1] =	wrdreg $0xFFFFFFFF  }
0x1f: {  	s28 =	simm.s32 $_size_execute0_lowered;
	s3 =	sadd.s32 s3, s5;
	[dreg:$0x0] =	wrdreg $0x0  }
0x20: {  	s5 =	sshll.u32 s28, $0x1;
	[dreg:$0x2] =	wrdreg s3  }
0x21: {  	[dreg:$0x3] =	wrdreg s5  }
0x22: {  	[dreg:$0x4] =	wrdreg $0xC0  }
0x23: {  	_ =	task [dreg:s7], $0x5FFFF  }
0x24: {  	[dreg:$0x1] =	wrdreg $0xFFFFFFFF  }
0x25: {  	[dreg:$0x0] =	wrdreg $0x60  }
0x26: {  	[dreg:$0x2] =	wrdreg s25  }
0x27: {  	[dreg:$0x3] =	wrdreg s2  }
0x28: {  	[dreg:$0x4] =	wrdreg $0x9  }
0x29: {  	_ =	task.clear_ibuf [dreg:s7], $0x5FFFF;
	_ =	strace $0x90000049  }
0x2a: {  	s29 =	simm.s32 $0x9;
	_ =	strace $0x8000004B  }
0x2b: {  	_ =	swait.ge [sflag:s29], $0x1  }
0x2c: {  	[sflag:s29] =	ssyncadd.s32 $0xFFFFFFFF  }
0x2d: {  	_ =	strace $0x9000004B  }
0x2e: {  	_ =	sfence  }
0x2f: {  	s30 =	sld [smem:$0x0];
	_ =	sdelay $0x2  }
0x30: {  	s31 =	sshll.u32 s1, $0xD;
	s1 =	sshrl.u32 s1, $0x2  }
0x31: {  	s3 =	sand.u32 $0x4000, s31;
	s1 =	sadd.s32 s1, s30  }
0x32: {  	s0 =	sor.u32 s3, s0;
	s1 =	sshll.u32 s1, $0x11  }
0x33: {  	s0 =	sor.u32 s1, s0  }
0x34: {  	s0 =	sadd.s32 $0x8F2B, s0  }
0x35: {  	[sflag:s0] =	ssyncadd.remote.s32 $0x1  }
0x36: {  	_ =	sfence.sel $0xFFFF  }
0x37: {  	[dreg:$0x0] =	wrdreg $0xFFFFFFFF;
	(pc) =	sbr.abs _section_cstart, $3  }
0x38: {  	[dreg:$0x1] =	wrdreg $0xFFFFFFFF  }
0x39: {  	_ =	task.clear_ibuf [dreg:s7], $0x2FFFF;
	_ =	strace $0x9FFFFFFF  }
0x3a: {  	(tm) =	ssettm $0x7FFFFFFF  }
0x3b: {  	_ =	shalt  }
tec
execute0_lowered:
.L_overlay_start_1:
0x0: {  	(tag) =	ssettag $0x1  }
0x1: {  	s0 =	srdreg.scid  }
0x2: {  	s1 =	sshll.u32 s0, $0x4  }
0x3: {  	s4 =	rddreg [dreg:$0x0];
	s0 =	stileid.u32;
	s1 =	sand.u32 $0x10, s1  }
0x4: {  	s2 =	rddreg [dreg:$0x1];
	s7 =	simm.s32 $0x1;
	s1 =	sor.u32 s0, s1  }
0x5: {  	s8 =	simm.s32 $0x2;
	s11 =	simm.s32 $0x0;
	s3 =	sshll.u32 s1, $0x7  }
0x6: {  	s10 =	simm.s32 $0x0;
	s4 =	sadd.s32 $0xA00, s4;
	s6 =	ssub.s32 $0xC8000, s3  }
.Ltmp0:
0x7: {  	s1 =	rddreg [dreg:$0x2];
	s5 =	sand.u32 $0xF80, s6;
	(pc) =	sbr.rel .LBB1_1-.Ltmp0, $4  }
0x8: {  	_ =	strace $0x8000004A;
	s9 =	smov.u32 s3;
	p0 =	sne.s32 s5, $0x0  }
0x9: {  	s6 =	sshrl.u32 s6, $0xC;
	s5 =	simm.s32 $0x1;
	s7 =	simm.s32 @!p0 $0x0  }
0xa: {  	[sflag:s5] =	ssyncpa.u1 $0x0;
	p0 =	por $0x0, $0x0;
	s6 =	sadd.s32 s7, s6  }
0xb: {  	[sflag:s8] =	ssyncpa.u1 $0x0;
	s8 =	simm.s32 $0x640000;
	s7 =	sadd.s32 $0x1, s6  }
.LBB1_4:
0xc: {  	s14 =	sshll.u32 s11, $0x3  }
0xd: {  	s30 =	sand.u32 $0x7F, s11;
	s15 =	sand.u32 $0xFFFFFC00, s14  }
0xe: {  	s11 =	sor.u32 s30, s15  }
0xf: {  	s15 =	smulhi.u32 $0x51EB851F, s11  }
0x10: {  	s14 =	smulhi.u32 $0x51EB851F, s14  }
0x11: {  	s15 =	sshrl.u32 s15, $0x12  }
0x12: {  	s14 =	sshrl.u32 s14, $0x12;
	s15 =	smul.u32 $0xC8000, s15  }
0x13: {  	s14 =	sand.u32 $0x3F, s14  }
0x14: {  	s14 =	smul.u32 $0x19000, s14;
	s11 =	ssub.s32 s11, s15  }
0x15: {  	[tilespmem:s13+$0x810 ss:$0x81] =	vst.msk $0xffff, v2;
	s15 =	sand.u32 $0x7, s11  }
0x16: {  	[tilespmem:s13+$0x1020 ss:$0x81] =	vst.msk $0xffff, v0;
	s14 =	sadd.s32 s2, s14;
	s11 =	sshrl.u32 s11, $0x3;
	s15 =	sshll.u32 s15, $0x12  }
0x17: {  	[tilespmem:s13+$0x0 ss:$0x81] =	vst.msk $0xffff, v1;
	s11 =	sadd.s32 s11, s14;
	s31 =	sor.u32 $0x400, s15  }
0x18: {  	[hbm4b:s11+s31] =	stream.strided.scatter [tilespmem:s12], [sflag:$0x2], $0x2000, s8, s31, $0x20;
	[tilespmem:$0x8080] =	vst v63  }
.LBB1_5:
0x19: {  	s13 =	sadd.s32 $0x1000, s9  }
0x1a: {  	p2 =	sgt.s32 s13, $0xC7FFF  }
0x1b: {  	s13 =	smov.u32 @p2 s3;
	p2 =	sne.s32 s10, s7  }
.Ltmp1:
0x1c: {  	p1 =	slt.u32 s10, $0x2;
	(pc) =	sbr.rel @!p2 .LBB1_6-.Ltmp1, $4  }
0x1d: {  	s12 =	simm.s32 @!p1 $0x2  }
0x1e: {  	s14 =	sadd.s32 $0x1, s10;
	_ =	swait.ge @!p1 [sflag:s12], $0x2000  }
0x1f: {  	s11 =	smov.u32 s9;
	p0 =	por !p0, !p0;
	[sflag:s12] =	ssyncset.done @!p1 $0x0  }
0x20: {  	s10 =	smov.u32 s14;
	s9 =	smov.u32 s13;
	[sflag:s12] =	ssyncadd.s32 @!p1 $0xFFFFE000  }
.LBB1_1:
0x21: {  	p1 =	sge.u32 s10, s6  }
0x22: {  	s12 =	sand.u32 @!p1 $0x1FFFFFF, s9  }
0x23: {  	s13 =	smulhi.u32 @!p1 $0x147AE15, s12;
	_ =	sdelay $0x1  }
0x24: {  	s13 =	sshrl.u32 @!p1 s13, $0xC  }
0x25: {  	s13 =	smul.u32 @!p1 $0xC8000, s13;
	_ =	sdelay $0x1  }
0x26: {  	s31 =	sadd.s32 $0xFFFFFFFF, s10;
	s14 =	sxor.u32 @!p1 $0xFFFFFFFF, s10;
	s12 =	ssub.s32 @!p1 s12, s13  }
0x27: {  	s15 =	simm.s32 @!p1 $0x80;
	s14 =	sshll.u32 @!p1 s14, $0xD;
	s12 =	sshll.u32 @!p1 s12, $0x4  }
0x28: {  	s13 =	sand.u32 @!p1 $0x2000, s14;
	s14 =	simm.s32 @!p1 $0x40;
	s12 =	sadd.s32 @!p1 s4, s12  }
0x29: {  	[tilespmem:s13], [sflag:$0x1] =	stream.strided.gather @!p1 [hbm4b:s12+s14], $0x2000, s15, s14, $0x38;
	[tilespmem:$0x8080] =	vst v63  }
0x2a: {  	p1 =	sge.u32 s31, s6  }
.Ltmp2:
0x2b: {  	_ = 	snop;
	(pc) =	sbr.rel @p1 .LBB1_5-.Ltmp2, $1  }
0x2c: {  	_ =	sdelay $0x3  }
0x2d: {  	s12 =	simm.s32 $0x1  }
0x2e: {  	_ =	swait.ge [sflag:s5], $0x2000;
	s12 =	simm.s32 @!p0 $0x0  }
0x2f: {  	[sflag:s5] =	ssyncset.done $0x0;
	s13 =	sshll.u32 s12, $0xD  }
0x30: {  	[sflag:s5] =	ssyncadd.s32 $0xFFFFE000;
	s16 =	sor.u32 $0x20, s13  }
0x31: {  	s12 =	smul.u32 $0x8100, s12;
	v3 =	vld [tilespmem:s16+$0x10]  }
0x32: {  	s30 =	sand.u32 $0x1, s10;
	v2 =	vld [tilespmem:s16+$0xFFFFFFF0]  }
0x33: {  	s13 =	smul.u32 $0x8100, s30;
	s12 =	sshrl.u32 s12, $0x2;
	v0 =	vld [tilespmem:s16+$0x0]  }
0x34: {  	v1 =	vld [tilespmem:s16+$0xFFFFFFE0];
	s14 =	sor.u32 $0x4000, s12  }
0x35: {  	s31 =	sshrl.u32 s13, $0x2;
	s13 =	sadd.s32 $0x0, s14  }
0x36: {  	s15 =	simm.s32 $0x4;
	s16 =	sadd.s32 $0x40, s16;
	s12 =	sor.u32 $0x4000, s31;
	[tilespmem:s13+$0x1830 ss:$0x81] =	vst.msk $0xffff, v3  }
.LBB1_3:
0x37: {  	v3 =	vld [tilespmem:s16+$0x10];
	p1 =	sne.s32 s15, $0x1FC;
	[tilespmem:s13+$0x810 ss:$0x81] =	vst.msk $0xffff, v2;
	s17 =	smov.u32 s15;
	s15 =	sadd.s32 $0x4, s15  }
.Ltmp3:
0x38: {  	v2 =	vld [tilespmem:s16+$0xFFFFFFF0];
	[tilespmem:s13+$0x1020 ss:$0x81] =	vst.msk $0xffff, v0;
	(pc) =	sbr.rel @p1 .LBB1_3-.Ltmp3, $4  }
0x39: {  	v0 =	vld [tilespmem:s16+$0x0];
	[tilespmem:s13+$0x0 ss:$0x81] =	vst.msk $0xffff, v1  }
0x3a: {  	s13 =	sshra.s32 s17, $0x2;
	v1 =	vld [tilespmem:s16+$0xFFFFFFE0]  }
0x3b: {  	s13 =	sadd.s32 s13, s14  }
0x3c: {  	s16 =	sadd.s32 $0x40, s16;
	[tilespmem:s13+$0x1830 ss:$0x81] =	vst.msk $0xffff, v3  }
.Ltmp4:
0x3d: {  	_ = 	snop;
	(pc) =	sbr.rel .LBB1_4-.Ltmp4, $1  }
0x3e: {  	_ =	sdelay $0x3  }
.LBB1_6:
0x3f: {  	_ =	sfence.sel $0x180000  }
0x40: {  	s2 =	simm.s32 $0x1;
	[bflag:$0x0] =	sbarrier.arrive $0xFFFF  }
0x41: {  	s31 =	simm.s32 $0x2;
	[sflag:s2] =	ssyncpa.u1 $0x1  }
0x42: {  	[sflag:s31] =	ssyncpa.u1 $0x1  }
0x43: {  	p0 =	sne.s32 s0, $0x0;
	_ =	strace $0x9000004A  }
0x44: {  	s0 =	sadd.s32 @!p0 $0x100000, s1;
	[bflag:$0x2] =	sbarrier.arrive $0xFFFF  }
0x45: {  	[sflag:s0] =	ssyncadd.tile.s32 @!p0 $0x1;
	_ =	shalt  }
.Lfunc_end1:
_tile_overlayer_lowered:
.L_overlay_start_2:
0x46: {  	(tag) =	ssettag $0x2  }
0x47: {  	s0 =	rddreg [dreg:$0x0];
	s2 =	stileid.u32  }
0x48: {  	s1 =	rddreg [dreg:$0x1];
	p0 =	sne.s32 s2, $0x0  }
0x49: {  	s3 =	rddreg [dreg:$0x2];
	[bflag:$0x3] =	sbarrier.arrive $0xFFFF;
	s2 =	simm.s32 @!p0 $0x1C01  }
0x4a: {  	[timem:s3], [sflag:s2] =	dma.local @!p0 [hbm:s0], s1  }
0x4b: {  	s0 =	simm.s32 @!p0 $0x1  }
0x4c: {  	_ =	swait.ge @!p0 [sflag:s0], s1  }
0x4d: {  	s1 =	ssub.s32 @!p0 $0x0, s1;
	[sflag:s0] =	ssyncset.done @!p0 $0x0  }
0x4e: {  	[sflag:s0] =	ssyncadd.s32 @!p0 s1  }
0x4f: {  	[bflag:$0x3] =	sbarrier.arrive $0xFFFF  }
0x50: {  	_ =	shalt  }

</sc_bundles>
